<compile_context>
chip_gen: v7x
topology: tpu7x:2x2x1
jax: 0.10.2.dev20260603
libtpu: 0.0.44.dev20260713+nightly
codegen_flags: <defaults>
</compile_context>

<pallas_src>
import functools

import jax
import jax.numpy as jnp
from jax import lax
from jax.experimental import pallas as pl
from jax.experimental.pallas import tpu as pltpu
from jax.experimental.pallas import tpu_sc as plsc

N = 10000
HID = 128
E = 320000
NC = 2
NS = 16
CH = 125
RPT = E // (NC * NS * CH)
ZCH = 200
NZCH = N // ZCH
ZITER = (NZCH + NS - 1) // NS

_MESH = plsc.VectorSubcoreMesh(
    core_axis_name="c", subcore_axis_name="s", num_cores=NC, num_subcores=NS)
_SC_PARAMS = pltpu.CompilerParams(use_tc_tiling_on_sc=False)


DBLK = 500
DBPT = E // (NC * NS * DBLK)


@functools.partial(
    pl.kernel,
    out_type=jax.ShapeDtypeStruct((NC, N, 16), jnp.float32),
    mesh=_MESH,
    scratch_types=[
        pltpu.VMEM((DBPT, DBLK), jnp.int32),
        pltpu.VMEM((DBLK, 16), jnp.float32),
        pltpu.VMEM((ZCH, 16), jnp.float32),
        pltpu.VMEM_SHARED((N, 16), jnp.float32),
    ],
    compiler_params=_SC_PARAMS,
)
def _sc_deg(dst2d, ones16, zeros16, out, dbuf, obuf, zbuf, deg_sp):
    c = lax.axis_index("c")
    s = lax.axis_index("s")
    pltpu.sync_copy(ones16, obuf)
    pltpu.sync_copy(zeros16, zbuf)
    for k in range(ZITER):
        j = s + NS * k

        @pl.when(j < NZCH)
        def _():
            pltpu.sync_copy(zbuf, deg_sp.at[pl.ds(pl.multiple_of(j * ZCH, 8), ZCH)])

    base_r = (c * NS + s) * DBPT
    pltpu.sync_copy(dst2d.at[pl.ds(base_r, DBPT)], dbuf)
    plsc.subcore_barrier()

    def chunk(j, carry):
        pltpu.sync_copy(obuf, deg_sp.at[dbuf.at[j]], add=True)
        return carry

    lax.fori_loop(0, DBPT, chunk, 0)
    plsc.subcore_barrier()
    for k in range(ZITER):
        j = s + NS * k

        @pl.when(j < NZCH)
        def _():
            off = pl.multiple_of(j * ZCH, 8)
            pltpu.sync_copy(deg_sp.at[pl.ds(off, ZCH)], out.at[c, pl.ds(off, ZCH)])


HHID = HID // 2
BLK = 125
BPT = E // (NC * NS * BLK)
NSEG = 2
NRH = BPT // NSEG
STRIPE = N // NS
NZC = STRIPE // BLK


@functools.partial(
    pl.kernel,
    out_type=jax.ShapeDtypeStruct((NC, N, HID), jnp.float32),
    mesh=_MESH,
    scratch_types=[
        pltpu.VMEM((NRH, BLK), jnp.int32),
        pltpu.VMEM((NRH, BLK), jnp.int32),
        pltpu.VMEM((BLK, HID), jnp.float32),
        pltpu.VMEM((BLK, HID), jnp.float32),
        pltpu.VMEM_SHARED((N, HID), jnp.float32),
        pltpu.SemaphoreType.DMA,
        pltpu.SemaphoreType.DMA,
        pltpu.SemaphoreType.DMA,
        pltpu.SemaphoreType.DMA,
    ],
    compiler_params=_SC_PARAMS,
)
def _sc_prop(src2d, dst2d, m, zeros128, out, sbuf, dbuf, buf_a, buf_b,
             acc_sp, gsa, gsb, ssa, ssb):
    c = lax.axis_index("c")
    s = lax.axis_index("s")
    pltpu.sync_copy(zeros128, buf_a)
    for k in range(NZC):
        pltpu.sync_copy(buf_a, acc_sp.at[pl.ds(s * STRIPE + k * BLK, BLK)])

    def fire_g(r, buf, sem):
        pltpu.async_copy(m.at[sbuf.at[r]], buf, sem)

    def drain_g(buf, sem):
        pltpu.make_async_copy(m.at[sbuf.at[0]], buf, sem).wait()

    def fire_s(r, buf, sem):
        pltpu.async_copy(buf, acc_sp.at[dbuf.at[r]], sem, add=True)

    def drain_s(buf, sem):
        pltpu.make_async_copy(buf, acc_sp.at[dbuf.at[0]], sem).wait()

    def body(i, carry):
        r0 = 2 * i
        drain_g(buf_a, gsa)
        fire_s(r0, buf_a, ssa)
        drain_s(buf_a, ssa)

        @pl.when(r0 + 2 < NRH)
        def _():
            fire_g(r0 + 2, buf_a, gsa)

        drain_g(buf_b, gsb)
        fire_s(r0 + 1, buf_b, ssb)
        drain_s(buf_b, ssb)

        @pl.when(r0 + 3 < NRH)
        def _():
            fire_g(r0 + 3, buf_b, gsb)

        return carry

    for seg in range(NSEG):
        base_r = (c * NS + s) * BPT + seg * NRH
        pltpu.sync_copy(src2d.at[pl.ds(base_r, NRH)], sbuf)
        pltpu.sync_copy(dst2d.at[pl.ds(base_r, NRH)], dbuf)
        if seg == 0:
            plsc.subcore_barrier()
        fire_g(0, buf_a, gsa)
        fire_g(1, buf_b, gsb)
        lax.fori_loop(0, NRH // 2, body, 0)

    plsc.subcore_barrier()
    for k in range(NZC):
        off = s * STRIPE + k * BLK
        pltpu.sync_copy(acc_sp.at[pl.ds(off, BLK)], out.at[c, pl.ds(off, BLK)])


_R = 1000
_G = N // _R

def _full(shape):
    return pl.BlockSpec(shape, lambda i: (0,) * len(shape))

def _rows(width):
    return pl.BlockSpec((_R, width), lambda i: (i, 0))

_DEG_SPEC = pl.BlockSpec((NC, _R, 16), lambda i: (0, i, 0))
_ACC_SPEC = pl.BlockSpec((NC, _R, HID), lambda i: (0, i, 0))


def _dis(deg_ref):
    d = deg_ref[0, :, 0:1] + deg_ref[1, :, 0:1] + 1.0
    return lax.rsqrt(d)


def _embed_body(x_ref, wet_ref, be_ref, wc0t_ref, h_ref, xw0_ref):
    h = jnp.dot(x_ref[...], wet_ref[...], preferred_element_type=jnp.float32)
    h = h + be_ref[...]
    h_ref[...] = h
    xw0_ref[...] = jnp.dot(h, wc0t_ref[...], preferred_element_type=jnp.float32)


_tc_embed = pl.pallas_call(
    _embed_body,
    grid=(_G,),
    in_specs=[_rows(HID), _full((HID, HID)), _full((1, HID)), _full((HID, HID))],
    out_specs=[_rows(HID), _rows(HID)],
    out_shape=[jax.ShapeDtypeStruct((N, HID), jnp.float32)] * 2,
)


def _mkm0_body(deg_ref, xw0_ref, m0_ref):
    m0_ref[...] = xw0_ref[...] * _dis(deg_ref)


_tc_mkm0 = pl.pallas_call(
    _mkm0_body,
    grid=(_G,),
    in_specs=[_DEG_SPEC, _rows(HID)],
    out_specs=_rows(HID),
    out_shape=jax.ShapeDtypeStruct((N, HID), jnp.float32),
)


def _layer_body(deg_ref, acc_ref, m_ref, h_ref, bc_ref, wct_ref,
                h1_ref, m1_ref):
    dis = _dis(deg_ref)
    acc = acc_ref[0, :, :] + acc_ref[1, :, :]
    conv = dis * (acc + m_ref[...]) + bc_ref[...]
    h1 = jnp.maximum(conv, 0.0) + h_ref[...]
    h1_ref[...] = h1
    m1_ref[...] = dis * jnp.dot(h1, wct_ref[...],
                                preferred_element_type=jnp.float32)


_tc_layer = pl.pallas_call(
    _layer_body,
    grid=(_G,),
    in_specs=[_DEG_SPEC, _ACC_SPEC, _rows(HID), _rows(HID),
              _full((1, HID)), _full((HID, HID))],
    out_specs=[_rows(HID), _rows(HID)],
    out_shape=[jax.ShapeDtypeStruct((N, HID), jnp.float32)] * 2,
)


def _final_body(deg_ref, acc_ref, m_ref, h_ref, bc_ref,
                w0t_ref, b0_ref, w1t_ref, b1_ref, w2t_ref, b2_ref, out_ref):
    dis = _dis(deg_ref)
    acc = acc_ref[0, :, :] + acc_ref[1, :, :]
    conv = dis * (acc + m_ref[...]) + bc_ref[...]
    h2 = jnp.maximum(conv, 0.0) + h_ref[...]
    t = jnp.maximum(jnp.dot(h2, w0t_ref[...], preferred_element_type=jnp.float32)
                    + b0_ref[...], 0.0)
    t = jnp.maximum(jnp.dot(t, w1t_ref[...], preferred_element_type=jnp.float32)
                    + b1_ref[...], 0.0)
    out_ref[...] = (jnp.dot(t, w2t_ref[...], preferred_element_type=jnp.float32)
                    + b2_ref[...])


_tc_final = pl.pallas_call(
    _final_body,
    grid=(_G,),
    in_specs=[_DEG_SPEC, _ACC_SPEC, _rows(HID), _rows(HID),
              _full((1, HID)),
              _full((HID, 64)), _full((1, 64)), _full((64, 32)), _full((1, 32)),
              _full((32, 16)), _full((1, 16))],
    out_specs=pl.BlockSpec((_R, 16), lambda i: (i, 0)),
    out_shape=jax.ShapeDtypeStruct((N, 16), jnp.float32),
)


def kernel(x, edge_index, W_embed, b_embed, Wc0, bc0, Wc1, bc1,
           W0, b0, W1, b1, W2, b2):
    ei = edge_index.astype(jnp.int32)
    srcp = ei[0].reshape(E // BLK, BLK)
    dstp = ei[1].reshape(E // BLK, BLK)
    dst2d = ei[1].reshape(E // DBLK, DBLK)
    ones16 = jnp.ones((DBLK, 16), jnp.float32)
    zeros16 = jnp.zeros((ZCH, 16), jnp.float32)
    zeros128 = jnp.zeros((BLK, HID), jnp.float32)

    deg2 = _sc_deg(dst2d, ones16, zeros16)
    h, xw0 = _tc_embed(x, W_embed.T, b_embed.reshape(1, HID), Wc0.T)
    m0 = _tc_mkm0(deg2, xw0)
    acc0 = _sc_prop(srcp, dstp, m0, zeros128)
    h1, m1 = _tc_layer(deg2, acc0, m0, h, bc0.reshape(1, HID), Wc1.T)
    acc1 = _sc_prop(srcp, dstp, m1, zeros128)
    return _tc_final(deg2, acc1, m1, h1, bc1.reshape(1, HID),
                     W0.T, b0.reshape(1, 64), W1.T, b1.reshape(1, 32),
                     W2.T, b2.reshape(1, 16))

# --- scband reference (transcript-rebuilt; emitter-appended) ---
"""Pipeline reference for scband-gcn-67920612819497 (READ-ONLY COPY).

The authoritative reference and input builder live on the scoring server;
editing this copy changes nothing except your own understanding.
"""

import jax, jax.numpy as jnp
import numpy as np

N_NODES = 10000
HID = 128
OUT = 16


def gcn_conv(x, edge_index, W, b):
    # PyG GCNConv: linear transform, add self-loops, symmetric normalization, scatter-add, bias
    xw = x @ W.T
    src = edge_index[0]
    dst = edge_index[1]
    loop = jnp.arange(N_NODES, dtype=edge_index.dtype)
    src = jnp.concatenate([src, loop])
    dst = jnp.concatenate([dst, loop])
    ew = jnp.ones(src.shape[0], dtype=x.dtype)
    deg = jnp.zeros((N_NODES,), dtype=x.dtype).at[dst].add(ew)
    dis = jnp.where(deg > 0, 1.0 / jnp.sqrt(deg), 0.0)
    norm = dis[src] * dis[dst]
    msg = xw[src] * norm[:, None]
    out = jnp.zeros_like(xw).at[dst].add(msg)
    return out + b


def setup_inputs(seed: int = 0) -> dict:
    key = jax.random.key(seed)
    ks = jax.random.split(key, 16)
    x = jax.random.normal(ks[0], (N_NODES, HID), dtype=jnp.float32)
    edge_index = jax.random.randint(ks[1], (2, 320000), 0, N_NODES, dtype=jnp.int64)
    s = 1.0 / np.sqrt(HID)
    W_embed = jax.random.uniform(ks[2], (HID, HID), minval=-s, maxval=s, dtype=jnp.float32)
    b_embed = jnp.zeros((HID,), dtype=jnp.float32)
    Wc0 = jax.random.uniform(ks[3], (HID, HID), minval=-s, maxval=s, dtype=jnp.float32)
    bc0 = jnp.zeros((HID,), dtype=jnp.float32)
    Wc1 = jax.random.uniform(ks[4], (HID, HID), minval=-s, maxval=s, dtype=jnp.float32)
    bc1 = jnp.zeros((HID,), dtype=jnp.float32)
    W0 = jax.random.uniform(ks[5], (64, 128), minval=-s, maxval=s, dtype=jnp.float32)
    b0 = jnp.zeros((64,), dtype=jnp.float32)
    W1 = jax.random.uniform(ks[6], (32, 64), minval=-0.125, maxval=0.125, dtype=jnp.float32)
    b1 = jnp.zeros((32,), dtype=jnp.float32)
    W2 = jax.random.uniform(ks[7], (OUT, 32), minval=-0.176, maxval=0.176, dtype=jnp.float32)
    b2 = jnp.zeros((OUT,), dtype=jnp.float32)
    return {"x": x, "edge_index": edge_index, "W_embed": W_embed, "b_embed": b_embed,
            "Wc0": Wc0, "bc0": bc0, "Wc1": Wc1, "bc1": bc1,
            "W0": W0, "b0": b0, "W1": W1, "b1": b1, "W2": W2, "b2": b2}


def reference(x, edge_index, W_embed, b_embed, Wc0, bc0, Wc1, bc1, W0, b0, W1, b1, W2, b2):
    # embed
    h = x @ W_embed.T + b_embed
    # dropout p=0.5: identity in eval mode
    # GCN layer 1 (no batchnorm, residual, dropout p=0 identity)
    h_in = h
    h = gcn_conv(h, edge_index, Wc0, bc0)
    h = jax.nn.relu(h)
    h = h + h_in
    # GCN layer 2
    h_in = h
    h = gcn_conv(h, edge_index, Wc1, bc1)
    h = jax.nn.relu(h)
    h = h + h_in
    # output MLP: 128 -> 64 -> 32 -> 16
    h = jax.nn.relu(h @ W0.T + b0)
    h = jax.nn.relu(h @ W1.T + b1)
    h = h @ W2.T + b2
    return h

if __name__ == "__main__":
    import jax
    _d = setup_inputs()
    print(jax.jit(kernel)(*tuple(_d.values())))

</pallas_src>

<mosaic_0001>
#map = affine_map<(d0, d1) -> (0, 0)>
#map1 = affine_map<(d0, d1) -> (0, 0, 0)>
module attributes {stable_mosaic.version = 14 : i64} {
  func.func @_sc_prop(%arg0: i32, %arg1: i32, %arg2: memref<2560x125xi32, #tpu.memory_space<hbm>>, %arg3: memref<2560x125xi32, #tpu.memory_space<hbm>>, %arg4: memref<10000x128xf32, #tpu.memory_space<hbm>>, %arg5: memref<125x128xf32, #tpu.memory_space<hbm>>, %arg6: memref<2x10000x128xf32, #tpu.memory_space<hbm>>, %arg7: memref<40x125xi32, #tpu.memory_space<vmem>>, %arg8: memref<40x125xi32, #tpu.memory_space<vmem>>, %arg9: memref<125x128xf32, #tpu.memory_space<vmem>>, %arg10: memref<125x128xf32, #tpu.memory_space<vmem>>, %arg11: memref<10000x128xf32, #tpu.memory_space<vmem_shared>>, %arg12: memref<!tpu.dma_semaphore, #tpu.memory_space<semaphore_mem>>, %arg13: memref<!tpu.dma_semaphore, #tpu.memory_space<semaphore_mem>>, %arg14: memref<!tpu.dma_semaphore, #tpu.memory_space<semaphore_mem>>, %arg15: memref<!tpu.dma_semaphore, #tpu.memory_space<semaphore_mem>>) attributes {dimension_semantics = [#tpu.dimension_semantics<core_parallel>, #tpu.dimension_semantics<subcore_parallel>], iteration_bounds = array<i64: 2, 16>, scalar_prefetch = 0 : i64, scratch_operands = 9 : i64, tpu.core_type = #tpu.core_type<sc_vector_subcore>, window_params = [{transform_indices = #map}, {transform_indices = #map}, {transform_indices = #map}, {transform_indices = #map}, {transform_indices = #map1}]} {
    "tpu.region"() ({
      %run_scoped3A = tpu.sem_alloc : memref<!tpu.dma_semaphore, #tpu.memory_space<semaphore_mem>>
      tpu.enqueue_dma source(%arg5 : memref<125x128xf32, #tpu.memory_space<hbm>>) target(%arg9 : memref<125x128xf32, #tpu.memory_space<vmem>>) target_semaphore(%run_scoped3A : memref<!tpu.dma_semaphore, #tpu.memory_space<semaphore_mem>>)
      tpu.wait_dma2 semaphore(%run_scoped3A : memref<!tpu.dma_semaphore, #tpu.memory_space<semaphore_mem>>) src(%arg5 : memref<125x128xf32, #tpu.memory_space<hbm>>) dst(%arg9 : memref<125x128xf32, #tpu.memory_space<vmem>>)
      tpu.yield
    }) : () -> ()
    %mul3A = arith.constant 625 : i32
    %mul3A_0 = arith.muli %arg1, %mul3A : i32
    %add3A = arith.constant 0 : i32
    %add3A_1 = arith.addi %mul3A_0, %add3A : i32
    "tpu.region"() ({
      %run_scoped3A = tpu.sem_alloc : memref<!tpu.dma_semaphore, #tpu.memory_space<semaphore_mem>>
      %dma_start3A_91 = arith.constant 0 : i32
      %dma_start3A_92 = tpu.memref_slice %arg11[%add3A_1, %dma_start3A_91] : memref<10000x128xf32, #tpu.memory_space<vmem_shared>> -> memref<125x128xf32, #tpu.memory_space<vmem_shared>>
      %dma_start3A_93 = arith.constant 0 : i32
      %dma_start3A_94 = tpu.memref_slice %arg11[%add3A_1, %dma_start3A_93] : memref<10000x128xf32, #tpu.memory_space<vmem_shared>> -> memref<125x128xf32, #tpu.memory_space<vmem_shared>>
      tpu.enqueue_dma source(%arg9 : memref<125x128xf32, #tpu.memory_space<vmem>>) target(%dma_start3A_94 : memref<125x128xf32, #tpu.memory_space<vmem_shared>>) target_semaphore(%run_scoped3A : memref<!tpu.dma_semaphore, #tpu.memory_space<semaphore_mem>>)
      %dma_wait3A = arith.constant 0 : i32
      %dma_wait3A_95 = tpu.memref_slice %arg11[%add3A_1, %dma_wait3A] : memref<10000x128xf32, #tpu.memory_space<vmem_shared>> -> memref<125x128xf32, #tpu.memory_space<vmem_shared>>
      %dma_wait3A_96 = arith.constant 0 : i32
      %dma_wait3A_97 = tpu.memref_slice %arg11[%add3A_1, %dma_wait3A_96] : memref<10000x128xf32, #tpu.memory_space<vmem_shared>> -> memref<125x128xf32, #tpu.memory_space<vmem_shared>>
      tpu.wait_dma2 semaphore(%run_scoped3A : memref<!tpu.dma_semaphore, #tpu.memory_space<semaphore_mem>>) src(%arg9 : memref<125x128xf32, #tpu.memory_space<vmem>>) dst(%dma_wait3A_97 : memref<125x128xf32, #tpu.memory_space<vmem_shared>>)
      tpu.yield
    }) : () -> ()
    %mul3A_2 = arith.constant 625 : i32
    %mul3A_3 = arith.muli %arg1, %mul3A_2 : i32
    %add3A_4 = arith.constant 125 : i32
    %add3A_5 = arith.addi %mul3A_3, %add3A_4 : i32
    "tpu.region"() ({
      %run_scoped3A = tpu.sem_alloc : memref<!tpu.dma_semaphore, #tpu.memory_space<semaphore_mem>>
      %dma_start3A_91 = arith.constant 0 : i32
      %dma_start3A_92 = tpu.memref_slice %arg11[%add3A_5, %dma_start3A_91] : memref<10000x128xf32, #tpu.memory_space<vmem_shared>> -> memref<125x128xf32, #tpu.memory_space<vmem_shared>>
      %dma_start3A_93 = arith.constant 0 : i32
      %dma_start3A_94 = tpu.memref_slice %arg11[%add3A_5, %dma_start3A_93] : memref<10000x128xf32, #tpu.memory_space<vmem_shared>> -> memref<125x128xf32, #tpu.memory_space<vmem_shared>>
      tpu.enqueue_dma source(%arg9 : memref<125x128xf32, #tpu.memory_space<vmem>>) target(%dma_start3A_94 : memref<125x128xf32, #tpu.memory_space<vmem_shared>>) target_semaphore(%run_scoped3A : memref<!tpu.dma_semaphore, #tpu.memory_space<semaphore_mem>>)
      %dma_wait3A = arith.constant 0 : i32
      %dma_wait3A_95 = tpu.memref_slice %arg11[%add3A_5, %dma_wait3A] : memref<10000x128xf32, #tpu.memory_space<vmem_shared>> -> memref<125x128xf32, #tpu.memory_space<vmem_shared>>
      %dma_wait3A_96 = arith.constant 0 : i32
      %dma_wait3A_97 = tpu.memref_slice %arg11[%add3A_5, %dma_wait3A_96] : memref<10000x128xf32, #tpu.memory_space<vmem_shared>> -> memref<125x128xf32, #tpu.memory_space<vmem_shared>>
      tpu.wait_dma2 semaphore(%run_scoped3A : memref<!tpu.dma_semaphore, #tpu.memory_space<semaphore_mem>>) src(%arg9 : memref<125x128xf32, #tpu.memory_space<vmem>>) dst(%dma_wait3A_97 : memref<125x128xf32, #tpu.memory_space<vmem_shared>>)
      tpu.yield
    }) : () -> ()
    %mul3A_6 = arith.constant 625 : i32
    %mul3A_7 = arith.muli %arg1, %mul3A_6 : i32
    %add3A_8 = arith.constant 250 : i32
    %add3A_9 = arith.addi %mul3A_7, %add3A_8 : i32
    "tpu.region"() ({
      %run_scoped3A = tpu.sem_alloc : memref<!tpu.dma_semaphore, #tpu.memory_space<semaphore_mem>>
      %dma_start3A_91 = arith.constant 0 : i32
      %dma_start3A_92 = tpu.memref_slice %arg11[%add3A_9, %dma_start3A_91] : memref<10000x128xf32, #tpu.memory_space<vmem_shared>> -> memref<125x128xf32, #tpu.memory_space<vmem_shared>>
      %dma_start3A_93 = arith.constant 0 : i32
      %dma_start3A_94 = tpu.memref_slice %arg11[%add3A_9, %dma_start3A_93] : memref<10000x128xf32, #tpu.memory_space<vmem_shared>> -> memref<125x128xf32, #tpu.memory_space<vmem_shared>>
      tpu.enqueue_dma source(%arg9 : memref<125x128xf32, #tpu.memory_space<vmem>>) target(%dma_start3A_94 : memref<125x128xf32, #tpu.memory_space<vmem_shared>>) target_semaphore(%run_scoped3A : memref<!tpu.dma_semaphore, #tpu.memory_space<semaphore_mem>>)
      %dma_wait3A = arith.constant 0 : i32
      %dma_wait3A_95 = tpu.memref_slice %arg11[%add3A_9, %dma_wait3A] : memref<10000x128xf32, #tpu.memory_space<vmem_shared>> -> memref<125x128xf32, #tpu.memory_space<vmem_shared>>
      %dma_wait3A_96 = arith.constant 0 : i32
      %dma_wait3A_97 = tpu.memref_slice %arg11[%add3A_9, %dma_wait3A_96] : memref<10000x128xf32, #tpu.memory_space<vmem_shared>> -> memref<125x128xf32, #tpu.memory_space<vmem_shared>>
      tpu.wait_dma2 semaphore(%run_scoped3A : memref<!tpu.dma_semaphore, #tpu.memory_space<semaphore_mem>>) src(%arg9 : memref<125x128xf32, #tpu.memory_space<vmem>>) dst(%dma_wait3A_97 : memref<125x128xf32, #tpu.memory_space<vmem_shared>>)
      tpu.yield
    }) : () -> ()
    %mul3A_10 = arith.constant 625 : i32
    %mul3A_11 = arith.muli %arg1, %mul3A_10 : i32
    %add3A_12 = arith.constant 375 : i32
    %add3A_13 = arith.addi %mul3A_11, %add3A_12 : i32
    "tpu.region"() ({
      %run_scoped3A = tpu.sem_alloc : memref<!tpu.dma_semaphore, #tpu.memory_space<semaphore_mem>>
      %dma_start3A_91 = arith.constant 0 : i32
      %dma_start3A_92 = tpu.memref_slice %arg11[%add3A_13, %dma_start3A_91] : memref<10000x128xf32, #tpu.memory_space<vmem_shared>> -> memref<125x128xf32, #tpu.memory_space<vmem_shared>>
      %dma_start3A_93 = arith.constant 0 : i32
      %dma_start3A_94 = tpu.memref_slice %arg11[%add3A_13, %dma_start3A_93] : memref<10000x128xf32, #tpu.memory_space<vmem_shared>> -> memref<125x128xf32, #tpu.memory_space<vmem_shared>>
      tpu.enqueue_dma source(%arg9 : memref<125x128xf32, #tpu.memory_space<vmem>>) target(%dma_start3A_94 : memref<125x128xf32, #tpu.memory_space<vmem_shared>>) target_semaphore(%run_scoped3A : memref<!tpu.dma_semaphore, #tpu.memory_space<semaphore_mem>>)
      %dma_wait3A = arith.constant 0 : i32
      %dma_wait3A_95 = tpu.memref_slice %arg11[%add3A_13, %dma_wait3A] : memref<10000x128xf32, #tpu.memory_space<vmem_shared>> -> memref<125x128xf32, #tpu.memory_space<vmem_shared>>
      %dma_wait3A_96 = arith.constant 0 : i32
      %dma_wait3A_97 = tpu.memref_slice %arg11[%add3A_13, %dma_wait3A_96] : memref<10000x128xf32, #tpu.memory_space<vmem_shared>> -> memref<125x128xf32, #tpu.memory_space<vmem_shared>>
      tpu.wait_dma2 semaphore(%run_scoped3A : memref<!tpu.dma_semaphore, #tpu.memory_space<semaphore_mem>>) src(%arg9 : memref<125x128xf32, #tpu.memory_space<vmem>>) dst(%dma_wait3A_97 : memref<125x128xf32, #tpu.memory_space<vmem_shared>>)
      tpu.yield
    }) : () -> ()
    %mul3A_14 = arith.constant 625 : i32
    %mul3A_15 = arith.muli %arg1, %mul3A_14 : i32
    %add3A_16 = arith.constant 500 : i32
    %add3A_17 = arith.addi %mul3A_15, %add3A_16 : i32
    "tpu.region"() ({
      %run_scoped3A = tpu.sem_alloc : memref<!tpu.dma_semaphore, #tpu.memory_space<semaphore_mem>>
      %dma_start3A_91 = arith.constant 0 : i32
      %dma_start3A_92 = tpu.memref_slice %arg11[%add3A_17, %dma_start3A_91] : memref<10000x128xf32, #tpu.memory_space<vmem_shared>> -> memref<125x128xf32, #tpu.memory_space<vmem_shared>>
      %dma_start3A_93 = arith.constant 0 : i32
      %dma_start3A_94 = tpu.memref_slice %arg11[%add3A_17, %dma_start3A_93] : memref<10000x128xf32, #tpu.memory_space<vmem_shared>> -> memref<125x128xf32, #tpu.memory_space<vmem_shared>>
      tpu.enqueue_dma source(%arg9 : memref<125x128xf32, #tpu.memory_space<vmem>>) target(%dma_start3A_94 : memref<125x128xf32, #tpu.memory_space<vmem_shared>>) target_semaphore(%run_scoped3A : memref<!tpu.dma_semaphore, #tpu.memory_space<semaphore_mem>>)
      %dma_wait3A = arith.constant 0 : i32
      %dma_wait3A_95 = tpu.memref_slice %arg11[%add3A_17, %dma_wait3A] : memref<10000x128xf32, #tpu.memory_space<vmem_shared>> -> memref<125x128xf32, #tpu.memory_space<vmem_shared>>
      %dma_wait3A_96 = arith.constant 0 : i32
      %dma_wait3A_97 = tpu.memref_slice %arg11[%add3A_17, %dma_wait3A_96] : memref<10000x128xf32, #tpu.memory_space<vmem_shared>> -> memref<125x128xf32, #tpu.memory_space<vmem_shared>>
      tpu.wait_dma2 semaphore(%run_scoped3A : memref<!tpu.dma_semaphore, #tpu.memory_space<semaphore_mem>>) src(%arg9 : memref<125x128xf32, #tpu.memory_space<vmem>>) dst(%dma_wait3A_97 : memref<125x128xf32, #tpu.memory_space<vmem_shared>>)
      tpu.yield
    }) : () -> ()
    %mul3A_18 = arith.constant 16 : i32
    %mul3A_19 = arith.muli %arg0, %mul3A_18 : i32
    %add3A_20 = arith.addi %mul3A_19, %arg1 : i32
    %mul3A_21 = arith.constant 80 : i32
    %mul3A_22 = arith.muli %add3A_20, %mul3A_21 : i32
    %add3A_23 = arith.constant 0 : i32
    %add3A_24 = arith.addi %mul3A_22, %add3A_23 : i32
    "tpu.region"() ({
      %run_scoped3A = tpu.sem_alloc : memref<!tpu.dma_semaphore, #tpu.memory_space<semaphore_mem>>
      %dma_start3A_91 = arith.constant 0 : i32
      %dma_start3A_92 = tpu.memref_slice %arg2[%add3A_24, %dma_start3A_91] : memref<2560x125xi32, #tpu.memory_space<hbm>> -> memref<40x125xi32, #tpu.memory_space<hbm>>
      %dma_start3A_93 = arith.constant 0 : i32
      %dma_start3A_94 = tpu.memref_slice %arg2[%add3A_24, %dma_start3A_93] : memref<2560x125xi32, #tpu.memory_space<hbm>> -> memref<40x125xi32, #tpu.memory_space<hbm>>
      tpu.enqueue_dma source(%dma_start3A_94 : memref<40x125xi32, #tpu.memory_space<hbm>>) target(%arg7 : memref<40x125xi32, #tpu.memory_space<vmem>>) target_semaphore(%run_scoped3A : memref<!tpu.dma_semaphore, #tpu.memory_space<semaphore_mem>>)
      %dma_wait3A = arith.constant 0 : i32
      %dma_wait3A_95 = tpu.memref_slice %arg2[%add3A_24, %dma_wait3A] : memref<2560x125xi32, #tpu.memory_space<hbm>> -> memref<40x125xi32, #tpu.memory_space<hbm>>
      %dma_wait3A_96 = arith.constant 0 : i32
      %dma_wait3A_97 = tpu.memref_slice %arg2[%add3A_24, %dma_wait3A_96] : memref<2560x125xi32, #tpu.memory_space<hbm>> -> memref<40x125xi32, #tpu.memory_space<hbm>>
      tpu.wait_dma2 semaphore(%run_scoped3A : memref<!tpu.dma_semaphore, #tpu.memory_space<semaphore_mem>>) src(%dma_wait3A_97 : memref<40x125xi32, #tpu.memory_space<hbm>>) dst(%arg7 : memref<40x125xi32, #tpu.memory_space<vmem>>)
      tpu.yield
    }) : () -> ()
    "tpu.region"() ({
      %run_scoped3A = tpu.sem_alloc : memref<!tpu.dma_semaphore, #tpu.memory_space<semaphore_mem>>
      %dma_start3A_91 = arith.constant 0 : i32
      %dma_start3A_92 = tpu.memref_slice %arg3[%add3A_24, %dma_start3A_91] : memref<2560x125xi32, #tpu.memory_space<hbm>> -> memref<40x125xi32, #tpu.memory_space<hbm>>
      %dma_start3A_93 = arith.constant 0 : i32
      %dma_start3A_94 = tpu.memref_slice %arg3[%add3A_24, %dma_start3A_93] : memref<2560x125xi32, #tpu.memory_space<hbm>> -> memref<40x125xi32, #tpu.memory_space<hbm>>
      tpu.enqueue_dma source(%dma_start3A_94 : memref<40x125xi32, #tpu.memory_space<hbm>>) target(%arg8 : memref<40x125xi32, #tpu.memory_space<vmem>>) target_semaphore(%run_scoped3A : memref<!tpu.dma_semaphore, #tpu.memory_space<semaphore_mem>>)
      %dma_wait3A = arith.constant 0 : i32
      %dma_wait3A_95 = tpu.memref_slice %arg3[%add3A_24, %dma_wait3A] : memref<2560x125xi32, #tpu.memory_space<hbm>> -> memref<40x125xi32, #tpu.memory_space<hbm>>
      %dma_wait3A_96 = arith.constant 0 : i32
      %dma_wait3A_97 = tpu.memref_slice %arg3[%add3A_24, %dma_wait3A_96] : memref<2560x125xi32, #tpu.memory_space<hbm>> -> memref<40x125xi32, #tpu.memory_space<hbm>>
      tpu.wait_dma2 semaphore(%run_scoped3A : memref<!tpu.dma_semaphore, #tpu.memory_space<semaphore_mem>>) src(%dma_wait3A_97 : memref<40x125xi32, #tpu.memory_space<hbm>>) dst(%arg8 : memref<40x125xi32, #tpu.memory_space<vmem>>)
      tpu.yield
    }) : () -> ()
    %barrier3A = arith.constant 0 : index
    tpu.barrier barrier_id(%barrier3A)
    %dma_start3A = arith.constant 0 : i32
    %dma_start3A_25 = arith.constant 0 : i32
    %dma_start3A_26 = tpu.memref_slice %arg7[%dma_start3A, %dma_start3A_25] : memref<40x125xi32, #tpu.memory_space<vmem>> -> memref<1x125xi32, #tpu.memory_space<vmem>>
    %dma_start3A_27 = tpu.memref_squeeze %dma_start3A_26 : memref<1x125xi32, #tpu.memory_space<vmem>> -> memref<125xi32, #tpu.memory_space<vmem>>
    %dma_start3A_28 = arith.constant 0 : i32
    %dma_start3A_29 = arith.constant 0 : i32
    %dma_start3A_30 = tpu.memref_slice %arg4[%dma_start3A_28, %dma_start3A_29] : memref<10000x128xf32, #tpu.memory_space<hbm>> -> memref<10000x128xf32, #tpu.memory_space<hbm>>
    tpu.enqueue_indirect_dma source(%dma_start3A_30 : memref<10000x128xf32, #tpu.memory_space<hbm>>) target(%arg9 : memref<125x128xf32, #tpu.memory_space<vmem>>) offsets(%dma_start3A_27 : memref<125xi32, #tpu.memory_space<vmem>>) semaphore(%arg12 : memref<!tpu.dma_semaphore, #tpu.memory_space<semaphore_mem>>)
    %dma_start3A_31 = arith.constant 1 : i32
    %dma_start3A_32 = arith.constant 0 : i32
    %dma_start3A_33 = tpu.memref_slice %arg7[%dma_start3A_31, %dma_start3A_32] : memref<40x125xi32, #tpu.memory_space<vmem>> -> memref<1x125xi32, #tpu.memory_space<vmem>>
    %dma_start3A_34 = tpu.memref_squeeze %dma_start3A_33 : memref<1x125xi32, #tpu.memory_space<vmem>> -> memref<125xi32, #tpu.memory_space<vmem>>
    %dma_start3A_35 = arith.constant 0 : i32
    %dma_start3A_36 = arith.constant 0 : i32
    %dma_start3A_37 = tpu.memref_slice %arg4[%dma_start3A_35, %dma_start3A_36] : memref<10000x128xf32, #tpu.memory_space<hbm>> -> memref<10000x128xf32, #tpu.memory_space<hbm>>
    tpu.enqueue_indirect_dma source(%dma_start3A_37 : memref<10000x128xf32, #tpu.memory_space<hbm>>) target(%arg10 : memref<125x128xf32, #tpu.memory_space<vmem>>) offsets(%dma_start3A_34 : memref<125xi32, #tpu.memory_space<vmem>>) semaphore(%arg13 : memref<!tpu.dma_semaphore, #tpu.memory_space<semaphore_mem>>)
    %scan3A = arith.constant 0 : i32
    %scan3A_38 = arith.constant 0 : i32
    %scan3A_39 = arith.constant 20 : i32
    %scan3A_40 = arith.addi %scan3A_38, %scan3A_39 : i32
    %scan3A_41 = arith.constant 1 : i32
    scf.for %scan3A_91 = %scan3A_38 to %scan3A_40 step %scan3A_41  : i32 {
      %mul3A_92 = arith.constant 2 : i32
      %mul3A_93 = arith.muli %mul3A_92, %scan3A_91 : i32
      %dma_wait3A = arith.constant 0 : i32
      %dma_wait3A_94 = arith.constant 0 : i32
      %dma_wait3A_95 = tpu.memref_slice %arg7[%dma_wait3A, %dma_wait3A_94] : memref<40x125xi32, #tpu.memory_space<vmem>> -> memref<1x125xi32, #tpu.memory_space<vmem>>
      %dma_wait3A_96 = tpu.memref_squeeze %dma_wait3A_95 : memref<1x125xi32, #tpu.memory_space<vmem>> -> memref<125xi32, #tpu.memory_space<vmem>>
      %dma_wait3A_97 = arith.constant 0 : i32
      %dma_wait3A_98 = arith.constant 0 : i32
      %dma_wait3A_99 = tpu.memref_slice %arg4[%dma_wait3A_97, %dma_wait3A_98] : memref<10000x128xf32, #tpu.memory_space<hbm>> -> memref<10000x128xf32, #tpu.memory_space<hbm>>
      tpu.wait_indirect_dma semaphore(%arg12 : memref<!tpu.dma_semaphore, #tpu.memory_space<semaphore_mem>>) src(%dma_wait3A_99 : memref<10000x128xf32, #tpu.memory_space<hbm>>) dst(%arg9 : memref<125x128xf32, #tpu.memory_space<vmem>>)
      %dma_start3A_100 = arith.constant 0 : i32
      %dma_start3A_101 = tpu.memref_slice %arg8[%mul3A_93, %dma_start3A_100] : memref<40x125xi32, #tpu.memory_space<vmem>> -> memref<1x125xi32, #tpu.memory_space<vmem>>
      %dma_start3A_102 = tpu.memref_squeeze %dma_start3A_101 : memref<1x125xi32, #tpu.memory_space<vmem>> -> memref<125xi32, #tpu.memory_space<vmem>>
      %dma_start3A_103 = arith.constant 0 : i32
      %dma_start3A_104 = arith.constant 0 : i32
      %dma_start3A_105 = tpu.memref_slice %arg11[%dma_start3A_103, %dma_start3A_104] : memref<10000x128xf32, #tpu.memory_space<vmem_shared>> -> memref<10000x128xf32, #tpu.memory_space<vmem_shared>>
      tpu.enqueue_indirect_dma source(%arg9 : memref<125x128xf32, #tpu.memory_space<vmem>>) target(%dma_start3A_105 : memref<10000x128xf32, #tpu.memory_space<vmem_shared>>) offsets(%dma_start3A_102 : memref<125xi32, #tpu.memory_space<vmem>>) semaphore(%arg14 : memref<!tpu.dma_semaphore, #tpu.memory_space<semaphore_mem>>) {add = true}
      %dma_wait3A_106 = arith.constant 0 : i32
      %dma_wait3A_107 = arith.constant 0 : i32
      %dma_wait3A_108 = tpu.memref_slice %arg8[%dma_wait3A_106, %dma_wait3A_107] : memref<40x125xi32, #tpu.memory_space<vmem>> -> memref<1x125xi32, #tpu.memory_space<vmem>>
      %dma_wait3A_109 = tpu.memref_squeeze %dma_wait3A_108 : memref<1x125xi32, #tpu.memory_space<vmem>> -> memref<125xi32, #tpu.memory_space<vmem>>
      %dma_wait3A_110 = arith.constant 0 : i32
      %dma_wait3A_111 = arith.constant 0 : i32
      %dma_wait3A_112 = tpu.memref_slice %arg11[%dma_wait3A_110, %dma_wait3A_111] : memref<10000x128xf32, #tpu.memory_space<vmem_shared>> -> memref<10000x128xf32, #tpu.memory_space<vmem_shared>>
      tpu.wait_indirect_dma semaphore(%arg14 : memref<!tpu.dma_semaphore, #tpu.memory_space<semaphore_mem>>) src(%arg9 : memref<125x128xf32, #tpu.memory_space<vmem>>) dst(%dma_wait3A_112 : memref<10000x128xf32, #tpu.memory_space<vmem_shared>>)
      %add3A_113 = arith.constant 2 : i32
      %add3A_114 = arith.addi %mul3A_93, %add3A_113 : i32
      %lt3A = arith.constant 40 : i32
      %lt3A_115 = arith.cmpi slt, %add3A_114, %lt3A : i32
      %convert_element_type3A = arith.extui %lt3A_115 : i1 to i32
      %cond3A = arith.constant 0 : i32
      %cond3A_116 = arith.cmpi ne, %convert_element_type3A, %cond3A : i32
      scf.if %cond3A_116 {
        %add3A_146 = arith.constant 2 : i32
        %add3A_147 = arith.addi %mul3A_93, %add3A_146 : i32
        %dma_start3A_148 = arith.constant 0 : i32
        %dma_start3A_149 = tpu.memref_slice %arg7[%add3A_147, %dma_start3A_148] : memref<40x125xi32, #tpu.memory_space<vmem>> -> memref<1x125xi32, #tpu.memory_space<vmem>>
        %dma_start3A_150 = tpu.memref_squeeze %dma_start3A_149 : memref<1x125xi32, #tpu.memory_space<vmem>> -> memref<125xi32, #tpu.memory_space<vmem>>
        %dma_start3A_151 = arith.constant 0 : i32
        %dma_start3A_152 = arith.constant 0 : i32
        %dma_start3A_153 = tpu.memref_slice %arg4[%dma_start3A_151, %dma_start3A_152] : memref<10000x128xf32, #tpu.memory_space<hbm>> -> memref<10000x128xf32, #tpu.memory_space<hbm>>
        tpu.enqueue_indirect_dma source(%dma_start3A_153 : memref<10000x128xf32, #tpu.memory_space<hbm>>) target(%arg9 : memref<125x128xf32, #tpu.memory_space<vmem>>) offsets(%dma_start3A_150 : memref<125xi32, #tpu.memory_space<vmem>>) semaphore(%arg12 : memref<!tpu.dma_semaphore, #tpu.memory_space<semaphore_mem>>)
      } else {
      }
      %dma_wait3A_117 = arith.constant 0 : i32
      %dma_wait3A_118 = arith.constant 0 : i32
      %dma_wait3A_119 = tpu.memref_slice %arg7[%dma_wait3A_117, %dma_wait3A_118] : memref<40x125xi32, #tpu.memory_space<vmem>> -> memref<1x125xi32, #tpu.memory_space<vmem>>
      %dma_wait3A_120 = tpu.memref_squeeze %dma_wait3A_119 : memref<1x125xi32, #tpu.memory_space<vmem>> -> memref<125xi32, #tpu.memory_space<vmem>>
      %dma_wait3A_121 = arith.constant 0 : i32
      %dma_wait3A_122 = arith.constant 0 : i32
      %dma_wait3A_123 = tpu.memref_slice %arg4[%dma_wait3A_121, %dma_wait3A_122] : memref<10000x128xf32, #tpu.memory_space<hbm>> -> memref<10000x128xf32, #tpu.memory_space<hbm>>
      tpu.wait_indirect_dma semaphore(%arg13 : memref<!tpu.dma_semaphore, #tpu.memory_space<semaphore_mem>>) src(%dma_wait3A_123 : memref<10000x128xf32, #tpu.memory_space<hbm>>) dst(%arg10 : memref<125x128xf32, #tpu.memory_space<vmem>>)
      %add3A_124 = arith.constant 1 : i32
      %add3A_125 = arith.addi %mul3A_93, %add3A_124 : i32
      %dma_start3A_126 = arith.constant 0 : i32
      %dma_start3A_127 = tpu.memref_slice %arg8[%add3A_125, %dma_start3A_126] : memref<40x125xi32, #tpu.memory_space<vmem>> -> memref<1x125xi32, #tpu.memory_space<vmem>>
      %dma_start3A_128 = tpu.memref_squeeze %dma_start3A_127 : memref<1x125xi32, #tpu.memory_space<vmem>> -> memref<125xi32, #tpu.memory_space<vmem>>
      %dma_start3A_129 = arith.constant 0 : i32
      %dma_start3A_130 = arith.constant 0 : i32
      %dma_start3A_131 = tpu.memref_slice %arg11[%dma_start3A_129, %dma_start3A_130] : memref<10000x128xf32, #tpu.memory_space<vmem_shared>> -> memref<10000x128xf32, #tpu.memory_space<vmem_shared>>
      tpu.enqueue_indirect_dma source(%arg10 : memref<125x128xf32, #tpu.memory_space<vmem>>) target(%dma_start3A_131 : memref<10000x128xf32, #tpu.memory_space<vmem_shared>>) offsets(%dma_start3A_128 : memref<125xi32, #tpu.memory_space<vmem>>) semaphore(%arg15 : memref<!tpu.dma_semaphore, #tpu.memory_space<semaphore_mem>>) {add = true}
      %dma_wait3A_132 = arith.constant 0 : i32
      %dma_wait3A_133 = arith.constant 0 : i32
      %dma_wait3A_134 = tpu.memref_slice %arg8[%dma_wait3A_132, %dma_wait3A_133] : memref<40x125xi32, #tpu.memory_space<vmem>> -> memref<1x125xi32, #tpu.memory_space<vmem>>
      %dma_wait3A_135 = tpu.memref_squeeze %dma_wait3A_134 : memref<1x125xi32, #tpu.memory_space<vmem>> -> memref<125xi32, #tpu.memory_space<vmem>>
      %dma_wait3A_136 = arith.constant 0 : i32
      %dma_wait3A_137 = arith.constant 0 : i32
      %dma_wait3A_138 = tpu.memref_slice %arg11[%dma_wait3A_136, %dma_wait3A_137] : memref<10000x128xf32, #tpu.memory_space<vmem_shared>> -> memref<10000x128xf32, #tpu.memory_space<vmem_shared>>
      tpu.wait_indirect_dma semaphore(%arg15 : memref<!tpu.dma_semaphore, #tpu.memory_space<semaphore_mem>>) src(%arg10 : memref<125x128xf32, #tpu.memory_space<vmem>>) dst(%dma_wait3A_138 : memref<10000x128xf32, #tpu.memory_space<vmem_shared>>)
      %add3A_139 = arith.constant 3 : i32
      %add3A_140 = arith.addi %mul3A_93, %add3A_139 : i32
      %lt3A_141 = arith.constant 40 : i32
      %lt3A_142 = arith.cmpi slt, %add3A_140, %lt3A_141 : i32
      %convert_element_type3A_143 = arith.extui %lt3A_142 : i1 to i32
      %cond3A_144 = arith.constant 0 : i32
      %cond3A_145 = arith.cmpi ne, %convert_element_type3A_143, %cond3A_144 : i32
      scf.if %cond3A_145 {
        %add3A_146 = arith.constant 3 : i32
        %add3A_147 = arith.addi %mul3A_93, %add3A_146 : i32
        %dma_start3A_148 = arith.constant 0 : i32
        %dma_start3A_149 = tpu.memref_slice %arg7[%add3A_147, %dma_start3A_148] : memref<40x125xi32, #tpu.memory_space<vmem>> -> memref<1x125xi32, #tpu.memory_space<vmem>>
        %dma_start3A_150 = tpu.memref_squeeze %dma_start3A_149 : memref<1x125xi32, #tpu.memory_space<vmem>> -> memref<125xi32, #tpu.memory_space<vmem>>
        %dma_start3A_151 = arith.constant 0 : i32
        %dma_start3A_152 = arith.constant 0 : i32
        %dma_start3A_153 = tpu.memref_slice %arg4[%dma_start3A_151, %dma_start3A_152] : memref<10000x128xf32, #tpu.memory_space<hbm>> -> memref<10000x128xf32, #tpu.memory_space<hbm>>
        tpu.enqueue_indirect_dma source(%dma_start3A_153 : memref<10000x128xf32, #tpu.memory_space<hbm>>) target(%arg10 : memref<125x128xf32, #tpu.memory_space<vmem>>) offsets(%dma_start3A_150 : memref<125xi32, #tpu.memory_space<vmem>>) semaphore(%arg13 : memref<!tpu.dma_semaphore, #tpu.memory_space<semaphore_mem>>)
      } else {
      }
    }
    %scan3A_42 = arith.constant 20 : i32
    %mul3A_43 = arith.constant 16 : i32
    %mul3A_44 = arith.muli %arg0, %mul3A_43 : i32
    %add3A_45 = arith.addi %mul3A_44, %arg1 : i32
    %mul3A_46 = arith.constant 80 : i32
    %mul3A_47 = arith.muli %add3A_45, %mul3A_46 : i32
    %add3A_48 = arith.constant 40 : i32
    %add3A_49 = arith.addi %mul3A_47, %add3A_48 : i32
    "tpu.region"() ({
      %run_scoped3A = tpu.sem_alloc : memref<!tpu.dma_semaphore, #tpu.memory_space<semaphore_mem>>
      %dma_start3A_91 = arith.constant 0 : i32
      %dma_start3A_92 = tpu.memref_slice %arg2[%add3A_49, %dma_start3A_91] : memref<2560x125xi32, #tpu.memory_space<hbm>> -> memref<40x125xi32, #tpu.memory_space<hbm>>
      %dma_start3A_93 = arith.constant 0 : i32
      %dma_start3A_94 = tpu.memref_slice %arg2[%add3A_49, %dma_start3A_93] : memref<2560x125xi32, #tpu.memory_space<hbm>> -> memref<40x125xi32, #tpu.memory_space<hbm>>
      tpu.enqueue_dma source(%dma_start3A_94 : memref<40x125xi32, #tpu.memory_space<hbm>>) target(%arg7 : memref<40x125xi32, #tpu.memory_space<vmem>>) target_semaphore(%run_scoped3A : memref<!tpu.dma_semaphore, #tpu.memory_space<semaphore_mem>>)
      %dma_wait3A = arith.constant 0 : i32
      %dma_wait3A_95 = tpu.memref_slice %arg2[%add3A_49, %dma_wait3A] : memref<2560x125xi32, #tpu.memory_space<hbm>> -> memref<40x125xi32, #tpu.memory_space<hbm>>
      %dma_wait3A_96 = arith.constant 0 : i32
      %dma_wait3A_97 = tpu.memref_slice %arg2[%add3A_49, %dma_wait3A_96] : memref<2560x125xi32, #tpu.memory_space<hbm>> -> memref<40x125xi32, #tpu.memory_space<hbm>>
      tpu.wait_dma2 semaphore(%run_scoped3A : memref<!tpu.dma_semaphore, #tpu.memory_space<semaphore_mem>>) src(%dma_wait3A_97 : memref<40x125xi32, #tpu.memory_space<hbm>>) dst(%arg7 : memref<40x125xi32, #tpu.memory_space<vmem>>)
      tpu.yield
    }) : () -> ()
    "tpu.region"() ({
      %run_scoped3A = tpu.sem_alloc : memref<!tpu.dma_semaphore, #tpu.memory_space<semaphore_mem>>
      %dma_start3A_91 = arith.constant 0 : i32
      %dma_start3A_92 = tpu.memref_slice %arg3[%add3A_49, %dma_start3A_91] : memref<2560x125xi32, #tpu.memory_space<hbm>> -> memref<40x125xi32, #tpu.memory_space<hbm>>
      %dma_start3A_93 = arith.constant 0 : i32
      %dma_start3A_94 = tpu.memref_slice %arg3[%add3A_49, %dma_start3A_93] : memref<2560x125xi32, #tpu.memory_space<hbm>> -> memref<40x125xi32, #tpu.memory_space<hbm>>
      tpu.enqueue_dma source(%dma_start3A_94 : memref<40x125xi32, #tpu.memory_space<hbm>>) target(%arg8 : memref<40x125xi32, #tpu.memory_space<vmem>>) target_semaphore(%run_scoped3A : memref<!tpu.dma_semaphore, #tpu.memory_space<semaphore_mem>>)
      %dma_wait3A = arith.constant 0 : i32
      %dma_wait3A_95 = tpu.memref_slice %arg3[%add3A_49, %dma_wait3A] : memref<2560x125xi32, #tpu.memory_space<hbm>> -> memref<40x125xi32, #tpu.memory_space<hbm>>
      %dma_wait3A_96 = arith.constant 0 : i32
      %dma_wait3A_97 = tpu.memref_slice %arg3[%add3A_49, %dma_wait3A_96] : memref<2560x125xi32, #tpu.memory_space<hbm>> -> memref<40x125xi32, #tpu.memory_space<hbm>>
      tpu.wait_dma2 semaphore(%run_scoped3A : memref<!tpu.dma_semaphore, #tpu.memory_space<semaphore_mem>>) src(%dma_wait3A_97 : memref<40x125xi32, #tpu.memory_space<hbm>>) dst(%arg8 : memref<40x125xi32, #tpu.memory_space<vmem>>)
      tpu.yield
    }) : () -> ()
    %dma_start3A_50 = arith.constant 0 : i32
    %dma_start3A_51 = arith.constant 0 : i32
    %dma_start3A_52 = tpu.memref_slice %arg7[%dma_start3A_50, %dma_start3A_51] : memref<40x125xi32, #tpu.memory_space<vmem>> -> memref<1x125xi32, #tpu.memory_space<vmem>>
    %dma_start3A_53 = tpu.memref_squeeze %dma_start3A_52 : memref<1x125xi32, #tpu.memory_space<vmem>> -> memref<125xi32, #tpu.memory_space<vmem>>
    %dma_start3A_54 = arith.constant 0 : i32
    %dma_start3A_55 = arith.constant 0 : i32
    %dma_start3A_56 = tpu.memref_slice %arg4[%dma_start3A_54, %dma_start3A_55] : memref<10000x128xf32, #tpu.memory_space<hbm>> -> memref<10000x128xf32, #tpu.memory_space<hbm>>
    tpu.enqueue_indirect_dma source(%dma_start3A_56 : memref<10000x128xf32, #tpu.memory_space<hbm>>) target(%arg9 : memref<125x128xf32, #tpu.memory_space<vmem>>) offsets(%dma_start3A_53 : memref<125xi32, #tpu.memory_space<vmem>>) semaphore(%arg12 : memref<!tpu.dma_semaphore, #tpu.memory_space<semaphore_mem>>)
    %dma_start3A_57 = arith.constant 1 : i32
    %dma_start3A_58 = arith.constant 0 : i32
    %dma_start3A_59 = tpu.memref_slice %arg7[%dma_start3A_57, %dma_start3A_58] : memref<40x125xi32, #tpu.memory_space<vmem>> -> memref<1x125xi32, #tpu.memory_space<vmem>>
    %dma_start3A_60 = tpu.memref_squeeze %dma_start3A_59 : memref<1x125xi32, #tpu.memory_space<vmem>> -> memref<125xi32, #tpu.memory_space<vmem>>
    %dma_start3A_61 = arith.constant 0 : i32
    %dma_start3A_62 = arith.constant 0 : i32
    %dma_start3A_63 = tpu.memref_slice %arg4[%dma_start3A_61, %dma_start3A_62] : memref<10000x128xf32, #tpu.memory_space<hbm>> -> memref<10000x128xf32, #tpu.memory_space<hbm>>
    tpu.enqueue_indirect_dma source(%dma_start3A_63 : memref<10000x128xf32, #tpu.memory_space<hbm>>) target(%arg10 : memref<125x128xf32, #tpu.memory_space<vmem>>) offsets(%dma_start3A_60 : memref<125xi32, #tpu.memory_space<vmem>>) semaphore(%arg13 : memref<!tpu.dma_semaphore, #tpu.memory_space<semaphore_mem>>)
    %scan3A_64 = arith.constant 0 : i32
    %scan3A_65 = arith.constant 0 : i32
    %scan3A_66 = arith.constant 20 : i32
    %scan3A_67 = arith.addi %scan3A_65, %scan3A_66 : i32
    %scan3A_68 = arith.constant 1 : i32
    scf.for %scan3A_91 = %scan3A_65 to %scan3A_67 step %scan3A_68  : i32 {
      %mul3A_92 = arith.constant 2 : i32
      %mul3A_93 = arith.muli %mul3A_92, %scan3A_91 : i32
      %dma_wait3A = arith.constant 0 : i32
      %dma_wait3A_94 = arith.constant 0 : i32
      %dma_wait3A_95 = tpu.memref_slice %arg7[%dma_wait3A, %dma_wait3A_94] : memref<40x125xi32, #tpu.memory_space<vmem>> -> memref<1x125xi32, #tpu.memory_space<vmem>>
      %dma_wait3A_96 = tpu.memref_squeeze %dma_wait3A_95 : memref<1x125xi32, #tpu.memory_space<vmem>> -> memref<125xi32, #tpu.memory_space<vmem>>
      %dma_wait3A_97 = arith.constant 0 : i32
      %dma_wait3A_98 = arith.constant 0 : i32
      %dma_wait3A_99 = tpu.memref_slice %arg4[%dma_wait3A_97, %dma_wait3A_98] : memref<10000x128xf32, #tpu.memory_space<hbm>> -> memref<10000x128xf32, #tpu.memory_space<hbm>>
      tpu.wait_indirect_dma semaphore(%arg12 : memref<!tpu.dma_semaphore, #tpu.memory_space<semaphore_mem>>) src(%dma_wait3A_99 : memref<10000x128xf32, #tpu.memory_space<hbm>>) dst(%arg9 : memref<125x128xf32, #tpu.memory_space<vmem>>)
      %dma_start3A_100 = arith.constant 0 : i32
      %dma_start3A_101 = tpu.memref_slice %arg8[%mul3A_93, %dma_start3A_100] : memref<40x125xi32, #tpu.memory_space<vmem>> -> memref<1x125xi32, #tpu.memory_space<vmem>>
      %dma_start3A_102 = tpu.memref_squeeze %dma_start3A_101 : memref<1x125xi32, #tpu.memory_space<vmem>> -> memref<125xi32, #tpu.memory_space<vmem>>
      %dma_start3A_103 = arith.constant 0 : i32
      %dma_start3A_104 = arith.constant 0 : i32
      %dma_start3A_105 = tpu.memref_slice %arg11[%dma_start3A_103, %dma_start3A_104] : memref<10000x128xf32, #tpu.memory_space<vmem_shared>> -> memref<10000x128xf32, #tpu.memory_space<vmem_shared>>
      tpu.enqueue_indirect_dma source(%arg9 : memref<125x128xf32, #tpu.memory_space<vmem>>) target(%dma_start3A_105 : memref<10000x128xf32, #tpu.memory_space<vmem_shared>>) offsets(%dma_start3A_102 : memref<125xi32, #tpu.memory_space<vmem>>) semaphore(%arg14 : memref<!tpu.dma_semaphore, #tpu.memory_space<semaphore_mem>>) {add = true}
      %dma_wait3A_106 = arith.constant 0 : i32
      %dma_wait3A_107 = arith.constant 0 : i32
      %dma_wait3A_108 = tpu.memref_slice %arg8[%dma_wait3A_106, %dma_wait3A_107] : memref<40x125xi32, #tpu.memory_space<vmem>> -> memref<1x125xi32, #tpu.memory_space<vmem>>
      %dma_wait3A_109 = tpu.memref_squeeze %dma_wait3A_108 : memref<1x125xi32, #tpu.memory_space<vmem>> -> memref<125xi32, #tpu.memory_space<vmem>>
      %dma_wait3A_110 = arith.constant 0 : i32
      %dma_wait3A_111 = arith.constant 0 : i32
      %dma_wait3A_112 = tpu.memref_slice %arg11[%dma_wait3A_110, %dma_wait3A_111] : memref<10000x128xf32, #tpu.memory_space<vmem_shared>> -> memref<10000x128xf32, #tpu.memory_space<vmem_shared>>
      tpu.wait_indirect_dma semaphore(%arg14 : memref<!tpu.dma_semaphore, #tpu.memory_space<semaphore_mem>>) src(%arg9 : memref<125x128xf32, #tpu.memory_space<vmem>>) dst(%dma_wait3A_112 : memref<10000x128xf32, #tpu.memory_space<vmem_shared>>)
      %add3A_113 = arith.constant 2 : i32
      %add3A_114 = arith.addi %mul3A_93, %add3A_113 : i32
      %lt3A = arith.constant 40 : i32
      %lt3A_115 = arith.cmpi slt, %add3A_114, %lt3A : i32
      %convert_element_type3A = arith.extui %lt3A_115 : i1 to i32
      %cond3A = arith.constant 0 : i32
      %cond3A_116 = arith.cmpi ne, %convert_element_type3A, %cond3A : i32
      scf.if %cond3A_116 {
        %add3A_146 = arith.constant 2 : i32
        %add3A_147 = arith.addi %mul3A_93, %add3A_146 : i32
        %dma_start3A_148 = arith.constant 0 : i32
        %dma_start3A_149 = tpu.memref_slice %arg7[%add3A_147, %dma_start3A_148] : memref<40x125xi32, #tpu.memory_space<vmem>> -> memref<1x125xi32, #tpu.memory_space<vmem>>
        %dma_start3A_150 = tpu.memref_squeeze %dma_start3A_149 : memref<1x125xi32, #tpu.memory_space<vmem>> -> memref<125xi32, #tpu.memory_space<vmem>>
        %dma_start3A_151 = arith.constant 0 : i32
        %dma_start3A_152 = arith.constant 0 : i32
        %dma_start3A_153 = tpu.memref_slice %arg4[%dma_start3A_151, %dma_start3A_152] : memref<10000x128xf32, #tpu.memory_space<hbm>> -> memref<10000x128xf32, #tpu.memory_space<hbm>>
        tpu.enqueue_indirect_dma source(%dma_start3A_153 : memref<10000x128xf32, #tpu.memory_space<hbm>>) target(%arg9 : memref<125x128xf32, #tpu.memory_space<vmem>>) offsets(%dma_start3A_150 : memref<125xi32, #tpu.memory_space<vmem>>) semaphore(%arg12 : memref<!tpu.dma_semaphore, #tpu.memory_space<semaphore_mem>>)
      } else {
      }
      %dma_wait3A_117 = arith.constant 0 : i32
      %dma_wait3A_118 = arith.constant 0 : i32
      %dma_wait3A_119 = tpu.memref_slice %arg7[%dma_wait3A_117, %dma_wait3A_118] : memref<40x125xi32, #tpu.memory_space<vmem>> -> memref<1x125xi32, #tpu.memory_space<vmem>>
      %dma_wait3A_120 = tpu.memref_squeeze %dma_wait3A_119 : memref<1x125xi32, #tpu.memory_space<vmem>> -> memref<125xi32, #tpu.memory_space<vmem>>
      %dma_wait3A_121 = arith.constant 0 : i32
      %dma_wait3A_122 = arith.constant 0 : i32
      %dma_wait3A_123 = tpu.memref_slice %arg4[%dma_wait3A_121, %dma_wait3A_122] : memref<10000x128xf32, #tpu.memory_space<hbm>> -> memref<10000x128xf32, #tpu.memory_space<hbm>>
      tpu.wait_indirect_dma semaphore(%arg13 : memref<!tpu.dma_semaphore, #tpu.memory_space<semaphore_mem>>) src(%dma_wait3A_123 : memref<10000x128xf32, #tpu.memory_space<hbm>>) dst(%arg10 : memref<125x128xf32, #tpu.memory_space<vmem>>)
      %add3A_124 = arith.constant 1 : i32
      %add3A_125 = arith.addi %mul3A_93, %add3A_124 : i32
      %dma_start3A_126 = arith.constant 0 : i32
      %dma_start3A_127 = tpu.memref_slice %arg8[%add3A_125, %dma_start3A_126] : memref<40x125xi32, #tpu.memory_space<vmem>> -> memref<1x125xi32, #tpu.memory_space<vmem>>
      %dma_start3A_128 = tpu.memref_squeeze %dma_start3A_127 : memref<1x125xi32, #tpu.memory_space<vmem>> -> memref<125xi32, #tpu.memory_space<vmem>>
      %dma_start3A_129 = arith.constant 0 : i32
      %dma_start3A_130 = arith.constant 0 : i32
      %dma_start3A_131 = tpu.memref_slice %arg11[%dma_start3A_129, %dma_start3A_130] : memref<10000x128xf32, #tpu.memory_space<vmem_shared>> -> memref<10000x128xf32, #tpu.memory_space<vmem_shared>>
      tpu.enqueue_indirect_dma source(%arg10 : memref<125x128xf32, #tpu.memory_space<vmem>>) target(%dma_start3A_131 : memref<10000x128xf32, #tpu.memory_space<vmem_shared>>) offsets(%dma_start3A_128 : memref<125xi32, #tpu.memory_space<vmem>>) semaphore(%arg15 : memref<!tpu.dma_semaphore, #tpu.memory_space<semaphore_mem>>) {add = true}
      %dma_wait3A_132 = arith.constant 0 : i32
      %dma_wait3A_133 = arith.constant 0 : i32
      %dma_wait3A_134 = tpu.memref_slice %arg8[%dma_wait3A_132, %dma_wait3A_133] : memref<40x125xi32, #tpu.memory_space<vmem>> -> memref<1x125xi32, #tpu.memory_space<vmem>>
      %dma_wait3A_135 = tpu.memref_squeeze %dma_wait3A_134 : memref<1x125xi32, #tpu.memory_space<vmem>> -> memref<125xi32, #tpu.memory_space<vmem>>
      %dma_wait3A_136 = arith.constant 0 : i32
      %dma_wait3A_137 = arith.constant 0 : i32
      %dma_wait3A_138 = tpu.memref_slice %arg11[%dma_wait3A_136, %dma_wait3A_137] : memref<10000x128xf32, #tpu.memory_space<vmem_shared>> -> memref<10000x128xf32, #tpu.memory_space<vmem_shared>>
      tpu.wait_indirect_dma semaphore(%arg15 : memref<!tpu.dma_semaphore, #tpu.memory_space<semaphore_mem>>) src(%arg10 : memref<125x128xf32, #tpu.memory_space<vmem>>) dst(%dma_wait3A_138 : memref<10000x128xf32, #tpu.memory_space<vmem_shared>>)
      %add3A_139 = arith.constant 3 : i32
      %add3A_140 = arith.addi %mul3A_93, %add3A_139 : i32
      %lt3A_141 = arith.constant 40 : i32
      %lt3A_142 = arith.cmpi slt, %add3A_140, %lt3A_141 : i32
      %convert_element_type3A_143 = arith.extui %lt3A_142 : i1 to i32
      %cond3A_144 = arith.constant 0 : i32
      %cond3A_145 = arith.cmpi ne, %convert_element_type3A_143, %cond3A_144 : i32
      scf.if %cond3A_145 {
        %add3A_146 = arith.constant 3 : i32
        %add3A_147 = arith.addi %mul3A_93, %add3A_146 : i32
        %dma_start3A_148 = arith.constant 0 : i32
        %dma_start3A_149 = tpu.memref_slice %arg7[%add3A_147, %dma_start3A_148] : memref<40x125xi32, #tpu.memory_space<vmem>> -> memref<1x125xi32, #tpu.memory_space<vmem>>
        %dma_start3A_150 = tpu.memref_squeeze %dma_start3A_149 : memref<1x125xi32, #tpu.memory_space<vmem>> -> memref<125xi32, #tpu.memory_space<vmem>>
        %dma_start3A_151 = arith.constant 0 : i32
        %dma_start3A_152 = arith.constant 0 : i32
        %dma_start3A_153 = tpu.memref_slice %arg4[%dma_start3A_151, %dma_start3A_152] : memref<10000x128xf32, #tpu.memory_space<hbm>> -> memref<10000x128xf32, #tpu.memory_space<hbm>>
        tpu.enqueue_indirect_dma source(%dma_start3A_153 : memref<10000x128xf32, #tpu.memory_space<hbm>>) target(%arg10 : memref<125x128xf32, #tpu.memory_space<vmem>>) offsets(%dma_start3A_150 : memref<125xi32, #tpu.memory_space<vmem>>) semaphore(%arg13 : memref<!tpu.dma_semaphore, #tpu.memory_space<semaphore_mem>>)
      } else {
      }
    }
    %scan3A_69 = arith.constant 20 : i32
    %barrier3A_70 = arith.constant 0 : index
    tpu.barrier barrier_id(%barrier3A_70)
    %mul3A_71 = arith.constant 625 : i32
    %mul3A_72 = arith.muli %arg1, %mul3A_71 : i32
    %add3A_73 = arith.constant 0 : i32
    %add3A_74 = arith.addi %mul3A_72, %add3A_73 : i32
    "tpu.region"() ({
      %run_scoped3A = tpu.sem_alloc : memref<!tpu.dma_semaphore, #tpu.memory_space<semaphore_mem>>
      %dma_start3A_91 = arith.constant 0 : i32
      %dma_start3A_92 = tpu.memref_slice %arg6[%arg0, %add3A_74, %dma_start3A_91] : memref<2x10000x128xf32, #tpu.memory_space<hbm>> -> memref<1x125x128xf32, #tpu.memory_space<hbm>>
      %dma_start3A_93 = tpu.memref_squeeze %dma_start3A_92 : memref<1x125x128xf32, #tpu.memory_space<hbm>> -> memref<125x128xf32, #tpu.memory_space<hbm>>
      %dma_start3A_94 = arith.constant 0 : i32
      %dma_start3A_95 = tpu.memref_slice %arg11[%add3A_74, %dma_start3A_94] : memref<10000x128xf32, #tpu.memory_space<vmem_shared>> -> memref<125x128xf32, #tpu.memory_space<vmem_shared>>
      tpu.enqueue_dma source(%dma_start3A_95 : memref<125x128xf32, #tpu.memory_space<vmem_shared>>) target(%dma_start3A_93 : memref<125x128xf32, #tpu.memory_space<hbm>>) target_semaphore(%run_scoped3A : memref<!tpu.dma_semaphore, #tpu.memory_space<semaphore_mem>>)
      %dma_wait3A = arith.constant 0 : i32
      %dma_wait3A_96 = tpu.memref_slice %arg6[%arg0, %add3A_74, %dma_wait3A] : memref<2x10000x128xf32, #tpu.memory_space<hbm>> -> memref<1x125x128xf32, #tpu.memory_space<hbm>>
      %dma_wait3A_97 = tpu.memref_squeeze %dma_wait3A_96 : memref<1x125x128xf32, #tpu.memory_space<hbm>> -> memref<125x128xf32, #tpu.memory_space<hbm>>
      %dma_wait3A_98 = arith.constant 0 : i32
      %dma_wait3A_99 = tpu.memref_slice %arg11[%add3A_74, %dma_wait3A_98] : memref<10000x128xf32, #tpu.memory_space<vmem_shared>> -> memref<125x128xf32, #tpu.memory_space<vmem_shared>>
      tpu.wait_dma2 semaphore(%run_scoped3A : memref<!tpu.dma_semaphore, #tpu.memory_space<semaphore_mem>>) src(%dma_wait3A_99 : memref<125x128xf32, #tpu.memory_space<vmem_shared>>) dst(%dma_wait3A_97 : memref<125x128xf32, #tpu.memory_space<hbm>>)
      tpu.yield
    }) : () -> ()
    %mul3A_75 = arith.constant 625 : i32
    %mul3A_76 = arith.muli %arg1, %mul3A_75 : i32
    %add3A_77 = arith.constant 125 : i32
    %add3A_78 = arith.addi %mul3A_76, %add3A_77 : i32
    "tpu.region"() ({
      %run_scoped3A = tpu.sem_alloc : memref<!tpu.dma_semaphore, #tpu.memory_space<semaphore_mem>>
      %dma_start3A_91 = arith.constant 0 : i32
      %dma_start3A_92 = tpu.memref_slice %arg6[%arg0, %add3A_78, %dma_start3A_91] : memref<2x10000x128xf32, #tpu.memory_space<hbm>> -> memref<1x125x128xf32, #tpu.memory_space<hbm>>
      %dma_start3A_93 = tpu.memref_squeeze %dma_start3A_92 : memref<1x125x128xf32, #tpu.memory_space<hbm>> -> memref<125x128xf32, #tpu.memory_space<hbm>>
      %dma_start3A_94 = arith.constant 0 : i32
      %dma_start3A_95 = tpu.memref_slice %arg11[%add3A_78, %dma_start3A_94] : memref<10000x128xf32, #tpu.memory_space<vmem_shared>> -> memref<125x128xf32, #tpu.memory_space<vmem_shared>>
      tpu.enqueue_dma source(%dma_start3A_95 : memref<125x128xf32, #tpu.memory_space<vmem_shared>>) target(%dma_start3A_93 : memref<125x128xf32, #tpu.memory_space<hbm>>) target_semaphore(%run_scoped3A : memref<!tpu.dma_semaphore, #tpu.memory_space<semaphore_mem>>)
      %dma_wait3A = arith.constant 0 : i32
      %dma_wait3A_96 = tpu.memref_slice %arg6[%arg0, %add3A_78, %dma_wait3A] : memref<2x10000x128xf32, #tpu.memory_space<hbm>> -> memref<1x125x128xf32, #tpu.memory_space<hbm>>
      %dma_wait3A_97 = tpu.memref_squeeze %dma_wait3A_96 : memref<1x125x128xf32, #tpu.memory_space<hbm>> -> memref<125x128xf32, #tpu.memory_space<hbm>>
      %dma_wait3A_98 = arith.constant 0 : i32
      %dma_wait3A_99 = tpu.memref_slice %arg11[%add3A_78, %dma_wait3A_98] : memref<10000x128xf32, #tpu.memory_space<vmem_shared>> -> memref<125x128xf32, #tpu.memory_space<vmem_shared>>
      tpu.wait_dma2 semaphore(%run_scoped3A : memref<!tpu.dma_semaphore, #tpu.memory_space<semaphore_mem>>) src(%dma_wait3A_99 : memref<125x128xf32, #tpu.memory_space<vmem_shared>>) dst(%dma_wait3A_97 : memref<125x128xf32, #tpu.memory_space<hbm>>)
      tpu.yield
    }) : () -> ()
    %mul3A_79 = arith.constant 625 : i32
    %mul3A_80 = arith.muli %arg1, %mul3A_79 : i32
    %add3A_81 = arith.constant 250 : i32
    %add3A_82 = arith.addi %mul3A_80, %add3A_81 : i32
    "tpu.region"() ({
      %run_scoped3A = tpu.sem_alloc : memref<!tpu.dma_semaphore, #tpu.memory_space<semaphore_mem>>
      %dma_start3A_91 = arith.constant 0 : i32
      %dma_start3A_92 = tpu.memref_slice %arg6[%arg0, %add3A_82, %dma_start3A_91] : memref<2x10000x128xf32, #tpu.memory_space<hbm>> -> memref<1x125x128xf32, #tpu.memory_space<hbm>>
      %dma_start3A_93 = tpu.memref_squeeze %dma_start3A_92 : memref<1x125x128xf32, #tpu.memory_space<hbm>> -> memref<125x128xf32, #tpu.memory_space<hbm>>
      %dma_start3A_94 = arith.constant 0 : i32
      %dma_start3A_95 = tpu.memref_slice %arg11[%add3A_82, %dma_start3A_94] : memref<10000x128xf32, #tpu.memory_space<vmem_shared>> -> memref<125x128xf32, #tpu.memory_space<vmem_shared>>
      tpu.enqueue_dma source(%dma_start3A_95 : memref<125x128xf32, #tpu.memory_space<vmem_shared>>) target(%dma_start3A_93 : memref<125x128xf32, #tpu.memory_space<hbm>>) target_semaphore(%run_scoped3A : memref<!tpu.dma_semaphore, #tpu.memory_space<semaphore_mem>>)
      %dma_wait3A = arith.constant 0 : i32
      %dma_wait3A_96 = tpu.memref_slice %arg6[%arg0, %add3A_82, %dma_wait3A] : memref<2x10000x128xf32, #tpu.memory_space<hbm>> -> memref<1x125x128xf32, #tpu.memory_space<hbm>>
      %dma_wait3A_97 = tpu.memref_squeeze %dma_wait3A_96 : memref<1x125x128xf32, #tpu.memory_space<hbm>> -> memref<125x128xf32, #tpu.memory_space<hbm>>
      %dma_wait3A_98 = arith.constant 0 : i32
      %dma_wait3A_99 = tpu.memref_slice %arg11[%add3A_82, %dma_wait3A_98] : memref<10000x128xf32, #tpu.memory_space<vmem_shared>> -> memref<125x128xf32, #tpu.memory_space<vmem_shared>>
      tpu.wait_dma2 semaphore(%run_scoped3A : memref<!tpu.dma_semaphore, #tpu.memory_space<semaphore_mem>>) src(%dma_wait3A_99 : memref<125x128xf32, #tpu.memory_space<vmem_shared>>) dst(%dma_wait3A_97 : memref<125x128xf32, #tpu.memory_space<hbm>>)
      tpu.yield
    }) : () -> ()
    %mul3A_83 = arith.constant 625 : i32
    %mul3A_84 = arith.muli %arg1, %mul3A_83 : i32
    %add3A_85 = arith.constant 375 : i32
    %add3A_86 = arith.addi %mul3A_84, %add3A_85 : i32
    "tpu.region"() ({
      %run_scoped3A = tpu.sem_alloc : memref<!tpu.dma_semaphore, #tpu.memory_space<semaphore_mem>>
      %dma_start3A_91 = arith.constant 0 : i32
      %dma_start3A_92 = tpu.memref_slice %arg6[%arg0, %add3A_86, %dma_start3A_91] : memref<2x10000x128xf32, #tpu.memory_space<hbm>> -> memref<1x125x128xf32, #tpu.memory_space<hbm>>
      %dma_start3A_93 = tpu.memref_squeeze %dma_start3A_92 : memref<1x125x128xf32, #tpu.memory_space<hbm>> -> memref<125x128xf32, #tpu.memory_space<hbm>>
      %dma_start3A_94 = arith.constant 0 : i32
      %dma_start3A_95 = tpu.memref_slice %arg11[%add3A_86, %dma_start3A_94] : memref<10000x128xf32, #tpu.memory_space<vmem_shared>> -> memref<125x128xf32, #tpu.memory_space<vmem_shared>>
      tpu.enqueue_dma source(%dma_start3A_95 : memref<125x128xf32, #tpu.memory_space<vmem_shared>>) target(%dma_start3A_93 : memref<125x128xf32, #tpu.memory_space<hbm>>) target_semaphore(%run_scoped3A : memref<!tpu.dma_semaphore, #tpu.memory_space<semaphore_mem>>)
      %dma_wait3A = arith.constant 0 : i32
      %dma_wait3A_96 = tpu.memref_slice %arg6[%arg0, %add3A_86, %dma_wait3A] : memref<2x10000x128xf32, #tpu.memory_space<hbm>> -> memref<1x125x128xf32, #tpu.memory_space<hbm>>
      %dma_wait3A_97 = tpu.memref_squeeze %dma_wait3A_96 : memref<1x125x128xf32, #tpu.memory_space<hbm>> -> memref<125x128xf32, #tpu.memory_space<hbm>>
      %dma_wait3A_98 = arith.constant 0 : i32
      %dma_wait3A_99 = tpu.memref_slice %arg11[%add3A_86, %dma_wait3A_98] : memref<10000x128xf32, #tpu.memory_space<vmem_shared>> -> memref<125x128xf32, #tpu.memory_space<vmem_shared>>
      tpu.wait_dma2 semaphore(%run_scoped3A : memref<!tpu.dma_semaphore, #tpu.memory_space<semaphore_mem>>) src(%dma_wait3A_99 : memref<125x128xf32, #tpu.memory_space<vmem_shared>>) dst(%dma_wait3A_97 : memref<125x128xf32, #tpu.memory_space<hbm>>)
      tpu.yield
    }) : () -> ()
    %mul3A_87 = arith.constant 625 : i32
    %mul3A_88 = arith.muli %arg1, %mul3A_87 : i32
    %add3A_89 = arith.constant 500 : i32
    %add3A_90 = arith.addi %mul3A_88, %add3A_89 : i32
    "tpu.region"() ({
      %run_scoped3A = tpu.sem_alloc : memref<!tpu.dma_semaphore, #tpu.memory_space<semaphore_mem>>
      %dma_start3A_91 = arith.constant 0 : i32
      %dma_start3A_92 = tpu.memref_slice %arg6[%arg0, %add3A_90, %dma_start3A_91] : memref<2x10000x128xf32, #tpu.memory_space<hbm>> -> memref<1x125x128xf32, #tpu.memory_space<hbm>>
      %dma_start3A_93 = tpu.memref_squeeze %dma_start3A_92 : memref<1x125x128xf32, #tpu.memory_space<hbm>> -> memref<125x128xf32, #tpu.memory_space<hbm>>
      %dma_start3A_94 = arith.constant 0 : i32
      %dma_start3A_95 = tpu.memref_slice %arg11[%add3A_90, %dma_start3A_94] : memref<10000x128xf32, #tpu.memory_space<vmem_shared>> -> memref<125x128xf32, #tpu.memory_space<vmem_shared>>
      tpu.enqueue_dma source(%dma_start3A_95 : memref<125x128xf32, #tpu.memory_space<vmem_shared>>) target(%dma_start3A_93 : memref<125x128xf32, #tpu.memory_space<hbm>>) target_semaphore(%run_scoped3A : memref<!tpu.dma_semaphore, #tpu.memory_space<semaphore_mem>>)
      %dma_wait3A = arith.constant 0 : i32
      %dma_wait3A_96 = tpu.memref_slice %arg6[%arg0, %add3A_90, %dma_wait3A] : memref<2x10000x128xf32, #tpu.memory_space<hbm>> -> memref<1x125x128xf32, #tpu.memory_space<hbm>>
      %dma_wait3A_97 = tpu.memref_squeeze %dma_wait3A_96 : memref<1x125x128xf32, #tpu.memory_space<hbm>> -> memref<125x128xf32, #tpu.memory_space<hbm>>
      %dma_wait3A_98 = arith.constant 0 : i32
      %dma_wait3A_99 = tpu.memref_slice %arg11[%add3A_90, %dma_wait3A_98] : memref<10000x128xf32, #tpu.memory_space<vmem_shared>> -> memref<125x128xf32, #tpu.memory_space<vmem_shared>>
      tpu.wait_dma2 semaphore(%run_scoped3A : memref<!tpu.dma_semaphore, #tpu.memory_space<semaphore_mem>>) src(%dma_wait3A_99 : memref<125x128xf32, #tpu.memory_space<vmem_shared>>) dst(%dma_wait3A_97 : memref<125x128xf32, #tpu.memory_space<hbm>>)
      tpu.yield
    }) : () -> ()
    return
  }
}

#map = affine_map<(d0, d1) -> (0, 0)>
#map1 = affine_map<(d0, d1) -> (0, 0, 0)>
module attributes {stable_mosaic.version = 14 : i64} {
  func.func @_sc_deg(%arg0: i32, %arg1: i32, %arg2: memref<640x500xi32, #tpu.memory_space<hbm>>, %arg3: memref<500x16xf32, #tpu.memory_space<hbm>>, %arg4: memref<200x16xf32, #tpu.memory_space<hbm>>, %arg5: memref<2x10000x16xf32, #tpu.memory_space<hbm>>, %arg6: memref<20x500xi32, #tpu.memory_space<vmem>>, %arg7: memref<500x16xf32, #tpu.memory_space<vmem>>, %arg8: memref<200x16xf32, #tpu.memory_space<vmem>>, %arg9: memref<10000x16xf32, #tpu.memory_space<vmem_shared>>) attributes {dimension_semantics = [#tpu.dimension_semantics<core_parallel>, #tpu.dimension_semantics<subcore_parallel>], iteration_bounds = array<i64: 2, 16>, scalar_prefetch = 0 : i64, scratch_operands = 4 : i64, tpu.core_type = #tpu.core_type<sc_vector_subcore>, window_params = [{transform_indices = #map}, {transform_indices = #map}, {transform_indices = #map}, {transform_indices = #map1}]} {
    "tpu.region"() ({
      %run_scoped3A = tpu.sem_alloc : memref<!tpu.dma_semaphore, #tpu.memory_space<semaphore_mem>>
      tpu.enqueue_dma source(%arg3 : memref<500x16xf32, #tpu.memory_space<hbm>>) target(%arg7 : memref<500x16xf32, #tpu.memory_space<vmem>>) target_semaphore(%run_scoped3A : memref<!tpu.dma_semaphore, #tpu.memory_space<semaphore_mem>>)
      tpu.wait_dma2 semaphore(%run_scoped3A : memref<!tpu.dma_semaphore, #tpu.memory_space<semaphore_mem>>) src(%arg3 : memref<500x16xf32, #tpu.memory_space<hbm>>) dst(%arg7 : memref<500x16xf32, #tpu.memory_space<vmem>>)
      tpu.yield
    }) : () -> ()
    "tpu.region"() ({
      %run_scoped3A = tpu.sem_alloc : memref<!tpu.dma_semaphore, #tpu.memory_space<semaphore_mem>>
      tpu.enqueue_dma source(%arg4 : memref<200x16xf32, #tpu.memory_space<hbm>>) target(%arg8 : memref<200x16xf32, #tpu.memory_space<vmem>>) target_semaphore(%run_scoped3A : memref<!tpu.dma_semaphore, #tpu.memory_space<semaphore_mem>>)
      tpu.wait_dma2 semaphore(%run_scoped3A : memref<!tpu.dma_semaphore, #tpu.memory_space<semaphore_mem>>) src(%arg4 : memref<200x16xf32, #tpu.memory_space<hbm>>) dst(%arg8 : memref<200x16xf32, #tpu.memory_space<vmem>>)
      tpu.yield
    }) : () -> ()
    %add3A = arith.constant 0 : i32
    %add3A_0 = arith.addi %arg1, %add3A : i32
    %lt3A = arith.constant 50 : i32
    %lt3A_1 = arith.cmpi slt, %add3A_0, %lt3A : i32
    %convert_element_type3A = arith.extui %lt3A_1 : i1 to i32
    %cond3A = arith.constant 0 : i32
    %cond3A_2 = arith.cmpi ne, %convert_element_type3A, %cond3A : i32
    scf.if %cond3A_2 {
      %mul3A_62 = arith.constant 200 : i32
      %mul3A_63 = arith.muli %add3A_0, %mul3A_62 : i32
      %multiple_of3A = tpu.assume_multiple %mul3A_63, 8 : i32
      "tpu.region"() ({
        %run_scoped3A = tpu.sem_alloc : memref<!tpu.dma_semaphore, #tpu.memory_space<semaphore_mem>>
        %dma_start3A = arith.constant 0 : i32
        %dma_start3A_64 = tpu.memref_slice %arg9[%multiple_of3A, %dma_start3A] : memref<10000x16xf32, #tpu.memory_space<vmem_shared>> -> memref<200x16xf32, #tpu.memory_space<vmem_shared>>
        %dma_start3A_65 = arith.constant 0 : i32
        %dma_start3A_66 = tpu.memref_slice %arg9[%multiple_of3A, %dma_start3A_65] : memref<10000x16xf32, #tpu.memory_space<vmem_shared>> -> memref<200x16xf32, #tpu.memory_space<vmem_shared>>
        tpu.enqueue_dma source(%arg8 : memref<200x16xf32, #tpu.memory_space<vmem>>) target(%dma_start3A_66 : memref<200x16xf32, #tpu.memory_space<vmem_shared>>) target_semaphore(%run_scoped3A : memref<!tpu.dma_semaphore, #tpu.memory_space<semaphore_mem>>)
        %dma_wait3A = arith.constant 0 : i32
        %dma_wait3A_67 = tpu.memref_slice %arg9[%multiple_of3A, %dma_wait3A] : memref<10000x16xf32, #tpu.memory_space<vmem_shared>> -> memref<200x16xf32, #tpu.memory_space<vmem_shared>>
        %dma_wait3A_68 = arith.constant 0 : i32
        %dma_wait3A_69 = tpu.memref_slice %arg9[%multiple_of3A, %dma_wait3A_68] : memref<10000x16xf32, #tpu.memory_space<vmem_shared>> -> memref<200x16xf32, #tpu.memory_space<vmem_shared>>
        tpu.wait_dma2 semaphore(%run_scoped3A : memref<!tpu.dma_semaphore, #tpu.memory_space<semaphore_mem>>) src(%arg8 : memref<200x16xf32, #tpu.memory_space<vmem>>) dst(%dma_wait3A_69 : memref<200x16xf32, #tpu.memory_space<vmem_shared>>)
        tpu.yield
      }) : () -> ()
    } else {
    }
    %add3A_3 = arith.constant 16 : i32
    %add3A_4 = arith.addi %arg1, %add3A_3 : i32
    %lt3A_5 = arith.constant 50 : i32
    %lt3A_6 = arith.cmpi slt, %add3A_4, %lt3A_5 : i32
    %convert_element_type3A_7 = arith.extui %lt3A_6 : i1 to i32
    %cond3A_8 = arith.constant 0 : i32
    %cond3A_9 = arith.cmpi ne, %convert_element_type3A_7, %cond3A_8 : i32
    scf.if %cond3A_9 {
      %mul3A_62 = arith.constant 200 : i32
      %mul3A_63 = arith.muli %add3A_4, %mul3A_62 : i32
      %multiple_of3A = tpu.assume_multiple %mul3A_63, 8 : i32
      "tpu.region"() ({
        %run_scoped3A = tpu.sem_alloc : memref<!tpu.dma_semaphore, #tpu.memory_space<semaphore_mem>>
        %dma_start3A = arith.constant 0 : i32
        %dma_start3A_64 = tpu.memref_slice %arg9[%multiple_of3A, %dma_start3A] : memref<10000x16xf32, #tpu.memory_space<vmem_shared>> -> memref<200x16xf32, #tpu.memory_space<vmem_shared>>
        %dma_start3A_65 = arith.constant 0 : i32
        %dma_start3A_66 = tpu.memref_slice %arg9[%multiple_of3A, %dma_start3A_65] : memref<10000x16xf32, #tpu.memory_space<vmem_shared>> -> memref<200x16xf32, #tpu.memory_space<vmem_shared>>
        tpu.enqueue_dma source(%arg8 : memref<200x16xf32, #tpu.memory_space<vmem>>) target(%dma_start3A_66 : memref<200x16xf32, #tpu.memory_space<vmem_shared>>) target_semaphore(%run_scoped3A : memref<!tpu.dma_semaphore, #tpu.memory_space<semaphore_mem>>)
        %dma_wait3A = arith.constant 0 : i32
        %dma_wait3A_67 = tpu.memref_slice %arg9[%multiple_of3A, %dma_wait3A] : memref<10000x16xf32, #tpu.memory_space<vmem_shared>> -> memref<200x16xf32, #tpu.memory_space<vmem_shared>>
        %dma_wait3A_68 = arith.constant 0 : i32
        %dma_wait3A_69 = tpu.memref_slice %arg9[%multiple_of3A, %dma_wait3A_68] : memref<10000x16xf32, #tpu.memory_space<vmem_shared>> -> memref<200x16xf32, #tpu.memory_space<vmem_shared>>
        tpu.wait_dma2 semaphore(%run_scoped3A : memref<!tpu.dma_semaphore, #tpu.memory_space<semaphore_mem>>) src(%arg8 : memref<200x16xf32, #tpu.memory_space<vmem>>) dst(%dma_wait3A_69 : memref<200x16xf32, #tpu.memory_space<vmem_shared>>)
        tpu.yield
      }) : () -> ()
    } else {
    }
    %add3A_10 = arith.constant 32 : i32
    %add3A_11 = arith.addi %arg1, %add3A_10 : i32
    %lt3A_12 = arith.constant 50 : i32
    %lt3A_13 = arith.cmpi slt, %add3A_11, %lt3A_12 : i32
    %convert_element_type3A_14 = arith.extui %lt3A_13 : i1 to i32
    %cond3A_15 = arith.constant 0 : i32
    %cond3A_16 = arith.cmpi ne, %convert_element_type3A_14, %cond3A_15 : i32
    scf.if %cond3A_16 {
      %mul3A_62 = arith.constant 200 : i32
      %mul3A_63 = arith.muli %add3A_11, %mul3A_62 : i32
      %multiple_of3A = tpu.assume_multiple %mul3A_63, 8 : i32
      "tpu.region"() ({
        %run_scoped3A = tpu.sem_alloc : memref<!tpu.dma_semaphore, #tpu.memory_space<semaphore_mem>>
        %dma_start3A = arith.constant 0 : i32
        %dma_start3A_64 = tpu.memref_slice %arg9[%multiple_of3A, %dma_start3A] : memref<10000x16xf32, #tpu.memory_space<vmem_shared>> -> memref<200x16xf32, #tpu.memory_space<vmem_shared>>
        %dma_start3A_65 = arith.constant 0 : i32
        %dma_start3A_66 = tpu.memref_slice %arg9[%multiple_of3A, %dma_start3A_65] : memref<10000x16xf32, #tpu.memory_space<vmem_shared>> -> memref<200x16xf32, #tpu.memory_space<vmem_shared>>
        tpu.enqueue_dma source(%arg8 : memref<200x16xf32, #tpu.memory_space<vmem>>) target(%dma_start3A_66 : memref<200x16xf32, #tpu.memory_space<vmem_shared>>) target_semaphore(%run_scoped3A : memref<!tpu.dma_semaphore, #tpu.memory_space<semaphore_mem>>)
        %dma_wait3A = arith.constant 0 : i32
        %dma_wait3A_67 = tpu.memref_slice %arg9[%multiple_of3A, %dma_wait3A] : memref<10000x16xf32, #tpu.memory_space<vmem_shared>> -> memref<200x16xf32, #tpu.memory_space<vmem_shared>>
        %dma_wait3A_68 = arith.constant 0 : i32
        %dma_wait3A_69 = tpu.memref_slice %arg9[%multiple_of3A, %dma_wait3A_68] : memref<10000x16xf32, #tpu.memory_space<vmem_shared>> -> memref<200x16xf32, #tpu.memory_space<vmem_shared>>
        tpu.wait_dma2 semaphore(%run_scoped3A : memref<!tpu.dma_semaphore, #tpu.memory_space<semaphore_mem>>) src(%arg8 : memref<200x16xf32, #tpu.memory_space<vmem>>) dst(%dma_wait3A_69 : memref<200x16xf32, #tpu.memory_space<vmem_shared>>)
        tpu.yield
      }) : () -> ()
    } else {
    }
    %add3A_17 = arith.constant 48 : i32
    %add3A_18 = arith.addi %arg1, %add3A_17 : i32
    %lt3A_19 = arith.constant 50 : i32
    %lt3A_20 = arith.cmpi slt, %add3A_18, %lt3A_19 : i32
    %convert_element_type3A_21 = arith.extui %lt3A_20 : i1 to i32
    %cond3A_22 = arith.constant 0 : i32
    %cond3A_23 = arith.cmpi ne, %convert_element_type3A_21, %cond3A_22 : i32
    scf.if %cond3A_23 {
      %mul3A_62 = arith.constant 200 : i32
      %mul3A_63 = arith.muli %add3A_18, %mul3A_62 : i32
      %multiple_of3A = tpu.assume_multiple %mul3A_63, 8 : i32
      "tpu.region"() ({
        %run_scoped3A = tpu.sem_alloc : memref<!tpu.dma_semaphore, #tpu.memory_space<semaphore_mem>>
        %dma_start3A = arith.constant 0 : i32
        %dma_start3A_64 = tpu.memref_slice %arg9[%multiple_of3A, %dma_start3A] : memref<10000x16xf32, #tpu.memory_space<vmem_shared>> -> memref<200x16xf32, #tpu.memory_space<vmem_shared>>
        %dma_start3A_65 = arith.constant 0 : i32
        %dma_start3A_66 = tpu.memref_slice %arg9[%multiple_of3A, %dma_start3A_65] : memref<10000x16xf32, #tpu.memory_space<vmem_shared>> -> memref<200x16xf32, #tpu.memory_space<vmem_shared>>
        tpu.enqueue_dma source(%arg8 : memref<200x16xf32, #tpu.memory_space<vmem>>) target(%dma_start3A_66 : memref<200x16xf32, #tpu.memory_space<vmem_shared>>) target_semaphore(%run_scoped3A : memref<!tpu.dma_semaphore, #tpu.memory_space<semaphore_mem>>)
        %dma_wait3A = arith.constant 0 : i32
        %dma_wait3A_67 = tpu.memref_slice %arg9[%multiple_of3A, %dma_wait3A] : memref<10000x16xf32, #tpu.memory_space<vmem_shared>> -> memref<200x16xf32, #tpu.memory_space<vmem_shared>>
        %dma_wait3A_68 = arith.constant 0 : i32
        %dma_wait3A_69 = tpu.memref_slice %arg9[%multiple_of3A, %dma_wait3A_68] : memref<10000x16xf32, #tpu.memory_space<vmem_shared>> -> memref<200x16xf32, #tpu.memory_space<vmem_shared>>
        tpu.wait_dma2 semaphore(%run_scoped3A : memref<!tpu.dma_semaphore, #tpu.memory_space<semaphore_mem>>) src(%arg8 : memref<200x16xf32, #tpu.memory_space<vmem>>) dst(%dma_wait3A_69 : memref<200x16xf32, #tpu.memory_space<vmem_shared>>)
        tpu.yield
      }) : () -> ()
    } else {
    }
    %mul3A = arith.constant 16 : i32
    %mul3A_24 = arith.muli %arg0, %mul3A : i32
    %add3A_25 = arith.addi %mul3A_24, %arg1 : i32
    %mul3A_26 = arith.constant 20 : i32
    %mul3A_27 = arith.muli %add3A_25, %mul3A_26 : i32
    "tpu.region"() ({
      %run_scoped3A = tpu.sem_alloc : memref<!tpu.dma_semaphore, #tpu.memory_space<semaphore_mem>>
      %dma_start3A = arith.constant 0 : i32
      %dma_start3A_62 = tpu.memref_slice %arg2[%mul3A_27, %dma_start3A] : memref<640x500xi32, #tpu.memory_space<hbm>> -> memref<20x500xi32, #tpu.memory_space<hbm>>
      %dma_start3A_63 = arith.constant 0 : i32
      %dma_start3A_64 = tpu.memref_slice %arg2[%mul3A_27, %dma_start3A_63] : memref<640x500xi32, #tpu.memory_space<hbm>> -> memref<20x500xi32, #tpu.memory_space<hbm>>
      tpu.enqueue_dma source(%dma_start3A_64 : memref<20x500xi32, #tpu.memory_space<hbm>>) target(%arg6 : memref<20x500xi32, #tpu.memory_space<vmem>>) target_semaphore(%run_scoped3A : memref<!tpu.dma_semaphore, #tpu.memory_space<semaphore_mem>>)
      %dma_wait3A = arith.constant 0 : i32
      %dma_wait3A_65 = tpu.memref_slice %arg2[%mul3A_27, %dma_wait3A] : memref<640x500xi32, #tpu.memory_space<hbm>> -> memref<20x500xi32, #tpu.memory_space<hbm>>
      %dma_wait3A_66 = arith.constant 0 : i32
      %dma_wait3A_67 = tpu.memref_slice %arg2[%mul3A_27, %dma_wait3A_66] : memref<640x500xi32, #tpu.memory_space<hbm>> -> memref<20x500xi32, #tpu.memory_space<hbm>>
      tpu.wait_dma2 semaphore(%run_scoped3A : memref<!tpu.dma_semaphore, #tpu.memory_space<semaphore_mem>>) src(%dma_wait3A_67 : memref<20x500xi32, #tpu.memory_space<hbm>>) dst(%arg6 : memref<20x500xi32, #tpu.memory_space<vmem>>)
      tpu.yield
    }) : () -> ()
    %barrier3A = arith.constant 0 : index
    tpu.barrier barrier_id(%barrier3A)
    %scan3A = arith.constant 0 : i32
    %scan3A_28 = arith.constant 0 : i32
    %scan3A_29 = arith.constant 20 : i32
    %scan3A_30 = arith.addi %scan3A_28, %scan3A_29 : i32
    %scan3A_31 = arith.constant 1 : i32
    scf.for %scan3A_62 = %scan3A_28 to %scan3A_30 step %scan3A_31  : i32 {
      "tpu.region"() ({
        %run_scoped3A = tpu.sem_alloc : memref<!tpu.dma_semaphore, #tpu.memory_space<semaphore_mem>>
        %dma_start3A = arith.constant 0 : i32
        %dma_start3A_63 = tpu.memref_slice %arg6[%scan3A_62, %dma_start3A] : memref<20x500xi32, #tpu.memory_space<vmem>> -> memref<1x500xi32, #tpu.memory_space<vmem>>
        %dma_start3A_64 = tpu.memref_squeeze %dma_start3A_63 : memref<1x500xi32, #tpu.memory_space<vmem>> -> memref<500xi32, #tpu.memory_space<vmem>>
        %dma_start3A_65 = arith.constant 0 : i32
        %dma_start3A_66 = arith.constant 0 : i32
        %dma_start3A_67 = tpu.memref_slice %arg9[%dma_start3A_65, %dma_start3A_66] : memref<10000x16xf32, #tpu.memory_space<vmem_shared>> -> memref<10000x16xf32, #tpu.memory_space<vmem_shared>>
        tpu.enqueue_indirect_dma source(%arg7 : memref<500x16xf32, #tpu.memory_space<vmem>>) target(%dma_start3A_67 : memref<10000x16xf32, #tpu.memory_space<vmem_shared>>) offsets(%dma_start3A_64 : memref<500xi32, #tpu.memory_space<vmem>>) semaphore(%run_scoped3A : memref<!tpu.dma_semaphore, #tpu.memory_space<semaphore_mem>>) {add = true}
        %dma_wait3A = arith.constant 0 : i32
        %dma_wait3A_68 = tpu.memref_slice %arg6[%scan3A_62, %dma_wait3A] : memref<20x500xi32, #tpu.memory_space<vmem>> -> memref<1x500xi32, #tpu.memory_space<vmem>>
        %dma_wait3A_69 = tpu.memref_squeeze %dma_wait3A_68 : memref<1x500xi32, #tpu.memory_space<vmem>> -> memref<500xi32, #tpu.memory_space<vmem>>
        %dma_wait3A_70 = arith.constant 0 : i32
        %dma_wait3A_71 = arith.constant 0 : i32
        %dma_wait3A_72 = tpu.memref_slice %arg9[%dma_wait3A_70, %dma_wait3A_71] : memref<10000x16xf32, #tpu.memory_space<vmem_shared>> -> memref<10000x16xf32, #tpu.memory_space<vmem_shared>>
        tpu.wait_indirect_dma semaphore(%run_scoped3A : memref<!tpu.dma_semaphore, #tpu.memory_space<semaphore_mem>>) src(%arg7 : memref<500x16xf32, #tpu.memory_space<vmem>>) dst(%dma_wait3A_72 : memref<10000x16xf32, #tpu.memory_space<vmem_shared>>)
        tpu.yield
      }) : () -> ()
    }
    %scan3A_32 = arith.constant 20 : i32
    %barrier3A_33 = arith.constant 0 : index
    tpu.barrier barrier_id(%barrier3A_33)
    %add3A_34 = arith.constant 0 : i32
    %add3A_35 = arith.addi %arg1, %add3A_34 : i32
    %lt3A_36 = arith.constant 50 : i32
    %lt3A_37 = arith.cmpi slt, %add3A_35, %lt3A_36 : i32
    %convert_element_type3A_38 = arith.extui %lt3A_37 : i1 to i32
    %cond3A_39 = arith.constant 0 : i32
    %cond3A_40 = arith.cmpi ne, %convert_element_type3A_38, %cond3A_39 : i32
    scf.if %cond3A_40 {
      %mul3A_62 = arith.constant 200 : i32
      %mul3A_63 = arith.muli %add3A_35, %mul3A_62 : i32
      %multiple_of3A = tpu.assume_multiple %mul3A_63, 8 : i32
      "tpu.region"() ({
        %run_scoped3A = tpu.sem_alloc : memref<!tpu.dma_semaphore, #tpu.memory_space<semaphore_mem>>
        %dma_start3A = arith.constant 0 : i32
        %dma_start3A_64 = tpu.memref_slice %arg5[%arg0, %multiple_of3A, %dma_start3A] : memref<2x10000x16xf32, #tpu.memory_space<hbm>> -> memref<1x200x16xf32, #tpu.memory_space<hbm>>
        %dma_start3A_65 = tpu.memref_squeeze %dma_start3A_64 : memref<1x200x16xf32, #tpu.memory_space<hbm>> -> memref<200x16xf32, #tpu.memory_space<hbm>>
        %dma_start3A_66 = arith.constant 0 : i32
        %dma_start3A_67 = tpu.memref_slice %arg9[%multiple_of3A, %dma_start3A_66] : memref<10000x16xf32, #tpu.memory_space<vmem_shared>> -> memref<200x16xf32, #tpu.memory_space<vmem_shared>>
        tpu.enqueue_dma source(%dma_start3A_67 : memref<200x16xf32, #tpu.memory_space<vmem_shared>>) target(%dma_start3A_65 : memref<200x16xf32, #tpu.memory_space<hbm>>) target_semaphore(%run_scoped3A : memref<!tpu.dma_semaphore, #tpu.memory_space<semaphore_mem>>)
        %dma_wait3A = arith.constant 0 : i32
        %dma_wait3A_68 = tpu.memref_slice %arg5[%arg0, %multiple_of3A, %dma_wait3A] : memref<2x10000x16xf32, #tpu.memory_space<hbm>> -> memref<1x200x16xf32, #tpu.memory_space<hbm>>
        %dma_wait3A_69 = tpu.memref_squeeze %dma_wait3A_68 : memref<1x200x16xf32, #tpu.memory_space<hbm>> -> memref<200x16xf32, #tpu.memory_space<hbm>>
        %dma_wait3A_70 = arith.constant 0 : i32
        %dma_wait3A_71 = tpu.memref_slice %arg9[%multiple_of3A, %dma_wait3A_70] : memref<10000x16xf32, #tpu.memory_space<vmem_shared>> -> memref<200x16xf32, #tpu.memory_space<vmem_shared>>
        tpu.wait_dma2 semaphore(%run_scoped3A : memref<!tpu.dma_semaphore, #tpu.memory_space<semaphore_mem>>) src(%dma_wait3A_71 : memref<200x16xf32, #tpu.memory_space<vmem_shared>>) dst(%dma_wait3A_69 : memref<200x16xf32, #tpu.memory_space<hbm>>)
        tpu.yield
      }) : () -> ()
    } else {
    }
    %add3A_41 = arith.constant 16 : i32
    %add3A_42 = arith.addi %arg1, %add3A_41 : i32
    %lt3A_43 = arith.constant 50 : i32
    %lt3A_44 = arith.cmpi slt, %add3A_42, %lt3A_43 : i32
    %convert_element_type3A_45 = arith.extui %lt3A_44 : i1 to i32
    %cond3A_46 = arith.constant 0 : i32
    %cond3A_47 = arith.cmpi ne, %convert_element_type3A_45, %cond3A_46 : i32
    scf.if %cond3A_47 {
      %mul3A_62 = arith.constant 200 : i32
      %mul3A_63 = arith.muli %add3A_42, %mul3A_62 : i32
      %multiple_of3A = tpu.assume_multiple %mul3A_63, 8 : i32
      "tpu.region"() ({
        %run_scoped3A = tpu.sem_alloc : memref<!tpu.dma_semaphore, #tpu.memory_space<semaphore_mem>>
        %dma_start3A = arith.constant 0 : i32
        %dma_start3A_64 = tpu.memref_slice %arg5[%arg0, %multiple_of3A, %dma_start3A] : memref<2x10000x16xf32, #tpu.memory_space<hbm>> -> memref<1x200x16xf32, #tpu.memory_space<hbm>>
        %dma_start3A_65 = tpu.memref_squeeze %dma_start3A_64 : memref<1x200x16xf32, #tpu.memory_space<hbm>> -> memref<200x16xf32, #tpu.memory_space<hbm>>
        %dma_start3A_66 = arith.constant 0 : i32
        %dma_start3A_67 = tpu.memref_slice %arg9[%multiple_of3A, %dma_start3A_66] : memref<10000x16xf32, #tpu.memory_space<vmem_shared>> -> memref<200x16xf32, #tpu.memory_space<vmem_shared>>
        tpu.enqueue_dma source(%dma_start3A_67 : memref<200x16xf32, #tpu.memory_space<vmem_shared>>) target(%dma_start3A_65 : memref<200x16xf32, #tpu.memory_space<hbm>>) target_semaphore(%run_scoped3A : memref<!tpu.dma_semaphore, #tpu.memory_space<semaphore_mem>>)
        %dma_wait3A = arith.constant 0 : i32
        %dma_wait3A_68 = tpu.memref_slice %arg5[%arg0, %multiple_of3A, %dma_wait3A] : memref<2x10000x16xf32, #tpu.memory_space<hbm>> -> memref<1x200x16xf32, #tpu.memory_space<hbm>>
        %dma_wait3A_69 = tpu.memref_squeeze %dma_wait3A_68 : memref<1x200x16xf32, #tpu.memory_space<hbm>> -> memref<200x16xf32, #tpu.memory_space<hbm>>
        %dma_wait3A_70 = arith.constant 0 : i32
        %dma_wait3A_71 = tpu.memref_slice %arg9[%multiple_of3A, %dma_wait3A_70] : memref<10000x16xf32, #tpu.memory_space<vmem_shared>> -> memref<200x16xf32, #tpu.memory_space<vmem_shared>>
        tpu.wait_dma2 semaphore(%run_scoped3A : memref<!tpu.dma_semaphore, #tpu.memory_space<semaphore_mem>>) src(%dma_wait3A_71 : memref<200x16xf32, #tpu.memory_space<vmem_shared>>) dst(%dma_wait3A_69 : memref<200x16xf32, #tpu.memory_space<hbm>>)
        tpu.yield
      }) : () -> ()
    } else {
    }
    %add3A_48 = arith.constant 32 : i32
    %add3A_49 = arith.addi %arg1, %add3A_48 : i32
    %lt3A_50 = arith.constant 50 : i32
    %lt3A_51 = arith.cmpi slt, %add3A_49, %lt3A_50 : i32
    %convert_element_type3A_52 = arith.extui %lt3A_51 : i1 to i32
    %cond3A_53 = arith.constant 0 : i32
    %cond3A_54 = arith.cmpi ne, %convert_element_type3A_52, %cond3A_53 : i32
    scf.if %cond3A_54 {
      %mul3A_62 = arith.constant 200 : i32
      %mul3A_63 = arith.muli %add3A_49, %mul3A_62 : i32
      %multiple_of3A = tpu.assume_multiple %mul3A_63, 8 : i32
      "tpu.region"() ({
        %run_scoped3A = tpu.sem_alloc : memref<!tpu.dma_semaphore, #tpu.memory_space<semaphore_mem>>
        %dma_start3A = arith.constant 0 : i32
        %dma_start3A_64 = tpu.memref_slice %arg5[%arg0, %multiple_of3A, %dma_start3A] : memref<2x10000x16xf32, #tpu.memory_space<hbm>> -> memref<1x200x16xf32, #tpu.memory_space<hbm>>
        %dma_start3A_65 = tpu.memref_squeeze %dma_start3A_64 : memref<1x200x16xf32, #tpu.memory_space<hbm>> -> memref<200x16xf32, #tpu.memory_space<hbm>>
        %dma_start3A_66 = arith.constant 0 : i32
        %dma_start3A_67 = tpu.memref_slice %arg9[%multiple_of3A, %dma_start3A_66] : memref<10000x16xf32, #tpu.memory_space<vmem_shared>> -> memref<200x16xf32, #tpu.memory_space<vmem_shared>>
        tpu.enqueue_dma source(%dma_start3A_67 : memref<200x16xf32, #tpu.memory_space<vmem_shared>>) target(%dma_start3A_65 : memref<200x16xf32, #tpu.memory_space<hbm>>) target_semaphore(%run_scoped3A : memref<!tpu.dma_semaphore, #tpu.memory_space<semaphore_mem>>)
        %dma_wait3A = arith.constant 0 : i32
        %dma_wait3A_68 = tpu.memref_slice %arg5[%arg0, %multiple_of3A, %dma_wait3A] : memref<2x10000x16xf32, #tpu.memory_space<hbm>> -> memref<1x200x16xf32, #tpu.memory_space<hbm>>
        %dma_wait3A_69 = tpu.memref_squeeze %dma_wait3A_68 : memref<1x200x16xf32, #tpu.memory_space<hbm>> -> memref<200x16xf32, #tpu.memory_space<hbm>>
        %dma_wait3A_70 = arith.constant 0 : i32
        %dma_wait3A_71 = tpu.memref_slice %arg9[%multiple_of3A, %dma_wait3A_70] : memref<10000x16xf32, #tpu.memory_space<vmem_shared>> -> memref<200x16xf32, #tpu.memory_space<vmem_shared>>
        tpu.wait_dma2 semaphore(%run_scoped3A : memref<!tpu.dma_semaphore, #tpu.memory_space<semaphore_mem>>) src(%dma_wait3A_71 : memref<200x16xf32, #tpu.memory_space<vmem_shared>>) dst(%dma_wait3A_69 : memref<200x16xf32, #tpu.memory_space<hbm>>)
        tpu.yield
      }) : () -> ()
    } else {
    }
    %add3A_55 = arith.constant 48 : i32
    %add3A_56 = arith.addi %arg1, %add3A_55 : i32
    %lt3A_57 = arith.constant 50 : i32
    %lt3A_58 = arith.cmpi slt, %add3A_56, %lt3A_57 : i32
    %convert_element_type3A_59 = arith.extui %lt3A_58 : i1 to i32
    %cond3A_60 = arith.constant 0 : i32
    %cond3A_61 = arith.cmpi ne, %convert_element_type3A_59, %cond3A_60 : i32
    scf.if %cond3A_61 {
      %mul3A_62 = arith.constant 200 : i32
      %mul3A_63 = arith.muli %add3A_56, %mul3A_62 : i32
      %multiple_of3A = tpu.assume_multiple %mul3A_63, 8 : i32
      "tpu.region"() ({
        %run_scoped3A = tpu.sem_alloc : memref<!tpu.dma_semaphore, #tpu.memory_space<semaphore_mem>>
        %dma_start3A = arith.constant 0 : i32
        %dma_start3A_64 = tpu.memref_slice %arg5[%arg0, %multiple_of3A, %dma_start3A] : memref<2x10000x16xf32, #tpu.memory_space<hbm>> -> memref<1x200x16xf32, #tpu.memory_space<hbm>>
        %dma_start3A_65 = tpu.memref_squeeze %dma_start3A_64 : memref<1x200x16xf32, #tpu.memory_space<hbm>> -> memref<200x16xf32, #tpu.memory_space<hbm>>
        %dma_start3A_66 = arith.constant 0 : i32
        %dma_start3A_67 = tpu.memref_slice %arg9[%multiple_of3A, %dma_start3A_66] : memref<10000x16xf32, #tpu.memory_space<vmem_shared>> -> memref<200x16xf32, #tpu.memory_space<vmem_shared>>
        tpu.enqueue_dma source(%dma_start3A_67 : memref<200x16xf32, #tpu.memory_space<vmem_shared>>) target(%dma_start3A_65 : memref<200x16xf32, #tpu.memory_space<hbm>>) target_semaphore(%run_scoped3A : memref<!tpu.dma_semaphore, #tpu.memory_space<semaphore_mem>>)
        %dma_wait3A = arith.constant 0 : i32
        %dma_wait3A_68 = tpu.memref_slice %arg5[%arg0, %multiple_of3A, %dma_wait3A] : memref<2x10000x16xf32, #tpu.memory_space<hbm>> -> memref<1x200x16xf32, #tpu.memory_space<hbm>>
        %dma_wait3A_69 = tpu.memref_squeeze %dma_wait3A_68 : memref<1x200x16xf32, #tpu.memory_space<hbm>> -> memref<200x16xf32, #tpu.memory_space<hbm>>
        %dma_wait3A_70 = arith.constant 0 : i32
        %dma_wait3A_71 = tpu.memref_slice %arg9[%multiple_of3A, %dma_wait3A_70] : memref<10000x16xf32, #tpu.memory_space<vmem_shared>> -> memref<200x16xf32, #tpu.memory_space<vmem_shared>>
        tpu.wait_dma2 semaphore(%run_scoped3A : memref<!tpu.dma_semaphore, #tpu.memory_space<semaphore_mem>>) src(%dma_wait3A_71 : memref<200x16xf32, #tpu.memory_space<vmem_shared>>) dst(%dma_wait3A_69 : memref<200x16xf32, #tpu.memory_space<hbm>>)
        tpu.yield
      }) : () -> ()
    } else {
    }
    return
  }
}

#map = affine_map<(d0, d1) -> (0, 0)>
#map1 = affine_map<(d0, d1) -> (0, 0, 0)>
module attributes {stable_mosaic.version = 14 : i64} {
  func.func @_sc_prop(%arg0: i32, %arg1: i32, %arg2: memref<2560x125xi32, #tpu.memory_space<hbm>>, %arg3: memref<2560x125xi32, #tpu.memory_space<hbm>>, %arg4: memref<10000x128xf32, #tpu.memory_space<hbm>>, %arg5: memref<125x128xf32, #tpu.memory_space<hbm>>, %arg6: memref<2x10000x128xf32, #tpu.memory_space<hbm>>, %arg7: memref<40x125xi32, #tpu.memory_space<vmem>>, %arg8: memref<40x125xi32, #tpu.memory_space<vmem>>, %arg9: memref<125x128xf32, #tpu.memory_space<vmem>>, %arg10: memref<125x128xf32, #tpu.memory_space<vmem>>, %arg11: memref<10000x128xf32, #tpu.memory_space<vmem_shared>>, %arg12: memref<!tpu.dma_semaphore, #tpu.memory_space<semaphore_mem>>, %arg13: memref<!tpu.dma_semaphore, #tpu.memory_space<semaphore_mem>>, %arg14: memref<!tpu.dma_semaphore, #tpu.memory_space<semaphore_mem>>, %arg15: memref<!tpu.dma_semaphore, #tpu.memory_space<semaphore_mem>>) attributes {dimension_semantics = [#tpu.dimension_semantics<core_parallel>, #tpu.dimension_semantics<subcore_parallel>], iteration_bounds = array<i64: 2, 16>, scalar_prefetch = 0 : i64, scratch_operands = 9 : i64, tpu.core_type = #tpu.core_type<sc_vector_subcore>, window_params = [{transform_indices = #map}, {transform_indices = #map}, {transform_indices = #map}, {transform_indices = #map}, {transform_indices = #map1}]} {
    "tpu.region"() ({
      %run_scoped3A = tpu.sem_alloc : memref<!tpu.dma_semaphore, #tpu.memory_space<semaphore_mem>>
      tpu.enqueue_dma source(%arg5 : memref<125x128xf32, #tpu.memory_space<hbm>>) target(%arg9 : memref<125x128xf32, #tpu.memory_space<vmem>>) target_semaphore(%run_scoped3A : memref<!tpu.dma_semaphore, #tpu.memory_space<semaphore_mem>>)
      tpu.wait_dma2 semaphore(%run_scoped3A : memref<!tpu.dma_semaphore, #tpu.memory_space<semaphore_mem>>) src(%arg5 : memref<125x128xf32, #tpu.memory_space<hbm>>) dst(%arg9 : memref<125x128xf32, #tpu.memory_space<vmem>>)
      tpu.yield
    }) : () -> ()
    %mul3A = arith.constant 625 : i32
    %mul3A_0 = arith.muli %arg1, %mul3A : i32
    %add3A = arith.constant 0 : i32
    %add3A_1 = arith.addi %mul3A_0, %add3A : i32
    "tpu.region"() ({
      %run_scoped3A = tpu.sem_alloc : memref<!tpu.dma_semaphore, #tpu.memory_space<semaphore_mem>>
      %dma_start3A_91 = arith.constant 0 : i32
      %dma_start3A_92 = tpu.memref_slice %arg11[%add3A_1, %dma_start3A_91] : memref<10000x128xf32, #tpu.memory_space<vmem_shared>> -> memref<125x128xf32, #tpu.memory_space<vmem_shared>>
      %dma_start3A_93 = arith.constant 0 : i32
      %dma_start3A_94 = tpu.memref_slice %arg11[%add3A_1, %dma_start3A_93] : memref<10000x128xf32, #tpu.memory_space<vmem_shared>> -> memref<125x128xf32, #tpu.memory_space<vmem_shared>>
      tpu.enqueue_dma source(%arg9 : memref<125x128xf32, #tpu.memory_space<vmem>>) target(%dma_start3A_94 : memref<125x128xf32, #tpu.memory_space<vmem_shared>>) target_semaphore(%run_scoped3A : memref<!tpu.dma_semaphore, #tpu.memory_space<semaphore_mem>>)
      %dma_wait3A = arith.constant 0 : i32
      %dma_wait3A_95 = tpu.memref_slice %arg11[%add3A_1, %dma_wait3A] : memref<10000x128xf32, #tpu.memory_space<vmem_shared>> -> memref<125x128xf32, #tpu.memory_space<vmem_shared>>
      %dma_wait3A_96 = arith.constant 0 : i32
      %dma_wait3A_97 = tpu.memref_slice %arg11[%add3A_1, %dma_wait3A_96] : memref<10000x128xf32, #tpu.memory_space<vmem_shared>> -> memref<125x128xf32, #tpu.memory_space<vmem_shared>>
      tpu.wait_dma2 semaphore(%run_scoped3A : memref<!tpu.dma_semaphore, #tpu.memory_space<semaphore_mem>>) src(%arg9 : memref<125x128xf32, #tpu.memory_space<vmem>>) dst(%dma_wait3A_97 : memref<125x128xf32, #tpu.memory_space<vmem_shared>>)
      tpu.yield
    }) : () -> ()
    %mul3A_2 = arith.constant 625 : i32
    %mul3A_3 = arith.muli %arg1, %mul3A_2 : i32
    %add3A_4 = arith.constant 125 : i32
    %add3A_5 = arith.addi %mul3A_3, %add3A_4 : i32
    "tpu.region"() ({
      %run_scoped3A = tpu.sem_alloc : memref<!tpu.dma_semaphore, #tpu.memory_space<semaphore_mem>>
      %dma_start3A_91 = arith.constant 0 : i32
      %dma_start3A_92 = tpu.memref_slice %arg11[%add3A_5, %dma_start3A_91] : memref<10000x128xf32, #tpu.memory_space<vmem_shared>> -> memref<125x128xf32, #tpu.memory_space<vmem_shared>>
      %dma_start3A_93 = arith.constant 0 : i32
      %dma_start3A_94 = tpu.memref_slice %arg11[%add3A_5, %dma_start3A_93] : memref<10000x128xf32, #tpu.memory_space<vmem_shared>> -> memref<125x128xf32, #tpu.memory_space<vmem_shared>>
      tpu.enqueue_dma source(%arg9 : memref<125x128xf32, #tpu.memory_space<vmem>>) target(%dma_start3A_94 : memref<125x128xf32, #tpu.memory_space<vmem_shared>>) target_semaphore(%run_scoped3A : memref<!tpu.dma_semaphore, #tpu.memory_space<semaphore_mem>>)
      %dma_wait3A = arith.constant 0 : i32
      %dma_wait3A_95 = tpu.memref_slice %arg11[%add3A_5, %dma_wait3A] : memref<10000x128xf32, #tpu.memory_space<vmem_shared>> -> memref<125x128xf32, #tpu.memory_space<vmem_shared>>
      %dma_wait3A_96 = arith.constant 0 : i32
      %dma_wait3A_97 = tpu.memref_slice %arg11[%add3A_5, %dma_wait3A_96] : memref<10000x128xf32, #tpu.memory_space<vmem_shared>> -> memref<125x128xf32, #tpu.memory_space<vmem_shared>>
      tpu.wait_dma2 semaphore(%run_scoped3A : memref<!tpu.dma_semaphore, #tpu.memory_space<semaphore_mem>>) src(%arg9 : memref<125x128xf32, #tpu.memory_space<vmem>>) dst(%dma_wait3A_97 : memref<125x128xf32, #tpu.memory_space<vmem_shared>>)
      tpu.yield
    }) : () -> ()
    %mul3A_6 = arith.constant 625 : i32
    %mul3A_7 = arith.muli %arg1, %mul3A_6 : i32
    %add3A_8 = arith.constant 250 : i32
    %add3A_9 = arith.addi %mul3A_7, %add3A_8 : i32
    "tpu.region"() ({
      %run_scoped3A = tpu.sem_alloc : memref<!tpu.dma_semaphore, #tpu.memory_space<semaphore_mem>>
      %dma_start3A_91 = arith.constant 0 : i32
      %dma_start3A_92 = tpu.memref_slice %arg11[%add3A_9, %dma_start3A_91] : memref<10000x128xf32, #tpu.memory_space<vmem_shared>> -> memref<125x128xf32, #tpu.memory_space<vmem_shared>>
      %dma_start3A_93 = arith.constant 0 : i32
      %dma_start3A_94 = tpu.memref_slice %arg11[%add3A_9, %dma_start3A_93] : memref<10000x128xf32, #tpu.memory_space<vmem_shared>> -> memref<125x128xf32, #tpu.memory_space<vmem_shared>>
      tpu.enqueue_dma source(%arg9 : memref<125x128xf32, #tpu.memory_space<vmem>>) target(%dma_start3A_94 : memref<125x128xf32, #tpu.memory_space<vmem_shared>>) target_semaphore(%run_scoped3A : memref<!tpu.dma_semaphore, #tpu.memory_space<semaphore_mem>>)
      %dma_wait3A = arith.constant 0 : i32
      %dma_wait3A_95 = tpu.memref_slice %arg11[%add3A_9, %dma_wait3A] : memref<10000x128xf32, #tpu.memory_space<vmem_shared>> -> memref<125x128xf32, #tpu.memory_space<vmem_shared>>
      %dma_wait3A_96 = arith.constant 0 : i32
      %dma_wait3A_97 = tpu.memref_slice %arg11[%add3A_9, %dma_wait3A_96] : memref<10000x128xf32, #tpu.memory_space<vmem_shared>> -> memref<125x128xf32, #tpu.memory_space<vmem_shared>>
      tpu.wait_dma2 semaphore(%run_scoped3A : memref<!tpu.dma_semaphore, #tpu.memory_space<semaphore_mem>>) src(%arg9 : memref<125x128xf32, #tpu.memory_space<vmem>>) dst(%dma_wait3A_97 : memref<125x128xf32, #tpu.memory_space<vmem_shared>>)
      tpu.yield
    }) : () -> ()
    %mul3A_10 = arith.constant 625 : i32
    %mul3A_11 = arith.muli %arg1, %mul3A_10 : i32
    %add3A_12 = arith.constant 375 : i32
    %add3A_13 = arith.addi %mul3A_11, %add3A_12 : i32
    "tpu.region"() ({
      %run_scoped3A = tpu.sem_alloc : memref<!tpu.dma_semaphore, #tpu.memory_space<semaphore_mem>>
      %dma_start3A_91 = arith.constant 0 : i32
      %dma_start3A_92 = tpu.memref_slice %arg11[%add3A_13, %dma_start3A_91] : memref<10000x128xf32, #tpu.memory_space<vmem_shared>> -> memref<125x128xf32, #tpu.memory_space<vmem_shared>>
      %dma_start3A_93 = arith.constant 0 : i32
      %dma_start3A_94 = tpu.memref_slice %arg11[%add3A_13, %dma_start3A_93] : memref<10000x128xf32, #tpu.memory_space<vmem_shared>> -> memref<125x128xf32, #tpu.memory_space<vmem_shared>>
      tpu.enqueue_dma source(%arg9 : memref<125x128xf32, #tpu.memory_space<vmem>>) target(%dma_start3A_94 : memref<125x128xf32, #tpu.memory_space<vmem_shared>>) target_semaphore(%run_scoped3A : memref<!tpu.dma_semaphore, #tpu.memory_space<semaphore_mem>>)
      %dma_wait3A = arith.constant 0 : i32
      %dma_wait3A_95 = tpu.memref_slice %arg11[%add3A_13, %dma_wait3A] : memref<10000x128xf32, #tpu.memory_space<vmem_shared>> -> memref<125x128xf32, #tpu.memory_space<vmem_shared>>
      %dma_wait3A_96 = arith.constant 0 : i32
      %dma_wait3A_97 = tpu.memref_slice %arg11[%add3A_13, %dma_wait3A_96] : memref<10000x128xf32, #tpu.memory_space<vmem_shared>> -> memref<125x128xf32, #tpu.memory_space<vmem_shared>>
      tpu.wait_dma2 semaphore(%run_scoped3A : memref<!tpu.dma_semaphore, #tpu.memory_space<semaphore_mem>>) src(%arg9 : memref<125x128xf32, #tpu.memory_space<vmem>>) dst(%dma_wait3A_97 : memref<125x128xf32, #tpu.memory_space<vmem_shared>>)
      tpu.yield
    }) : () -> ()
    %mul3A_14 = arith.constant 625 : i32
    %mul3A_15 = arith.muli %arg1, %mul3A_14 : i32
    %add3A_16 = arith.constant 500 : i32
    %add3A_17 = arith.addi %mul3A_15, %add3A_16 : i32
    "tpu.region"() ({
      %run_scoped3A = tpu.sem_alloc : memref<!tpu.dma_semaphore, #tpu.memory_space<semaphore_mem>>
      %dma_start3A_91 = arith.constant 0 : i32
      %dma_start3A_92 = tpu.memref_slice %arg11[%add3A_17, %dma_start3A_91] : memref<10000x128xf32, #tpu.memory_space<vmem_shared>> -> memref<125x128xf32, #tpu.memory_space<vmem_shared>>
      %dma_start3A_93 = arith.constant 0 : i32
      %dma_start3A_94 = tpu.memref_slice %arg11[%add3A_17, %dma_start3A_93] : memref<10000x128xf32, #tpu.memory_space<vmem_shared>> -> memref<125x128xf32, #tpu.memory_space<vmem_shared>>
      tpu.enqueue_dma source(%arg9 : memref<125x128xf32, #tpu.memory_space<vmem>>) target(%dma_start3A_94 : memref<125x128xf32, #tpu.memory_space<vmem_shared>>) target_semaphore(%run_scoped3A : memref<!tpu.dma_semaphore, #tpu.memory_space<semaphore_mem>>)
      %dma_wait3A = arith.constant 0 : i32
      %dma_wait3A_95 = tpu.memref_slice %arg11[%add3A_17, %dma_wait3A] : memref<10000x128xf32, #tpu.memory_space<vmem_shared>> -> memref<125x128xf32, #tpu.memory_space<vmem_shared>>
      %dma_wait3A_96 = arith.constant 0 : i32
      %dma_wait3A_97 = tpu.memref_slice %arg11[%add3A_17, %dma_wait3A_96] : memref<10000x128xf32, #tpu.memory_space<vmem_shared>> -> memref<125x128xf32, #tpu.memory_space<vmem_shared>>
      tpu.wait_dma2 semaphore(%run_scoped3A : memref<!tpu.dma_semaphore, #tpu.memory_space<semaphore_mem>>) src(%arg9 : memref<125x128xf32, #tpu.memory_space<vmem>>) dst(%dma_wait3A_97 : memref<125x128xf32, #tpu.memory_space<vmem_shared>>)
      tpu.yield
    }) : () -> ()
    %mul3A_18 = arith.constant 16 : i32
    %mul3A_19 = arith.muli %arg0, %mul3A_18 : i32
    %add3A_20 = arith.addi %mul3A_19, %arg1 : i32
    %mul3A_21 = arith.constant 80 : i32
    %mul3A_22 = arith.muli %add3A_20, %mul3A_21 : i32
    %add3A_23 = arith.constant 0 : i32
    %add3A_24 = arith.addi %mul3A_22, %add3A_23 : i32
    "tpu.region"() ({
      %run_scoped3A = tpu.sem_alloc : memref<!tpu.dma_semaphore, #tpu.memory_space<semaphore_mem>>
      %dma_start3A_91 = arith.constant 0 : i32
      %dma_start3A_92 = tpu.memref_slice %arg2[%add3A_24, %dma_start3A_91] : memref<2560x125xi32, #tpu.memory_space<hbm>> -> memref<40x125xi32, #tpu.memory_space<hbm>>
      %dma_start3A_93 = arith.constant 0 : i32
      %dma_start3A_94 = tpu.memref_slice %arg2[%add3A_24, %dma_start3A_93] : memref<2560x125xi32, #tpu.memory_space<hbm>> -> memref<40x125xi32, #tpu.memory_space<hbm>>
      tpu.enqueue_dma source(%dma_start3A_94 : memref<40x125xi32, #tpu.memory_space<hbm>>) target(%arg7 : memref<40x125xi32, #tpu.memory_space<vmem>>) target_semaphore(%run_scoped3A : memref<!tpu.dma_semaphore, #tpu.memory_space<semaphore_mem>>)
      %dma_wait3A = arith.constant 0 : i32
      %dma_wait3A_95 = tpu.memref_slice %arg2[%add3A_24, %dma_wait3A] : memref<2560x125xi32, #tpu.memory_space<hbm>> -> memref<40x125xi32, #tpu.memory_space<hbm>>
      %dma_wait3A_96 = arith.constant 0 : i32
      %dma_wait3A_97 = tpu.memref_slice %arg2[%add3A_24, %dma_wait3A_96] : memref<2560x125xi32, #tpu.memory_space<hbm>> -> memref<40x125xi32, #tpu.memory_space<hbm>>
      tpu.wait_dma2 semaphore(%run_scoped3A : memref<!tpu.dma_semaphore, #tpu.memory_space<semaphore_mem>>) src(%dma_wait3A_97 : memref<40x125xi32, #tpu.memory_space<hbm>>) dst(%arg7 : memref<40x125xi32, #tpu.memory_space<vmem>>)
      tpu.yield
    }) : () -> ()
    "tpu.region"() ({
      %run_scoped3A = tpu.sem_alloc : memref<!tpu.dma_semaphore, #tpu.memory_space<semaphore_mem>>
      %dma_start3A_91 = arith.constant 0 : i32
      %dma_start3A_92 = tpu.memref_slice %arg3[%add3A_24, %dma_start3A_91] : memref<2560x125xi32, #tpu.memory_space<hbm>> -> memref<40x125xi32, #tpu.memory_space<hbm>>
      %dma_start3A_93 = arith.constant 0 : i32
      %dma_start3A_94 = tpu.memref_slice %arg3[%add3A_24, %dma_start3A_93] : memref<2560x125xi32, #tpu.memory_space<hbm>> -> memref<40x125xi32, #tpu.memory_space<hbm>>
      tpu.enqueue_dma source(%dma_start3A_94 : memref<40x125xi32, #tpu.memory_space<hbm>>) target(%arg8 : memref<40x125xi32, #tpu.memory_space<vmem>>) target_semaphore(%run_scoped3A : memref<!tpu.dma_semaphore, #tpu.memory_space<semaphore_mem>>)
      %dma_wait3A = arith.constant 0 : i32
      %dma_wait3A_95 = tpu.memref_slice %arg3[%add3A_24, %dma_wait3A] : memref<2560x125xi32, #tpu.memory_space<hbm>> -> memref<40x125xi32, #tpu.memory_space<hbm>>
      %dma_wait3A_96 = arith.constant 0 : i32
      %dma_wait3A_97 = tpu.memref_slice %arg3[%add3A_24, %dma_wait3A_96] : memref<2560x125xi32, #tpu.memory_space<hbm>> -> memref<40x125xi32, #tpu.memory_space<hbm>>
      tpu.wait_dma2 semaphore(%run_scoped3A : memref<!tpu.dma_semaphore, #tpu.memory_space<semaphore_mem>>) src(%dma_wait3A_97 : memref<40x125xi32, #tpu.memory_space<hbm>>) dst(%arg8 : memref<40x125xi32, #tpu.memory_space<vmem>>)
      tpu.yield
    }) : () -> ()
    %barrier3A = arith.constant 0 : index
    tpu.barrier barrier_id(%barrier3A)
    %dma_start3A = arith.constant 0 : i32
    %dma_start3A_25 = arith.constant 0 : i32
    %dma_start3A_26 = tpu.memref_slice %arg7[%dma_start3A, %dma_start3A_25] : memref<40x125xi32, #tpu.memory_space<vmem>> -> memref<1x125xi32, #tpu.memory_space<vmem>>
    %dma_start3A_27 = tpu.memref_squeeze %dma_start3A_26 : memref<1x125xi32, #tpu.memory_space<vmem>> -> memref<125xi32, #tpu.memory_space<vmem>>
    %dma_start3A_28 = arith.constant 0 : i32
    %dma_start3A_29 = arith.constant 0 : i32
    %dma_start3A_30 = tpu.memref_slice %arg4[%dma_start3A_28, %dma_start3A_29] : memref<10000x128xf32, #tpu.memory_space<hbm>> -> memref<10000x128xf32, #tpu.memory_space<hbm>>
    tpu.enqueue_indirect_dma source(%dma_start3A_30 : memref<10000x128xf32, #tpu.memory_space<hbm>>) target(%arg9 : memref<125x128xf32, #tpu.memory_space<vmem>>) offsets(%dma_start3A_27 : memref<125xi32, #tpu.memory_space<vmem>>) semaphore(%arg12 : memref<!tpu.dma_semaphore, #tpu.memory_space<semaphore_mem>>)
    %dma_start3A_31 = arith.constant 1 : i32
    %dma_start3A_32 = arith.constant 0 : i32
    %dma_start3A_33 = tpu.memref_slice %arg7[%dma_start3A_31, %dma_start3A_32] : memref<40x125xi32, #tpu.memory_space<vmem>> -> memref<1x125xi32, #tpu.memory_space<vmem>>
    %dma_start3A_34 = tpu.memref_squeeze %dma_start3A_33 : memref<1x125xi32, #tpu.memory_space<vmem>> -> memref<125xi32, #tpu.memory_space<vmem>>
    %dma_start3A_35 = arith.constant 0 : i32
    %dma_start3A_36 = arith.constant 0 : i32
    %dma_start3A_37 = tpu.memref_slice %arg4[%dma_start3A_35, %dma_start3A_36] : memref<10000x128xf32, #tpu.memory_space<hbm>> -> memref<10000x128xf32, #tpu.memory_space<hbm>>
    tpu.enqueue_indirect_dma source(%dma_start3A_37 : memref<10000x128xf32, #tpu.memory_space<hbm>>) target(%arg10 : memref<125x128xf32, #tpu.memory_space<vmem>>) offsets(%dma_start3A_34 : memref<125xi32, #tpu.memory_space<vmem>>) semaphore(%arg13 : memref<!tpu.dma_semaphore, #tpu.memory_space<semaphore_mem>>)
    %scan3A = arith.constant 0 : i32
    %scan3A_38 = arith.constant 0 : i32
    %scan3A_39 = arith.constant 20 : i32
    %scan3A_40 = arith.addi %scan3A_38, %scan3A_39 : i32
    %scan3A_41 = arith.constant 1 : i32
    scf.for %scan3A_91 = %scan3A_38 to %scan3A_40 step %scan3A_41  : i32 {
      %mul3A_92 = arith.constant 2 : i32
      %mul3A_93 = arith.muli %mul3A_92, %scan3A_91 : i32
      %dma_wait3A = arith.constant 0 : i32
      %dma_wait3A_94 = arith.constant 0 : i32
      %dma_wait3A_95 = tpu.memref_slice %arg7[%dma_wait3A, %dma_wait3A_94] : memref<40x125xi32, #tpu.memory_space<vmem>> -> memref<1x125xi32, #tpu.memory_space<vmem>>
      %dma_wait3A_96 = tpu.memref_squeeze %dma_wait3A_95 : memref<1x125xi32, #tpu.memory_space<vmem>> -> memref<125xi32, #tpu.memory_space<vmem>>
      %dma_wait3A_97 = arith.constant 0 : i32
      %dma_wait3A_98 = arith.constant 0 : i32
      %dma_wait3A_99 = tpu.memref_slice %arg4[%dma_wait3A_97, %dma_wait3A_98] : memref<10000x128xf32, #tpu.memory_space<hbm>> -> memref<10000x128xf32, #tpu.memory_space<hbm>>
      tpu.wait_indirect_dma semaphore(%arg12 : memref<!tpu.dma_semaphore, #tpu.memory_space<semaphore_mem>>) src(%dma_wait3A_99 : memref<10000x128xf32, #tpu.memory_space<hbm>>) dst(%arg9 : memref<125x128xf32, #tpu.memory_space<vmem>>)
      %dma_start3A_100 = arith.constant 0 : i32
      %dma_start3A_101 = tpu.memref_slice %arg8[%mul3A_93, %dma_start3A_100] : memref<40x125xi32, #tpu.memory_space<vmem>> -> memref<1x125xi32, #tpu.memory_space<vmem>>
      %dma_start3A_102 = tpu.memref_squeeze %dma_start3A_101 : memref<1x125xi32, #tpu.memory_space<vmem>> -> memref<125xi32, #tpu.memory_space<vmem>>
      %dma_start3A_103 = arith.constant 0 : i32
      %dma_start3A_104 = arith.constant 0 : i32
      %dma_start3A_105 = tpu.memref_slice %arg11[%dma_start3A_103, %dma_start3A_104] : memref<10000x128xf32, #tpu.memory_space<vmem_shared>> -> memref<10000x128xf32, #tpu.memory_space<vmem_shared>>
      tpu.enqueue_indirect_dma source(%arg9 : memref<125x128xf32, #tpu.memory_space<vmem>>) target(%dma_start3A_105 : memref<10000x128xf32, #tpu.memory_space<vmem_shared>>) offsets(%dma_start3A_102 : memref<125xi32, #tpu.memory_space<vmem>>) semaphore(%arg14 : memref<!tpu.dma_semaphore, #tpu.memory_space<semaphore_mem>>) {add = true}
      %dma_wait3A_106 = arith.constant 0 : i32
      %dma_wait3A_107 = arith.constant 0 : i32
      %dma_wait3A_108 = tpu.memref_slice %arg8[%dma_wait3A_106, %dma_wait3A_107] : memref<40x125xi32, #tpu.memory_space<vmem>> -> memref<1x125xi32, #tpu.memory_space<vmem>>
      %dma_wait3A_109 = tpu.memref_squeeze %dma_wait3A_108 : memref<1x125xi32, #tpu.memory_space<vmem>> -> memref<125xi32, #tpu.memory_space<vmem>>
      %dma_wait3A_110 = arith.constant 0 : i32
      %dma_wait3A_111 = arith.constant 0 : i32
      %dma_wait3A_112 = tpu.memref_slice %arg11[%dma_wait3A_110, %dma_wait3A_111] : memref<10000x128xf32, #tpu.memory_space<vmem_shared>> -> memref<10000x128xf32, #tpu.memory_space<vmem_shared>>
      tpu.wait_indirect_dma semaphore(%arg14 : memref<!tpu.dma_semaphore, #tpu.memory_space<semaphore_mem>>) src(%arg9 : memref<125x128xf32, #tpu.memory_space<vmem>>) dst(%dma_wait3A_112 : memref<10000x128xf32, #tpu.memory_space<vmem_shared>>)
      %add3A_113 = arith.constant 2 : i32
      %add3A_114 = arith.addi %mul3A_93, %add3A_113 : i32
      %lt3A = arith.constant 40 : i32
      %lt3A_115 = arith.cmpi slt, %add3A_114, %lt3A : i32
      %convert_element_type3A = arith.extui %lt3A_115 : i1 to i32
      %cond3A = arith.constant 0 : i32
      %cond3A_116 = arith.cmpi ne, %convert_element_type3A, %cond3A : i32
      scf.if %cond3A_116 {
        %add3A_146 = arith.constant 2 : i32
        %add3A_147 = arith.addi %mul3A_93, %add3A_146 : i32
        %dma_start3A_148 = arith.constant 0 : i32
        %dma_start3A_149 = tpu.memref_slice %arg7[%add3A_147, %dma_start3A_148] : memref<40x125xi32, #tpu.memory_space<vmem>> -> memref<1x125xi32, #tpu.memory_space<vmem>>
        %dma_start3A_150 = tpu.memref_squeeze %dma_start3A_149 : memref<1x125xi32, #tpu.memory_space<vmem>> -> memref<125xi32, #tpu.memory_space<vmem>>
        %dma_start3A_151 = arith.constant 0 : i32
        %dma_start3A_152 = arith.constant 0 : i32
        %dma_start3A_153 = tpu.memref_slice %arg4[%dma_start3A_151, %dma_start3A_152] : memref<10000x128xf32, #tpu.memory_space<hbm>> -> memref<10000x128xf32, #tpu.memory_space<hbm>>
        tpu.enqueue_indirect_dma source(%dma_start3A_153 : memref<10000x128xf32, #tpu.memory_space<hbm>>) target(%arg9 : memref<125x128xf32, #tpu.memory_space<vmem>>) offsets(%dma_start3A_150 : memref<125xi32, #tpu.memory_space<vmem>>) semaphore(%arg12 : memref<!tpu.dma_semaphore, #tpu.memory_space<semaphore_mem>>)
      } else {
      }
      %dma_wait3A_117 = arith.constant 0 : i32
      %dma_wait3A_118 = arith.constant 0 : i32
      %dma_wait3A_119 = tpu.memref_slice %arg7[%dma_wait3A_117, %dma_wait3A_118] : memref<40x125xi32, #tpu.memory_space<vmem>> -> memref<1x125xi32, #tpu.memory_space<vmem>>
      %dma_wait3A_120 = tpu.memref_squeeze %dma_wait3A_119 : memref<1x125xi32, #tpu.memory_space<vmem>> -> memref<125xi32, #tpu.memory_space<vmem>>
      %dma_wait3A_121 = arith.constant 0 : i32
      %dma_wait3A_122 = arith.constant 0 : i32
      %dma_wait3A_123 = tpu.memref_slice %arg4[%dma_wait3A_121, %dma_wait3A_122] : memref<10000x128xf32, #tpu.memory_space<hbm>> -> memref<10000x128xf32, #tpu.memory_space<hbm>>
      tpu.wait_indirect_dma semaphore(%arg13 : memref<!tpu.dma_semaphore, #tpu.memory_space<semaphore_mem>>) src(%dma_wait3A_123 : memref<10000x128xf32, #tpu.memory_space<hbm>>) dst(%arg10 : memref<125x128xf32, #tpu.memory_space<vmem>>)
      %add3A_124 = arith.constant 1 : i32
      %add3A_125 = arith.addi %mul3A_93, %add3A_124 : i32
      %dma_start3A_126 = arith.constant 0 : i32
      %dma_start3A_127 = tpu.memref_slice %arg8[%add3A_125, %dma_start3A_126] : memref<40x125xi32, #tpu.memory_space<vmem>> -> memref<1x125xi32, #tpu.memory_space<vmem>>
      %dma_start3A_128 = tpu.memref_squeeze %dma_start3A_127 : memref<1x125xi32, #tpu.memory_space<vmem>> -> memref<125xi32, #tpu.memory_space<vmem>>
      %dma_start3A_129 = arith.constant 0 : i32
      %dma_start3A_130 = arith.constant 0 : i32
      %dma_start3A_131 = tpu.memref_slice %arg11[%dma_start3A_129, %dma_start3A_130] : memref<10000x128xf32, #tpu.memory_space<vmem_shared>> -> memref<10000x128xf32, #tpu.memory_space<vmem_shared>>
      tpu.enqueue_indirect_dma source(%arg10 : memref<125x128xf32, #tpu.memory_space<vmem>>) target(%dma_start3A_131 : memref<10000x128xf32, #tpu.memory_space<vmem_shared>>) offsets(%dma_start3A_128 : memref<125xi32, #tpu.memory_space<vmem>>) semaphore(%arg15 : memref<!tpu.dma_semaphore, #tpu.memory_space<semaphore_mem>>) {add = true}
      %dma_wait3A_132 = arith.constant 0 : i32
      %dma_wait3A_133 = arith.constant 0 : i32
      %dma_wait3A_134 = tpu.memref_slice %arg8[%dma_wait3A_132, %dma_wait3A_133] : memref<40x125xi32, #tpu.memory_space<vmem>> -> memref<1x125xi32, #tpu.memory_space<vmem>>
      %dma_wait3A_135 = tpu.memref_squeeze %dma_wait3A_134 : memref<1x125xi32, #tpu.memory_space<vmem>> -> memref<125xi32, #tpu.memory_space<vmem>>
      %dma_wait3A_136 = arith.constant 0 : i32
      %dma_wait3A_137 = arith.constant 0 : i32
      %dma_wait3A_138 = tpu.memref_slice %arg11[%dma_wait3A_136, %dma_wait3A_137] : memref<10000x128xf32, #tpu.memory_space<vmem_shared>> -> memref<10000x128xf32, #tpu.memory_space<vmem_shared>>
      tpu.wait_indirect_dma semaphore(%arg15 : memref<!tpu.dma_semaphore, #tpu.memory_space<semaphore_mem>>) src(%arg10 : memref<125x128xf32, #tpu.memory_space<vmem>>) dst(%dma_wait3A_138 : memref<10000x128xf32, #tpu.memory_space<vmem_shared>>)
      %add3A_139 = arith.constant 3 : i32
      %add3A_140 = arith.addi %mul3A_93, %add3A_139 : i32
      %lt3A_141 = arith.constant 40 : i32
      %lt3A_142 = arith.cmpi slt, %add3A_140, %lt3A_141 : i32
      %convert_element_type3A_143 = arith.extui %lt3A_142 : i1 to i32
      %cond3A_144 = arith.constant 0 : i32
      %cond3A_145 = arith.cmpi ne, %convert_element_type3A_143, %cond3A_144 : i32
      scf.if %cond3A_145 {
        %add3A_146 = arith.constant 3 : i32
        %add3A_147 = arith.addi %mul3A_93, %add3A_146 : i32
        %dma_start3A_148 = arith.constant 0 : i32
        %dma_start3A_149 = tpu.memref_slice %arg7[%add3A_147, %dma_start3A_148] : memref<40x125xi32, #tpu.memory_space<vmem>> -> memref<1x125xi32, #tpu.memory_space<vmem>>
        %dma_start3A_150 = tpu.memref_squeeze %dma_start3A_149 : memref<1x125xi32, #tpu.memory_space<vmem>> -> memref<125xi32, #tpu.memory_space<vmem>>
        %dma_start3A_151 = arith.constant 0 : i32
        %dma_start3A_152 = arith.constant 0 : i32
        %dma_start3A_153 = tpu.memref_slice %arg4[%dma_start3A_151, %dma_start3A_152] : memref<10000x128xf32, #tpu.memory_space<hbm>> -> memref<10000x128xf32, #tpu.memory_space<hbm>>
        tpu.enqueue_indirect_dma source(%dma_start3A_153 : memref<10000x128xf32, #tpu.memory_space<hbm>>) target(%arg10 : memref<125x128xf32, #tpu.memory_space<vmem>>) offsets(%dma_start3A_150 : memref<125xi32, #tpu.memory_space<vmem>>) semaphore(%arg13 : memref<!tpu.dma_semaphore, #tpu.memory_space<semaphore_mem>>)
      } else {
      }
    }
    %scan3A_42 = arith.constant 20 : i32
    %mul3A_43 = arith.constant 16 : i32
    %mul3A_44 = arith.muli %arg0, %mul3A_43 : i32
    %add3A_45 = arith.addi %mul3A_44, %arg1 : i32
    %mul3A_46 = arith.constant 80 : i32
    %mul3A_47 = arith.muli %add3A_45, %mul3A_46 : i32
    %add3A_48 = arith.constant 40 : i32
    %add3A_49 = arith.addi %mul3A_47, %add3A_48 : i32
    "tpu.region"() ({
      %run_scoped3A = tpu.sem_alloc : memref<!tpu.dma_semaphore, #tpu.memory_space<semaphore_mem>>
      %dma_start3A_91 = arith.constant 0 : i32
      %dma_start3A_92 = tpu.memref_slice %arg2[%add3A_49, %dma_start3A_91] : memref<2560x125xi32, #tpu.memory_space<hbm>> -> memref<40x125xi32, #tpu.memory_space<hbm>>
      %dma_start3A_93 = arith.constant 0 : i32
      %dma_start3A_94 = tpu.memref_slice %arg2[%add3A_49, %dma_start3A_93] : memref<2560x125xi32, #tpu.memory_space<hbm>> -> memref<40x125xi32, #tpu.memory_space<hbm>>
      tpu.enqueue_dma source(%dma_start3A_94 : memref<40x125xi32, #tpu.memory_space<hbm>>) target(%arg7 : memref<40x125xi32, #tpu.memory_space<vmem>>) target_semaphore(%run_scoped3A : memref<!tpu.dma_semaphore, #tpu.memory_space<semaphore_mem>>)
      %dma_wait3A = arith.constant 0 : i32
      %dma_wait3A_95 = tpu.memref_slice %arg2[%add3A_49, %dma_wait3A] : memref<2560x125xi32, #tpu.memory_space<hbm>> -> memref<40x125xi32, #tpu.memory_space<hbm>>
      %dma_wait3A_96 = arith.constant 0 : i32
      %dma_wait3A_97 = tpu.memref_slice %arg2[%add3A_49, %dma_wait3A_96] : memref<2560x125xi32, #tpu.memory_space<hbm>> -> memref<40x125xi32, #tpu.memory_space<hbm>>
      tpu.wait_dma2 semaphore(%run_scoped3A : memref<!tpu.dma_semaphore, #tpu.memory_space<semaphore_mem>>) src(%dma_wait3A_97 : memref<40x125xi32, #tpu.memory_space<hbm>>) dst(%arg7 : memref<40x125xi32, #tpu.memory_space<vmem>>)
      tpu.yield
    }) : () -> ()
    "tpu.region"() ({
      %run_scoped3A = tpu.sem_alloc : memref<!tpu.dma_semaphore, #tpu.memory_space<semaphore_mem>>
      %dma_start3A_91 = arith.constant 0 : i32
      %dma_start3A_92 = tpu.memref_slice %arg3[%add3A_49, %dma_start3A_91] : memref<2560x125xi32, #tpu.memory_space<hbm>> -> memref<40x125xi32, #tpu.memory_space<hbm>>
      %dma_start3A_93 = arith.constant 0 : i32
      %dma_start3A_94 = tpu.memref_slice %arg3[%add3A_49, %dma_start3A_93] : memref<2560x125xi32, #tpu.memory_space<hbm>> -> memref<40x125xi32, #tpu.memory_space<hbm>>
      tpu.enqueue_dma source(%dma_start3A_94 : memref<40x125xi32, #tpu.memory_space<hbm>>) target(%arg8 : memref<40x125xi32, #tpu.memory_space<vmem>>) target_semaphore(%run_scoped3A : memref<!tpu.dma_semaphore, #tpu.memory_space<semaphore_mem>>)
      %dma_wait3A = arith.constant 0 : i32
      %dma_wait3A_95 = tpu.memref_slice %arg3[%add3A_49, %dma_wait3A] : memref<2560x125xi32, #tpu.memory_space<hbm>> -> memref<40x125xi32, #tpu.memory_space<hbm>>
      %dma_wait3A_96 = arith.constant 0 : i32
      %dma_wait3A_97 = tpu.memref_slice %arg3[%add3A_49, %dma_wait3A_96] : memref<2560x125xi32, #tpu.memory_space<hbm>> -> memref<40x125xi32, #tpu.memory_space<hbm>>
      tpu.wait_dma2 semaphore(%run_scoped3A : memref<!tpu.dma_semaphore, #tpu.memory_space<semaphore_mem>>) src(%dma_wait3A_97 : memref<40x125xi32, #tpu.memory_space<hbm>>) dst(%arg8 : memref<40x125xi32, #tpu.memory_space<vmem>>)
      tpu.yield
    }) : () -> ()
    %dma_start3A_50 = arith.constant 0 : i32
    %dma_start3A_51 = arith.constant 0 : i32
    %dma_start3A_52 = tpu.memref_slice %arg7[%dma_start3A_50, %dma_start3A_51] : memref<40x125xi32, #tpu.memory_space<vmem>> -> memref<1x125xi32, #tpu.memory_space<vmem>>
    %dma_start3A_53 = tpu.memref_squeeze %dma_start3A_52 : memref<1x125xi32, #tpu.memory_space<vmem>> -> memref<125xi32, #tpu.memory_space<vmem>>
    %dma_start3A_54 = arith.constant 0 : i32
    %dma_start3A_55 = arith.constant 0 : i32
    %dma_start3A_56 = tpu.memref_slice %arg4[%dma_start3A_54, %dma_start3A_55] : memref<10000x128xf32, #tpu.memory_space<hbm>> -> memref<10000x128xf32, #tpu.memory_space<hbm>>
    tpu.enqueue_indirect_dma source(%dma_start3A_56 : memref<10000x128xf32, #tpu.memory_space<hbm>>) target(%arg9 : memref<125x128xf32, #tpu.memory_space<vmem>>) offsets(%dma_start3A_53 : memref<125xi32, #tpu.memory_space<vmem>>) semaphore(%arg12 : memref<!tpu.dma_semaphore, #tpu.memory_space<semaphore_mem>>)
    %dma_start3A_57 = arith.constant 1 : i32
    %dma_start3A_58 = arith.constant 0 : i32
    %dma_start3A_59 = tpu.memref_slice %arg7[%dma_start3A_57, %dma_start3A_58] : memref<40x125xi32, #tpu.memory_space<vmem>> -> memref<1x125xi32, #tpu.memory_space<vmem>>
    %dma_start3A_60 = tpu.memref_squeeze %dma_start3A_59 : memref<1x125xi32, #tpu.memory_space<vmem>> -> memref<125xi32, #tpu.memory_space<vmem>>
    %dma_start3A_61 = arith.constant 0 : i32
    %dma_start3A_62 = arith.constant 0 : i32
    %dma_start3A_63 = tpu.memref_slice %arg4[%dma_start3A_61, %dma_start3A_62] : memref<10000x128xf32, #tpu.memory_space<hbm>> -> memref<10000x128xf32, #tpu.memory_space<hbm>>
    tpu.enqueue_indirect_dma source(%dma_start3A_63 : memref<10000x128xf32, #tpu.memory_space<hbm>>) target(%arg10 : memref<125x128xf32, #tpu.memory_space<vmem>>) offsets(%dma_start3A_60 : memref<125xi32, #tpu.memory_space<vmem>>) semaphore(%arg13 : memref<!tpu.dma_semaphore, #tpu.memory_space<semaphore_mem>>)
    %scan3A_64 = arith.constant 0 : i32
    %scan3A_65 = arith.constant 0 : i32
    %scan3A_66 = arith.constant 20 : i32
    %scan3A_67 = arith.addi %scan3A_65, %scan3A_66 : i32
    %scan3A_68 = arith.constant 1 : i32
    scf.for %scan3A_91 = %scan3A_65 to %scan3A_67 step %scan3A_68  : i32 {
      %mul3A_92 = arith.constant 2 : i32
      %mul3A_93 = arith.muli %mul3A_92, %scan3A_91 : i32
      %dma_wait3A = arith.constant 0 : i32
      %dma_wait3A_94 = arith.constant 0 : i32
      %dma_wait3A_95 = tpu.memref_slice %arg7[%dma_wait3A, %dma_wait3A_94] : memref<40x125xi32, #tpu.memory_space<vmem>> -> memref<1x125xi32, #tpu.memory_space<vmem>>
      %dma_wait3A_96 = tpu.memref_squeeze %dma_wait3A_95 : memref<1x125xi32, #tpu.memory_space<vmem>> -> memref<125xi32, #tpu.memory_space<vmem>>
      %dma_wait3A_97 = arith.constant 0 : i32
      %dma_wait3A_98 = arith.constant 0 : i32
      %dma_wait3A_99 = tpu.memref_slice %arg4[%dma_wait3A_97, %dma_wait3A_98] : memref<10000x128xf32, #tpu.memory_space<hbm>> -> memref<10000x128xf32, #tpu.memory_space<hbm>>
      tpu.wait_indirect_dma semaphore(%arg12 : memref<!tpu.dma_semaphore, #tpu.memory_space<semaphore_mem>>) src(%dma_wait3A_99 : memref<10000x128xf32, #tpu.memory_space<hbm>>) dst(%arg9 : memref<125x128xf32, #tpu.memory_space<vmem>>)
      %dma_start3A_100 = arith.constant 0 : i32
      %dma_start3A_101 = tpu.memref_slice %arg8[%mul3A_93, %dma_start3A_100] : memref<40x125xi32, #tpu.memory_space<vmem>> -> memref<1x125xi32, #tpu.memory_space<vmem>>
      %dma_start3A_102 = tpu.memref_squeeze %dma_start3A_101 : memref<1x125xi32, #tpu.memory_space<vmem>> -> memref<125xi32, #tpu.memory_space<vmem>>
      %dma_start3A_103 = arith.constant 0 : i32
      %dma_start3A_104 = arith.constant 0 : i32
      %dma_start3A_105 = tpu.memref_slice %arg11[%dma_start3A_103, %dma_start3A_104] : memref<10000x128xf32, #tpu.memory_space<vmem_shared>> -> memref<10000x128xf32, #tpu.memory_space<vmem_shared>>
      tpu.enqueue_indirect_dma source(%arg9 : memref<125x128xf32, #tpu.memory_space<vmem>>) target(%dma_start3A_105 : memref<10000x128xf32, #tpu.memory_space<vmem_shared>>) offsets(%dma_start3A_102 : memref<125xi32, #tpu.memory_space<vmem>>) semaphore(%arg14 : memref<!tpu.dma_semaphore, #tpu.memory_space<semaphore_mem>>) {add = true}
      %dma_wait3A_106 = arith.constant 0 : i32
      %dma_wait3A_107 = arith.constant 0 : i32
      %dma_wait3A_108 = tpu.memref_slice %arg8[%dma_wait3A_106, %dma_wait3A_107] : memref<40x125xi32, #tpu.memory_space<vmem>> -> memref<1x125xi32, #tpu.memory_space<vmem>>
      %dma_wait3A_109 = tpu.memref_squeeze %dma_wait3A_108 : memref<1x125xi32, #tpu.memory_space<vmem>> -> memref<125xi32, #tpu.memory_space<vmem>>
      %dma_wait3A_110 = arith.constant 0 : i32
      %dma_wait3A_111 = arith.constant 0 : i32
      %dma_wait3A_112 = tpu.memref_slice %arg11[%dma_wait3A_110, %dma_wait3A_111] : memref<10000x128xf32, #tpu.memory_space<vmem_shared>> -> memref<10000x128xf32, #tpu.memory_space<vmem_shared>>
      tpu.wait_indirect_dma semaphore(%arg14 : memref<!tpu.dma_semaphore, #tpu.memory_space<semaphore_mem>>) src(%arg9 : memref<125x128xf32, #tpu.memory_space<vmem>>) dst(%dma_wait3A_112 : memref<10000x128xf32, #tpu.memory_space<vmem_shared>>)
      %add3A_113 = arith.constant 2 : i32
      %add3A_114 = arith.addi %mul3A_93, %add3A_113 : i32
      %lt3A = arith.constant 40 : i32
      %lt3A_115 = arith.cmpi slt, %add3A_114, %lt3A : i32
      %convert_element_type3A = arith.extui %lt3A_115 : i1 to i32
      %cond3A = arith.constant 0 : i32
      %cond3A_116 = arith.cmpi ne, %convert_element_type3A, %cond3A : i32
      scf.if %cond3A_116 {
        %add3A_146 = arith.constant 2 : i32
        %add3A_147 = arith.addi %mul3A_93, %add3A_146 : i32
        %dma_start3A_148 = arith.constant 0 : i32
        %dma_start3A_149 = tpu.memref_slice %arg7[%add3A_147, %dma_start3A_148] : memref<40x125xi32, #tpu.memory_space<vmem>> -> memref<1x125xi32, #tpu.memory_space<vmem>>
        %dma_start3A_150 = tpu.memref_squeeze %dma_start3A_149 : memref<1x125xi32, #tpu.memory_space<vmem>> -> memref<125xi32, #tpu.memory_space<vmem>>
        %dma_start3A_151 = arith.constant 0 : i32
        %dma_start3A_152 = arith.constant 0 : i32
        %dma_start3A_153 = tpu.memref_slice %arg4[%dma_start3A_151, %dma_start3A_152] : memref<10000x128xf32, #tpu.memory_space<hbm>> -> memref<10000x128xf32, #tpu.memory_space<hbm>>
        tpu.enqueue_indirect_dma source(%dma_start3A_153 : memref<10000x128xf32, #tpu.memory_space<hbm>>) target(%arg9 : memref<125x128xf32, #tpu.memory_space<vmem>>) offsets(%dma_start3A_150 : memref<125xi32, #tpu.memory_space<vmem>>) semaphore(%arg12 : memref<!tpu.dma_semaphore, #tpu.memory_space<semaphore_mem>>)
      } else {
      }
      %dma_wait3A_117 = arith.constant 0 : i32
      %dma_wait3A_118 = arith.constant 0 : i32
      %dma_wait3A_119 = tpu.memref_slice %arg7[%dma_wait3A_117, %dma_wait3A_118] : memref<40x125xi32, #tpu.memory_space<vmem>> -> memref<1x125xi32, #tpu.memory_space<vmem>>
      %dma_wait3A_120 = tpu.memref_squeeze %dma_wait3A_119 : memref<1x125xi32, #tpu.memory_space<vmem>> -> memref<125xi32, #tpu.memory_space<vmem>>
      %dma_wait3A_121 = arith.constant 0 : i32
      %dma_wait3A_122 = arith.constant 0 : i32
      %dma_wait3A_123 = tpu.memref_slice %arg4[%dma_wait3A_121, %dma_wait3A_122] : memref<10000x128xf32, #tpu.memory_space<hbm>> -> memref<10000x128xf32, #tpu.memory_space<hbm>>
      tpu.wait_indirect_dma semaphore(%arg13 : memref<!tpu.dma_semaphore, #tpu.memory_space<semaphore_mem>>) src(%dma_wait3A_123 : memref<10000x128xf32, #tpu.memory_space<hbm>>) dst(%arg10 : memref<125x128xf32, #tpu.memory_space<vmem>>)
      %add3A_124 = arith.constant 1 : i32
      %add3A_125 = arith.addi %mul3A_93, %add3A_124 : i32
      %dma_start3A_126 = arith.constant 0 : i32
      %dma_start3A_127 = tpu.memref_slice %arg8[%add3A_125, %dma_start3A_126] : memref<40x125xi32, #tpu.memory_space<vmem>> -> memref<1x125xi32, #tpu.memory_space<vmem>>
      %dma_start3A_128 = tpu.memref_squeeze %dma_start3A_127 : memref<1x125xi32, #tpu.memory_space<vmem>> -> memref<125xi32, #tpu.memory_space<vmem>>
      %dma_start3A_129 = arith.constant 0 : i32
      %dma_start3A_130 = arith.constant 0 : i32
      %dma_start3A_131 = tpu.memref_slice %arg11[%dma_start3A_129, %dma_start3A_130] : memref<10000x128xf32, #tpu.memory_space<vmem_shared>> -> memref<10000x128xf32, #tpu.memory_space<vmem_shared>>
      tpu.enqueue_indirect_dma source(%arg10 : memref<125x128xf32, #tpu.memory_space<vmem>>) target(%dma_start3A_131 : memref<10000x128xf32, #tpu.memory_space<vmem_shared>>) offsets(%dma_start3A_128 : memref<125xi32, #tpu.memory_space<vmem>>) semaphore(%arg15 : memref<!tpu.dma_semaphore, #tpu.memory_space<semaphore_mem>>) {add = true}
      %dma_wait3A_132 = arith.constant 0 : i32
      %dma_wait3A_133 = arith.constant 0 : i32
      %dma_wait3A_134 = tpu.memref_slice %arg8[%dma_wait3A_132, %dma_wait3A_133] : memref<40x125xi32, #tpu.memory_space<vmem>> -> memref<1x125xi32, #tpu.memory_space<vmem>>
      %dma_wait3A_135 = tpu.memref_squeeze %dma_wait3A_134 : memref<1x125xi32, #tpu.memory_space<vmem>> -> memref<125xi32, #tpu.memory_space<vmem>>
      %dma_wait3A_136 = arith.constant 0 : i32
      %dma_wait3A_137 = arith.constant 0 : i32
      %dma_wait3A_138 = tpu.memref_slice %arg11[%dma_wait3A_136, %dma_wait3A_137] : memref<10000x128xf32, #tpu.memory_space<vmem_shared>> -> memref<10000x128xf32, #tpu.memory_space<vmem_shared>>
      tpu.wait_indirect_dma semaphore(%arg15 : memref<!tpu.dma_semaphore, #tpu.memory_space<semaphore_mem>>) src(%arg10 : memref<125x128xf32, #tpu.memory_space<vmem>>) dst(%dma_wait3A_138 : memref<10000x128xf32, #tpu.memory_space<vmem_shared>>)
      %add3A_139 = arith.constant 3 : i32
      %add3A_140 = arith.addi %mul3A_93, %add3A_139 : i32
      %lt3A_141 = arith.constant 40 : i32
      %lt3A_142 = arith.cmpi slt, %add3A_140, %lt3A_141 : i32
      %convert_element_type3A_143 = arith.extui %lt3A_142 : i1 to i32
      %cond3A_144 = arith.constant 0 : i32
      %cond3A_145 = arith.cmpi ne, %convert_element_type3A_143, %cond3A_144 : i32
      scf.if %cond3A_145 {
        %add3A_146 = arith.constant 3 : i32
        %add3A_147 = arith.addi %mul3A_93, %add3A_146 : i32
        %dma_start3A_148 = arith.constant 0 : i32
        %dma_start3A_149 = tpu.memref_slice %arg7[%add3A_147, %dma_start3A_148] : memref<40x125xi32, #tpu.memory_space<vmem>> -> memref<1x125xi32, #tpu.memory_space<vmem>>
        %dma_start3A_150 = tpu.memref_squeeze %dma_start3A_149 : memref<1x125xi32, #tpu.memory_space<vmem>> -> memref<125xi32, #tpu.memory_space<vmem>>
        %dma_start3A_151 = arith.constant 0 : i32
        %dma_start3A_152 = arith.constant 0 : i32
        %dma_start3A_153 = tpu.memref_slice %arg4[%dma_start3A_151, %dma_start3A_152] : memref<10000x128xf32, #tpu.memory_space<hbm>> -> memref<10000x128xf32, #tpu.memory_space<hbm>>
        tpu.enqueue_indirect_dma source(%dma_start3A_153 : memref<10000x128xf32, #tpu.memory_space<hbm>>) target(%arg10 : memref<125x128xf32, #tpu.memory_space<vmem>>) offsets(%dma_start3A_150 : memref<125xi32, #tpu.memory_space<vmem>>) semaphore(%arg13 : memref<!tpu.dma_semaphore, #tpu.memory_space<semaphore_mem>>)
      } else {
      }
    }
    %scan3A_69 = arith.constant 20 : i32
    %barrier3A_70 = arith.constant 0 : index
    tpu.barrier barrier_id(%barrier3A_70)
    %mul3A_71 = arith.constant 625 : i32
    %mul3A_72 = arith.muli %arg1, %mul3A_71 : i32
    %add3A_73 = arith.constant 0 : i32
    %add3A_74 = arith.addi %mul3A_72, %add3A_73 : i32
    "tpu.region"() ({
      %run_scoped3A = tpu.sem_alloc : memref<!tpu.dma_semaphore, #tpu.memory_space<semaphore_mem>>
      %dma_start3A_91 = arith.constant 0 : i32
      %dma_start3A_92 = tpu.memref_slice %arg6[%arg0, %add3A_74, %dma_start3A_91] : memref<2x10000x128xf32, #tpu.memory_space<hbm>> -> memref<1x125x128xf32, #tpu.memory_space<hbm>>
      %dma_start3A_93 = tpu.memref_squeeze %dma_start3A_92 : memref<1x125x128xf32, #tpu.memory_space<hbm>> -> memref<125x128xf32, #tpu.memory_space<hbm>>
      %dma_start3A_94 = arith.constant 0 : i32
      %dma_start3A_95 = tpu.memref_slice %arg11[%add3A_74, %dma_start3A_94] : memref<10000x128xf32, #tpu.memory_space<vmem_shared>> -> memref<125x128xf32, #tpu.memory_space<vmem_shared>>
      tpu.enqueue_dma source(%dma_start3A_95 : memref<125x128xf32, #tpu.memory_space<vmem_shared>>) target(%dma_start3A_93 : memref<125x128xf32, #tpu.memory_space<hbm>>) target_semaphore(%run_scoped3A : memref<!tpu.dma_semaphore, #tpu.memory_space<semaphore_mem>>)
      %dma_wait3A = arith.constant 0 : i32
      %dma_wait3A_96 = tpu.memref_slice %arg6[%arg0, %add3A_74, %dma_wait3A] : memref<2x10000x128xf32, #tpu.memory_space<hbm>> -> memref<1x125x128xf32, #tpu.memory_space<hbm>>
      %dma_wait3A_97 = tpu.memref_squeeze %dma_wait3A_96 : memref<1x125x128xf32, #tpu.memory_space<hbm>> -> memref<125x128xf32, #tpu.memory_space<hbm>>
      %dma_wait3A_98 = arith.constant 0 : i32
      %dma_wait3A_99 = tpu.memref_slice %arg11[%add3A_74, %dma_wait3A_98] : memref<10000x128xf32, #tpu.memory_space<vmem_shared>> -> memref<125x128xf32, #tpu.memory_space<vmem_shared>>
      tpu.wait_dma2 semaphore(%run_scoped3A : memref<!tpu.dma_semaphore, #tpu.memory_space<semaphore_mem>>) src(%dma_wait3A_99 : memref<125x128xf32, #tpu.memory_space<vmem_shared>>) dst(%dma_wait3A_97 : memref<125x128xf32, #tpu.memory_space<hbm>>)
      tpu.yield
    }) : () -> ()
    %mul3A_75 = arith.constant 625 : i32
    %mul3A_76 = arith.muli %arg1, %mul3A_75 : i32
    %add3A_77 = arith.constant 125 : i32
    %add3A_78 = arith.addi %mul3A_76, %add3A_77 : i32
    "tpu.region"() ({
      %run_scoped3A = tpu.sem_alloc : memref<!tpu.dma_semaphore, #tpu.memory_space<semaphore_mem>>
      %dma_start3A_91 = arith.constant 0 : i32
      %dma_start3A_92 = tpu.memref_slice %arg6[%arg0, %add3A_78, %dma_start3A_91] : memref<2x10000x128xf32, #tpu.memory_space<hbm>> -> memref<1x125x128xf32, #tpu.memory_space<hbm>>
      %dma_start3A_93 = tpu.memref_squeeze %dma_start3A_92 : memref<1x125x128xf32, #tpu.memory_space<hbm>> -> memref<125x128xf32, #tpu.memory_space<hbm>>
      %dma_start3A_94 = arith.constant 0 : i32
      %dma_start3A_95 = tpu.memref_slice %arg11[%add3A_78, %dma_start3A_94] : memref<10000x128xf32, #tpu.memory_space<vmem_shared>> -> memref<125x128xf32, #tpu.memory_space<vmem_shared>>
      tpu.enqueue_dma source(%dma_start3A_95 : memref<125x128xf32, #tpu.memory_space<vmem_shared>>) target(%dma_start3A_93 : memref<125x128xf32, #tpu.memory_space<hbm>>) target_semaphore(%run_scoped3A : memref<!tpu.dma_semaphore, #tpu.memory_space<semaphore_mem>>)
      %dma_wait3A = arith.constant 0 : i32
      %dma_wait3A_96 = tpu.memref_slice %arg6[%arg0, %add3A_78, %dma_wait3A] : memref<2x10000x128xf32, #tpu.memory_space<hbm>> -> memref<1x125x128xf32, #tpu.memory_space<hbm>>
      %dma_wait3A_97 = tpu.memref_squeeze %dma_wait3A_96 : memref<1x125x128xf32, #tpu.memory_space<hbm>> -> memref<125x128xf32, #tpu.memory_space<hbm>>
      %dma_wait3A_98 = arith.constant 0 : i32
      %dma_wait3A_99 = tpu.memref_slice %arg11[%add3A_78, %dma_wait3A_98] : memref<10000x128xf32, #tpu.memory_space<vmem_shared>> -> memref<125x128xf32, #tpu.memory_space<vmem_shared>>
      tpu.wait_dma2 semaphore(%run_scoped3A : memref<!tpu.dma_semaphore, #tpu.memory_space<semaphore_mem>>) src(%dma_wait3A_99 : memref<125x128xf32, #tpu.memory_space<vmem_shared>>) dst(%dma_wait3A_97 : memref<125x128xf32, #tpu.memory_space<hbm>>)
      tpu.yield
    }) : () -> ()
    %mul3A_79 = arith.constant 625 : i32
    %mul3A_80 = arith.muli %arg1, %mul3A_79 : i32
    %add3A_81 = arith.constant 250 : i32
    %add3A_82 = arith.addi %mul3A_80, %add3A_81 : i32
    "tpu.region"() ({
      %run_scoped3A = tpu.sem_alloc : memref<!tpu.dma_semaphore, #tpu.memory_space<semaphore_mem>>
      %dma_start3A_91 = arith.constant 0 : i32
      %dma_start3A_92 = tpu.memref_slice %arg6[%arg0, %add3A_82, %dma_start3A_91] : memref<2x10000x128xf32, #tpu.memory_space<hbm>> -> memref<1x125x128xf32, #tpu.memory_space<hbm>>
      %dma_start3A_93 = tpu.memref_squeeze %dma_start3A_92 : memref<1x125x128xf32, #tpu.memory_space<hbm>> -> memref<125x128xf32, #tpu.memory_space<hbm>>
      %dma_start3A_94 = arith.constant 0 : i32
      %dma_start3A_95 = tpu.memref_slice %arg11[%add3A_82, %dma_start3A_94] : memref<10000x128xf32, #tpu.memory_space<vmem_shared>> -> memref<125x128xf32, #tpu.memory_space<vmem_shared>>
      tpu.enqueue_dma source(%dma_start3A_95 : memref<125x128xf32, #tpu.memory_space<vmem_shared>>) target(%dma_start3A_93 : memref<125x128xf32, #tpu.memory_space<hbm>>) target_semaphore(%run_scoped3A : memref<!tpu.dma_semaphore, #tpu.memory_space<semaphore_mem>>)
      %dma_wait3A = arith.constant 0 : i32
      %dma_wait3A_96 = tpu.memref_slice %arg6[%arg0, %add3A_82, %dma_wait3A] : memref<2x10000x128xf32, #tpu.memory_space<hbm>> -> memref<1x125x128xf32, #tpu.memory_space<hbm>>
      %dma_wait3A_97 = tpu.memref_squeeze %dma_wait3A_96 : memref<1x125x128xf32, #tpu.memory_space<hbm>> -> memref<125x128xf32, #tpu.memory_space<hbm>>
      %dma_wait3A_98 = arith.constant 0 : i32
      %dma_wait3A_99 = tpu.memref_slice %arg11[%add3A_82, %dma_wait3A_98] : memref<10000x128xf32, #tpu.memory_space<vmem_shared>> -> memref<125x128xf32, #tpu.memory_space<vmem_shared>>
      tpu.wait_dma2 semaphore(%run_scoped3A : memref<!tpu.dma_semaphore, #tpu.memory_space<semaphore_mem>>) src(%dma_wait3A_99 : memref<125x128xf32, #tpu.memory_space<vmem_shared>>) dst(%dma_wait3A_97 : memref<125x128xf32, #tpu.memory_space<hbm>>)
      tpu.yield
    }) : () -> ()
    %mul3A_83 = arith.constant 625 : i32
    %mul3A_84 = arith.muli %arg1, %mul3A_83 : i32
    %add3A_85 = arith.constant 375 : i32
    %add3A_86 = arith.addi %mul3A_84, %add3A_85 : i32
    "tpu.region"() ({
      %run_scoped3A = tpu.sem_alloc : memref<!tpu.dma_semaphore, #tpu.memory_space<semaphore_mem>>
      %dma_start3A_91 = arith.constant 0 : i32
      %dma_start3A_92 = tpu.memref_slice %arg6[%arg0, %add3A_86, %dma_start3A_91] : memref<2x10000x128xf32, #tpu.memory_space<hbm>> -> memref<1x125x128xf32, #tpu.memory_space<hbm>>
      %dma_start3A_93 = tpu.memref_squeeze %dma_start3A_92 : memref<1x125x128xf32, #tpu.memory_space<hbm>> -> memref<125x128xf32, #tpu.memory_space<hbm>>
      %dma_start3A_94 = arith.constant 0 : i32
      %dma_start3A_95 = tpu.memref_slice %arg11[%add3A_86, %dma_start3A_94] : memref<10000x128xf32, #tpu.memory_space<vmem_shared>> -> memref<125x128xf32, #tpu.memory_space<vmem_shared>>
      tpu.enqueue_dma source(%dma_start3A_95 : memref<125x128xf32, #tpu.memory_space<vmem_shared>>) target(%dma_start3A_93 : memref<125x128xf32, #tpu.memory_space<hbm>>) target_semaphore(%run_scoped3A : memref<!tpu.dma_semaphore, #tpu.memory_space<semaphore_mem>>)
      %dma_wait3A = arith.constant 0 : i32
      %dma_wait3A_96 = tpu.memref_slice %arg6[%arg0, %add3A_86, %dma_wait3A] : memref<2x10000x128xf32, #tpu.memory_space<hbm>> -> memref<1x125x128xf32, #tpu.memory_space<hbm>>
      %dma_wait3A_97 = tpu.memref_squeeze %dma_wait3A_96 : memref<1x125x128xf32, #tpu.memory_space<hbm>> -> memref<125x128xf32, #tpu.memory_space<hbm>>
      %dma_wait3A_98 = arith.constant 0 : i32
      %dma_wait3A_99 = tpu.memref_slice %arg11[%add3A_86, %dma_wait3A_98] : memref<10000x128xf32, #tpu.memory_space<vmem_shared>> -> memref<125x128xf32, #tpu.memory_space<vmem_shared>>
      tpu.wait_dma2 semaphore(%run_scoped3A : memref<!tpu.dma_semaphore, #tpu.memory_space<semaphore_mem>>) src(%dma_wait3A_99 : memref<125x128xf32, #tpu.memory_space<vmem_shared>>) dst(%dma_wait3A_97 : memref<125x128xf32, #tpu.memory_space<hbm>>)
      tpu.yield
    }) : () -> ()
    %mul3A_87 = arith.constant 625 : i32
    %mul3A_88 = arith.muli %arg1, %mul3A_87 : i32
    %add3A_89 = arith.constant 500 : i32
    %add3A_90 = arith.addi %mul3A_88, %add3A_89 : i32
    "tpu.region"() ({
      %run_scoped3A = tpu.sem_alloc : memref<!tpu.dma_semaphore, #tpu.memory_space<semaphore_mem>>
      %dma_start3A_91 = arith.constant 0 : i32
      %dma_start3A_92 = tpu.memref_slice %arg6[%arg0, %add3A_90, %dma_start3A_91] : memref<2x10000x128xf32, #tpu.memory_space<hbm>> -> memref<1x125x128xf32, #tpu.memory_space<hbm>>
      %dma_start3A_93 = tpu.memref_squeeze %dma_start3A_92 : memref<1x125x128xf32, #tpu.memory_space<hbm>> -> memref<125x128xf32, #tpu.memory_space<hbm>>
      %dma_start3A_94 = arith.constant 0 : i32
      %dma_start3A_95 = tpu.memref_slice %arg11[%add3A_90, %dma_start3A_94] : memref<10000x128xf32, #tpu.memory_space<vmem_shared>> -> memref<125x128xf32, #tpu.memory_space<vmem_shared>>
      tpu.enqueue_dma source(%dma_start3A_95 : memref<125x128xf32, #tpu.memory_space<vmem_shared>>) target(%dma_start3A_93 : memref<125x128xf32, #tpu.memory_space<hbm>>) target_semaphore(%run_scoped3A : memref<!tpu.dma_semaphore, #tpu.memory_space<semaphore_mem>>)
      %dma_wait3A = arith.constant 0 : i32
      %dma_wait3A_96 = tpu.memref_slice %arg6[%arg0, %add3A_90, %dma_wait3A] : memref<2x10000x128xf32, #tpu.memory_space<hbm>> -> memref<1x125x128xf32, #tpu.memory_space<hbm>>
      %dma_wait3A_97 = tpu.memref_squeeze %dma_wait3A_96 : memref<1x125x128xf32, #tpu.memory_space<hbm>> -> memref<125x128xf32, #tpu.memory_space<hbm>>
      %dma_wait3A_98 = arith.constant 0 : i32
      %dma_wait3A_99 = tpu.memref_slice %arg11[%add3A_90, %dma_wait3A_98] : memref<10000x128xf32, #tpu.memory_space<vmem_shared>> -> memref<125x128xf32, #tpu.memory_space<vmem_shared>>
      tpu.wait_dma2 semaphore(%run_scoped3A : memref<!tpu.dma_semaphore, #tpu.memory_space<semaphore_mem>>) src(%dma_wait3A_99 : memref<125x128xf32, #tpu.memory_space<vmem_shared>>) dst(%dma_wait3A_97 : memref<125x128xf32, #tpu.memory_space<hbm>>)
      tpu.yield
    }) : () -> ()
    return
  }
}

module attributes {stable_mosaic.version = 14 : i64} {
  func.func @_embed_body(%arg0: i32, %arg1: memref<1000x128xf32, #tpu.memory_space<vmem>>, %arg2: memref<128x128xf32, #tpu.memory_space<vmem>>, %arg3: memref<1x128xf32, #tpu.memory_space<vmem>>, %arg4: memref<128x128xf32, #tpu.memory_space<vmem>>, %arg5: memref<1000x128xf32, #tpu.memory_space<vmem>>, %arg6: memref<1000x128xf32, #tpu.memory_space<vmem>>) attributes {dimension_semantics = [#tpu.dimension_semantics<arbitrary>], iteration_bounds = array<i64: 10>, scalar_prefetch = 0 : i64, scratch_operands = 0 : i64, tpu.core_type = #tpu.core_type<tc>, window_params = [{transform_indices = @transform_0, window_bounds = array<i64: 1000, 128>}, {pipeline_mode = #tpu.pipeline_mode<synchronous>, transform_indices = @transform_1, window_bounds = array<i64: 128, 128>}, {pipeline_mode = #tpu.pipeline_mode<synchronous>, transform_indices = @transform_2, window_bounds = array<i64: 1, 128>}, {pipeline_mode = #tpu.pipeline_mode<synchronous>, transform_indices = @transform_3, window_bounds = array<i64: 128, 128>}, {transform_indices = @transform_4, window_bounds = array<i64: 1000, 128>}, {transform_indices = @transform_5, window_bounds = array<i64: 1000, 128>}]} {
    %get3A = arith.constant 0 : index
    %get3A_0 = arith.constant 0 : index
    %get3A_1 = vector.load %arg1[%get3A, %get3A_0] : memref<1000x128xf32, #tpu.memory_space<vmem>>, vector<1000x128xf32>
    %get3A_2 = arith.constant 0 : index
    %get3A_3 = arith.constant 0 : index
    %get3A_4 = vector.load %arg2[%get3A_2, %get3A_3] : memref<128x128xf32, #tpu.memory_space<vmem>>, vector<128x128xf32>
    %dot_general3A = arith.constant dense<0.000000e+00> : vector<1000x128xf32>
    %dot_general3A_5 = tpu.matmul %get3A_1, %get3A_4, %dot_general3A {dimension_numbers = #tpu.dot_dimension_numbers<[1], [0], [0], [1], [0, 0, 1, 1], [], []>, transpose_lhs_hint = false} : vector<1000x128xf32>, vector<128x128xf32>, vector<1000x128xf32> -> vector<1000x128xf32>
    %get3A_6 = arith.constant 0 : index
    %get3A_7 = arith.constant 0 : index
    %get3A_8 = vector.load %arg3[%get3A_6, %get3A_7] : memref<1x128xf32, #tpu.memory_space<vmem>>, vector<1x128xf32>
    %add3A = vector.broadcast %get3A_8 : vector<1x128xf32> to vector<1000x128xf32>
    %add3A_9 = arith.addf %dot_general3A_5, %add3A : vector<1000x128xf32>
    %swap3A = arith.constant 0 : index
    %swap3A_10 = arith.constant 0 : index
    %swap3A_11 = vector.load %arg5[%swap3A, %swap3A_10] : memref<1000x128xf32, #tpu.memory_space<vmem>>, vector<1000x128xf32>
    tpu.vector_store %arg5[%swap3A, %swap3A_10], %add3A_9 {strides = array<i32>} : memref<1000x128xf32, #tpu.memory_space<vmem>>, vector<1000x128xf32>,
    %get3A_12 = arith.constant 0 : index
    %get3A_13 = arith.constant 0 : index
    %get3A_14 = vector.load %arg4[%get3A_12, %get3A_13] : memref<128x128xf32, #tpu.memory_space<vmem>>, vector<128x128xf32>
    %dot_general3A_15 = arith.constant dense<0.000000e+00> : vector<1000x128xf32>
    %dot_general3A_16 = tpu.matmul %add3A_9, %get3A_14, %dot_general3A_15 {dimension_numbers = #tpu.dot_dimension_numbers<[1], [0], [0], [1], [0, 0, 1, 1], [], []>, transpose_lhs_hint = false} : vector<1000x128xf32>, vector<128x128xf32>, vector<1000x128xf32> -> vector<1000x128xf32>
    %swap3A_17 = arith.constant 0 : index
    %swap3A_18 = arith.constant 0 : index
    %swap3A_19 = vector.load %arg6[%swap3A_17, %swap3A_18] : memref<1000x128xf32, #tpu.memory_space<vmem>>, vector<1000x128xf32>
    tpu.vector_store %arg6[%swap3A_17, %swap3A_18], %dot_general3A_16 {strides = array<i32>} : memref<1000x128xf32, #tpu.memory_space<vmem>>, vector<1000x128xf32>,
    return
  }
  func.func @transform_0(%arg0: i32) -> (i32, i32) {
    %c0_i32 = arith.constant 0 : i32
    %c0_i32_0 = arith.constant 0 : i32
    return %arg0, %c0_i32 : i32, i32
  }
  func.func @transform_1(%arg0: i32) -> (i32, i32) {
    %c0_i32 = arith.constant 0 : i32
    %c0_i32_0 = arith.constant 0 : i32
    %c0_i32_1 = arith.constant 0 : i32
    return %c0_i32, %c0_i32_0 : i32, i32
  }
  func.func @transform_2(%arg0: i32) -> (i32, i32) {
    %c0_i32 = arith.constant 0 : i32
    %c0_i32_0 = arith.constant 0 : i32
    %c0_i32_1 = arith.constant 0 : i32
    return %c0_i32, %c0_i32_0 : i32, i32
  }
  func.func @transform_3(%arg0: i32) -> (i32, i32) {
    %c0_i32 = arith.constant 0 : i32
    %c0_i32_0 = arith.constant 0 : i32
    %c0_i32_1 = arith.constant 0 : i32
    return %c0_i32, %c0_i32_0 : i32, i32
  }
  func.func @transform_4(%arg0: i32) -> (i32, i32) {
    %c0_i32 = arith.constant 0 : i32
    %c0_i32_0 = arith.constant 0 : i32
    return %arg0, %c0_i32 : i32, i32
  }
  func.func @transform_5(%arg0: i32) -> (i32, i32) {
    %c0_i32 = arith.constant 0 : i32
    %c0_i32_0 = arith.constant 0 : i32
    return %arg0, %c0_i32 : i32, i32
  }
}

module attributes {stable_mosaic.version = 14 : i64} {
  func.func @_mkm0_body(%arg0: i32, %arg1: memref<2x1000x16xf32, #tpu.memory_space<vmem>>, %arg2: memref<1000x128xf32, #tpu.memory_space<vmem>>, %arg3: memref<1000x128xf32, #tpu.memory_space<vmem>>) attributes {dimension_semantics = [#tpu.dimension_semantics<arbitrary>], iteration_bounds = array<i64: 10>, scalar_prefetch = 0 : i64, scratch_operands = 0 : i64, tpu.core_type = #tpu.core_type<tc>, window_params = [{transform_indices = @transform_0, window_bounds = array<i64: 2, 1000, 16>}, {transform_indices = @transform_1, window_bounds = array<i64: 1000, 128>}, {transform_indices = @transform_2, window_bounds = array<i64: 1000, 128>}]} {
    %get3A = arith.constant 0 : index
    %get3A_0 = arith.constant 0 : index
    %get3A_1 = vector.load %arg2[%get3A, %get3A_0] : memref<1000x128xf32, #tpu.memory_space<vmem>>, vector<1000x128xf32>
    %get3A_2 = arith.constant 0 : index
    %get3A_3 = arith.constant 0 : index
    %get3A_4 = arith.constant 0 : index
    %get3A_5 = vector.load %arg1[%get3A_2, %get3A_3, %get3A_4] : memref<2x1000x16xf32, #tpu.memory_space<vmem>>, vector<1x1000x1xf32>
    %get3A_6 = vector.shape_cast %get3A_5 : vector<1x1000x1xf32> to vector<1000x1xf32>
    %get3A_7 = arith.constant 1 : index
    %get3A_8 = arith.constant 0 : index
    %get3A_9 = arith.constant 0 : index
    %get3A_10 = vector.load %arg1[%get3A_7, %get3A_8, %get3A_9] : memref<2x1000x16xf32, #tpu.memory_space<vmem>>, vector<1x1000x1xf32>
    %get3A_11 = vector.shape_cast %get3A_10 : vector<1x1000x1xf32> to vector<1000x1xf32>
    %add3A = arith.addf %get3A_6, %get3A_11 : vector<1000x1xf32>
    %add3A_12 = arith.constant 1.000000e+00 : f32
    %add3A_13 = vector.broadcast %add3A_12 : f32 to vector<1000x1xf32>
    %add3A_14 = arith.addf %add3A, %add3A_13 : vector<1000x1xf32>
    %rsqrt3A = math.rsqrt %add3A_14 : vector<1000x1xf32>
    %mul3A = vector.broadcast %rsqrt3A : vector<1000x1xf32> to vector<1000x128xf32>
    %mul3A_15 = arith.mulf %get3A_1, %mul3A : vector<1000x128xf32>
    %swap3A = arith.constant 0 : index
    %swap3A_16 = arith.constant 0 : index
    %swap3A_17 = vector.load %arg3[%swap3A, %swap3A_16] : memref<1000x128xf32, #tpu.memory_space<vmem>>, vector<1000x128xf32>
    tpu.vector_store %arg3[%swap3A, %swap3A_16], %mul3A_15 {strides = array<i32>} : memref<1000x128xf32, #tpu.memory_space<vmem>>, vector<1000x128xf32>,
    return
  }
  func.func @transform_0(%arg0: i32) -> (i32, i32, i32) {
    %c0_i32 = arith.constant 0 : i32
    %c0_i32_0 = arith.constant 0 : i32
    %c0_i32_1 = arith.constant 0 : i32
    return %c0_i32, %arg0, %c0_i32_0 : i32, i32, i32
  }
  func.func @transform_1(%arg0: i32) -> (i32, i32) {
    %c0_i32 = arith.constant 0 : i32
    %c0_i32_0 = arith.constant 0 : i32
    return %arg0, %c0_i32 : i32, i32
  }
  func.func @transform_2(%arg0: i32) -> (i32, i32) {
    %c0_i32 = arith.constant 0 : i32
    %c0_i32_0 = arith.constant 0 : i32
    return %arg0, %c0_i32 : i32, i32
  }
}

module attributes {stable_mosaic.version = 14 : i64} {
  func.func @_layer_body(%arg0: i32, %arg1: memref<2x1000x16xf32, #tpu.memory_space<vmem>>, %arg2: memref<2x1000x128xf32, #tpu.memory_space<vmem>>, %arg3: memref<1000x128xf32, #tpu.memory_space<vmem>>, %arg4: memref<1000x128xf32, #tpu.memory_space<vmem>>, %arg5: memref<1x128xf32, #tpu.memory_space<vmem>>, %arg6: memref<128x128xf32, #tpu.memory_space<vmem>>, %arg7: memref<1000x128xf32, #tpu.memory_space<vmem>>, %arg8: memref<1000x128xf32, #tpu.memory_space<vmem>>) attributes {dimension_semantics = [#tpu.dimension_semantics<arbitrary>], iteration_bounds = array<i64: 10>, scalar_prefetch = 0 : i64, scratch_operands = 0 : i64, tpu.core_type = #tpu.core_type<tc>, window_params = [{transform_indices = @transform_0, window_bounds = array<i64: 2, 1000, 16>}, {transform_indices = @transform_1, window_bounds = array<i64: 2, 1000, 128>}, {transform_indices = @transform_2, window_bounds = array<i64: 1000, 128>}, {transform_indices = @transform_3, window_bounds = array<i64: 1000, 128>}, {pipeline_mode = #tpu.pipeline_mode<synchronous>, transform_indices = @transform_4, window_bounds = array<i64: 1, 128>}, {pipeline_mode = #tpu.pipeline_mode<synchronous>, transform_indices = @transform_5, window_bounds = array<i64: 128, 128>}, {transform_indices = @transform_6, window_bounds = array<i64: 1000, 128>}, {transform_indices = @transform_7, window_bounds = array<i64: 1000, 128>}]} {
    %get3A = arith.constant 0 : index
    %get3A_0 = arith.constant 0 : index
    %get3A_1 = arith.constant 0 : index
    %get3A_2 = vector.load %arg1[%get3A, %get3A_0, %get3A_1] : memref<2x1000x16xf32, #tpu.memory_space<vmem>>, vector<1x1000x1xf32>
    %get3A_3 = vector.shape_cast %get3A_2 : vector<1x1000x1xf32> to vector<1000x1xf32>
    %get3A_4 = arith.constant 1 : index
    %get3A_5 = arith.constant 0 : index
    %get3A_6 = arith.constant 0 : index
    %get3A_7 = vector.load %arg1[%get3A_4, %get3A_5, %get3A_6] : memref<2x1000x16xf32, #tpu.memory_space<vmem>>, vector<1x1000x1xf32>
    %get3A_8 = vector.shape_cast %get3A_7 : vector<1x1000x1xf32> to vector<1000x1xf32>
    %add3A = arith.addf %get3A_3, %get3A_8 : vector<1000x1xf32>
    %add3A_9 = arith.constant 1.000000e+00 : f32
    %add3A_10 = vector.broadcast %add3A_9 : f32 to vector<1000x1xf32>
    %add3A_11 = arith.addf %add3A, %add3A_10 : vector<1000x1xf32>
    %rsqrt3A = math.rsqrt %add3A_11 : vector<1000x1xf32>
    %get3A_12 = arith.constant 0 : index
    %get3A_13 = arith.constant 0 : index
    %get3A_14 = arith.constant 0 : index
    %get3A_15 = vector.load %arg2[%get3A_12, %get3A_13, %get3A_14] : memref<2x1000x128xf32, #tpu.memory_space<vmem>>, vector<1x1000x128xf32>
    %get3A_16 = vector.shape_cast %get3A_15 : vector<1x1000x128xf32> to vector<1000x128xf32>
    %get3A_17 = arith.constant 1 : index
    %get3A_18 = arith.constant 0 : index
    %get3A_19 = arith.constant 0 : index
    %get3A_20 = vector.load %arg2[%get3A_17, %get3A_18, %get3A_19] : memref<2x1000x128xf32, #tpu.memory_space<vmem>>, vector<1x1000x128xf32>
    %get3A_21 = vector.shape_cast %get3A_20 : vector<1x1000x128xf32> to vector<1000x128xf32>
    %add3A_22 = arith.addf %get3A_16, %get3A_21 : vector<1000x128xf32>
    %get3A_23 = arith.constant 0 : index
    %get3A_24 = arith.constant 0 : index
    %get3A_25 = vector.load %arg3[%get3A_23, %get3A_24] : memref<1000x128xf32, #tpu.memory_space<vmem>>, vector<1000x128xf32>
    %add3A_26 = arith.addf %add3A_22, %get3A_25 : vector<1000x128xf32>
    %mul3A = vector.broadcast %rsqrt3A : vector<1000x1xf32> to vector<1000x128xf32>
    %mul3A_27 = arith.mulf %mul3A, %add3A_26 : vector<1000x128xf32>
    %get3A_28 = arith.constant 0 : index
    %get3A_29 = arith.constant 0 : index
    %get3A_30 = vector.load %arg5[%get3A_28, %get3A_29] : memref<1x128xf32, #tpu.memory_space<vmem>>, vector<1x128xf32>
    %add3A_31 = vector.broadcast %get3A_30 : vector<1x128xf32> to vector<1000x128xf32>
    %add3A_32 = arith.addf %mul3A_27, %add3A_31 : vector<1000x128xf32>
    %max3A = arith.constant 0.000000e+00 : f32
    %max3A_33 = vector.broadcast %max3A : f32 to vector<1000x128xf32>
    %max3A_34 = arith.maximumf %add3A_32, %max3A_33 : vector<1000x128xf32>
    %get3A_35 = arith.constant 0 : index
    %get3A_36 = arith.constant 0 : index
    %get3A_37 = vector.load %arg4[%get3A_35, %get3A_36] : memref<1000x128xf32, #tpu.memory_space<vmem>>, vector<1000x128xf32>
    %add3A_38 = arith.addf %max3A_34, %get3A_37 : vector<1000x128xf32>
    %swap3A = arith.constant 0 : index
    %swap3A_39 = arith.constant 0 : index
    %swap3A_40 = vector.load %arg7[%swap3A, %swap3A_39] : memref<1000x128xf32, #tpu.memory_space<vmem>>, vector<1000x128xf32>
    tpu.vector_store %arg7[%swap3A, %swap3A_39], %add3A_38 {strides = array<i32>} : memref<1000x128xf32, #tpu.memory_space<vmem>>, vector<1000x128xf32>,
    %get3A_41 = arith.constant 0 : index
    %get3A_42 = arith.constant 0 : index
    %get3A_43 = vector.load %arg6[%get3A_41, %get3A_42] : memref<128x128xf32, #tpu.memory_space<vmem>>, vector<128x128xf32>
    %dot_general3A = arith.constant dense<0.000000e+00> : vector<1000x128xf32>
    %dot_general3A_44 = tpu.matmul %add3A_38, %get3A_43, %dot_general3A {dimension_numbers = #tpu.dot_dimension_numbers<[1], [0], [0], [1], [0, 0, 1, 1], [], []>, transpose_lhs_hint = false} : vector<1000x128xf32>, vector<128x128xf32>, vector<1000x128xf32> -> vector<1000x128xf32>
    %mul3A_45 = vector.broadcast %rsqrt3A : vector<1000x1xf32> to vector<1000x128xf32>
    %mul3A_46 = arith.mulf %mul3A_45, %dot_general3A_44 : vector<1000x128xf32>
    %swap3A_47 = arith.constant 0 : index
    %swap3A_48 = arith.constant 0 : index
    %swap3A_49 = vector.load %arg8[%swap3A_47, %swap3A_48] : memref<1000x128xf32, #tpu.memory_space<vmem>>, vector<1000x128xf32>
    tpu.vector_store %arg8[%swap3A_47, %swap3A_48], %mul3A_46 {strides = array<i32>} : memref<1000x128xf32, #tpu.memory_space<vmem>>, vector<1000x128xf32>,
    return
  }
  func.func @transform_0(%arg0: i32) -> (i32, i32, i32) {
    %c0_i32 = arith.constant 0 : i32
    %c0_i32_0 = arith.constant 0 : i32
    %c0_i32_1 = arith.constant 0 : i32
    return %c0_i32, %arg0, %c0_i32_0 : i32, i32, i32
  }
  func.func @transform_1(%arg0: i32) -> (i32, i32, i32) {
    %c0_i32 = arith.constant 0 : i32
    %c0_i32_0 = arith.constant 0 : i32
    %c0_i32_1 = arith.constant 0 : i32
    return %c0_i32, %arg0, %c0_i32_0 : i32, i32, i32
  }
  func.func @transform_2(%arg0: i32) -> (i32, i32) {
    %c0_i32 = arith.constant 0 : i32
    %c0_i32_0 = arith.constant 0 : i32
    return %arg0, %c0_i32 : i32, i32
  }
  func.func @transform_3(%arg0: i32) -> (i32, i32) {
    %c0_i32 = arith.constant 0 : i32
    %c0_i32_0 = arith.constant 0 : i32
    return %arg0, %c0_i32 : i32, i32
  }
  func.func @transform_4(%arg0: i32) -> (i32, i32) {
    %c0_i32 = arith.constant 0 : i32
    %c0_i32_0 = arith.constant 0 : i32
    %c0_i32_1 = arith.constant 0 : i32
    return %c0_i32, %c0_i32_0 : i32, i32
  }
  func.func @transform_5(%arg0: i32) -> (i32, i32) {
    %c0_i32 = arith.constant 0 : i32
    %c0_i32_0 = arith.constant 0 : i32
    %c0_i32_1 = arith.constant 0 : i32
    return %c0_i32, %c0_i32_0 : i32, i32
  }
  func.func @transform_6(%arg0: i32) -> (i32, i32) {
    %c0_i32 = arith.constant 0 : i32
    %c0_i32_0 = arith.constant 0 : i32
    return %arg0, %c0_i32 : i32, i32
  }
  func.func @transform_7(%arg0: i32) -> (i32, i32) {
    %c0_i32 = arith.constant 0 : i32
    %c0_i32_0 = arith.constant 0 : i32
    return %arg0, %c0_i32 : i32, i32
  }
}

module attributes {stable_mosaic.version = 14 : i64} {
  func.func @_final_body(%arg0: i32, %arg1: memref<2x1000x16xf32, #tpu.memory_space<vmem>>, %arg2: memref<2x1000x128xf32, #tpu.memory_space<vmem>>, %arg3: memref<1000x128xf32, #tpu.memory_space<vmem>>, %arg4: memref<1000x128xf32, #tpu.memory_space<vmem>>, %arg5: memref<1x128xf32, #tpu.memory_space<vmem>>, %arg6: memref<128x64xf32, #tpu.memory_space<vmem>>, %arg7: memref<1x64xf32, #tpu.memory_space<vmem>>, %arg8: memref<64x32xf32, #tpu.memory_space<vmem>>, %arg9: memref<1x32xf32, #tpu.memory_space<vmem>>, %arg10: memref<32x16xf32, #tpu.memory_space<vmem>>, %arg11: memref<1x16xf32, #tpu.memory_space<vmem>>, %arg12: memref<1000x16xf32, #tpu.memory_space<vmem>>) attributes {dimension_semantics = [#tpu.dimension_semantics<arbitrary>], iteration_bounds = array<i64: 10>, scalar_prefetch = 0 : i64, scratch_operands = 0 : i64, tpu.core_type = #tpu.core_type<tc>, window_params = [{transform_indices = @transform_0, window_bounds = array<i64: 2, 1000, 16>}, {transform_indices = @transform_1, window_bounds = array<i64: 2, 1000, 128>}, {transform_indices = @transform_2, window_bounds = array<i64: 1000, 128>}, {transform_indices = @transform_3, window_bounds = array<i64: 1000, 128>}, {pipeline_mode = #tpu.pipeline_mode<synchronous>, transform_indices = @transform_4, window_bounds = array<i64: 1, 128>}, {pipeline_mode = #tpu.pipeline_mode<synchronous>, transform_indices = @transform_5, window_bounds = array<i64: 128, 64>}, {pipeline_mode = #tpu.pipeline_mode<synchronous>, transform_indices = @transform_6, window_bounds = array<i64: 1, 64>}, {pipeline_mode = #tpu.pipeline_mode<synchronous>, transform_indices = @transform_7, window_bounds = array<i64: 64, 32>}, {pipeline_mode = #tpu.pipeline_mode<synchronous>, transform_indices = @transform_8, window_bounds = array<i64: 1, 32>}, {pipeline_mode = #tpu.pipeline_mode<synchronous>, transform_indices = @transform_9, window_bounds = array<i64: 32, 16>}, {pipeline_mode = #tpu.pipeline_mode<synchronous>, transform_indices = @transform_10, window_bounds = array<i64: 1, 16>}, {transform_indices = @transform_11, window_bounds = array<i64: 1000, 16>}]} {
    %get3A = arith.constant 0 : index
    %get3A_0 = arith.constant 0 : index
    %get3A_1 = arith.constant 0 : index
    %get3A_2 = vector.load %arg1[%get3A, %get3A_0, %get3A_1] : memref<2x1000x16xf32, #tpu.memory_space<vmem>>, vector<1x1000x1xf32>
    %get3A_3 = vector.shape_cast %get3A_2 : vector<1x1000x1xf32> to vector<1000x1xf32>
    %get3A_4 = arith.constant 1 : index
    %get3A_5 = arith.constant 0 : index
    %get3A_6 = arith.constant 0 : index
    %get3A_7 = vector.load %arg1[%get3A_4, %get3A_5, %get3A_6] : memref<2x1000x16xf32, #tpu.memory_space<vmem>>, vector<1x1000x1xf32>
    %get3A_8 = vector.shape_cast %get3A_7 : vector<1x1000x1xf32> to vector<1000x1xf32>
    %add3A = arith.addf %get3A_3, %get3A_8 : vector<1000x1xf32>
    %add3A_9 = arith.constant 1.000000e+00 : f32
    %add3A_10 = vector.broadcast %add3A_9 : f32 to vector<1000x1xf32>
    %add3A_11 = arith.addf %add3A, %add3A_10 : vector<1000x1xf32>
    %rsqrt3A = math.rsqrt %add3A_11 : vector<1000x1xf32>
    %get3A_12 = arith.constant 0 : index
    %get3A_13 = arith.constant 0 : index
    %get3A_14 = arith.constant 0 : index
    %get3A_15 = vector.load %arg2[%get3A_12, %get3A_13, %get3A_14] : memref<2x1000x128xf32, #tpu.memory_space<vmem>>, vector<1x1000x128xf32>
    %get3A_16 = vector.shape_cast %get3A_15 : vector<1x1000x128xf32> to vector<1000x128xf32>
    %get3A_17 = arith.constant 1 : index
    %get3A_18 = arith.constant 0 : index
    %get3A_19 = arith.constant 0 : index
    %get3A_20 = vector.load %arg2[%get3A_17, %get3A_18, %get3A_19] : memref<2x1000x128xf32, #tpu.memory_space<vmem>>, vector<1x1000x128xf32>
    %get3A_21 = vector.shape_cast %get3A_20 : vector<1x1000x128xf32> to vector<1000x128xf32>
    %add3A_22 = arith.addf %get3A_16, %get3A_21 : vector<1000x128xf32>
    %get3A_23 = arith.constant 0 : index
    %get3A_24 = arith.constant 0 : index
    %get3A_25 = vector.load %arg3[%get3A_23, %get3A_24] : memref<1000x128xf32, #tpu.memory_space<vmem>>, vector<1000x128xf32>
    %add3A_26 = arith.addf %add3A_22, %get3A_25 : vector<1000x128xf32>
    %mul3A = vector.broadcast %rsqrt3A : vector<1000x1xf32> to vector<1000x128xf32>
    %mul3A_27 = arith.mulf %mul3A, %add3A_26 : vector<1000x128xf32>
    %get3A_28 = arith.constant 0 : index
    %get3A_29 = arith.constant 0 : index
    %get3A_30 = vector.load %arg5[%get3A_28, %get3A_29] : memref<1x128xf32, #tpu.memory_space<vmem>>, vector<1x128xf32>
    %add3A_31 = vector.broadcast %get3A_30 : vector<1x128xf32> to vector<1000x128xf32>
    %add3A_32 = arith.addf %mul3A_27, %add3A_31 : vector<1000x128xf32>
    %max3A = arith.constant 0.000000e+00 : f32
    %max3A_33 = vector.broadcast %max3A : f32 to vector<1000x128xf32>
    %max3A_34 = arith.maximumf %add3A_32, %max3A_33 : vector<1000x128xf32>
    %get3A_35 = arith.constant 0 : index
    %get3A_36 = arith.constant 0 : index
    %get3A_37 = vector.load %arg4[%get3A_35, %get3A_36] : memref<1000x128xf32, #tpu.memory_space<vmem>>, vector<1000x128xf32>
    %add3A_38 = arith.addf %max3A_34, %get3A_37 : vector<1000x128xf32>
    %get3A_39 = arith.constant 0 : index
    %get3A_40 = arith.constant 0 : index
    %get3A_41 = vector.load %arg6[%get3A_39, %get3A_40] : memref<128x64xf32, #tpu.memory_space<vmem>>, vector<128x64xf32>
    %dot_general3A = arith.constant dense<0.000000e+00> : vector<1000x64xf32>
    %dot_general3A_42 = tpu.matmul %add3A_38, %get3A_41, %dot_general3A {dimension_numbers = #tpu.dot_dimension_numbers<[1], [0], [0], [1], [0, 0, 1, 1], [], []>, transpose_lhs_hint = false} : vector<1000x128xf32>, vector<128x64xf32>, vector<1000x64xf32> -> vector<1000x64xf32>
    %get3A_43 = arith.constant 0 : index
    %get3A_44 = arith.constant 0 : index
    %get3A_45 = vector.load %arg7[%get3A_43, %get3A_44] : memref<1x64xf32, #tpu.memory_space<vmem>>, vector<1x64xf32>
    %add3A_46 = vector.broadcast %get3A_45 : vector<1x64xf32> to vector<1000x64xf32>
    %add3A_47 = arith.addf %dot_general3A_42, %add3A_46 : vector<1000x64xf32>
    %max3A_48 = arith.constant 0.000000e+00 : f32
    %max3A_49 = vector.broadcast %max3A_48 : f32 to vector<1000x64xf32>
    %max3A_50 = arith.maximumf %add3A_47, %max3A_49 : vector<1000x64xf32>
    %get3A_51 = arith.constant 0 : index
    %get3A_52 = arith.constant 0 : index
    %get3A_53 = vector.load %arg8[%get3A_51, %get3A_52] : memref<64x32xf32, #tpu.memory_space<vmem>>, vector<64x32xf32>
    %dot_general3A_54 = arith.constant dense<0.000000e+00> : vector<1000x32xf32>
    %dot_general3A_55 = tpu.matmul %max3A_50, %get3A_53, %dot_general3A_54 {dimension_numbers = #tpu.dot_dimension_numbers<[1], [0], [0], [1], [0, 0, 1, 1], [], []>, transpose_lhs_hint = false} : vector<1000x64xf32>, vector<64x32xf32>, vector<1000x32xf32> -> vector<1000x32xf32>
    %get3A_56 = arith.constant 0 : index
    %get3A_57 = arith.constant 0 : index
    %get3A_58 = vector.load %arg9[%get3A_56, %get3A_57] : memref<1x32xf32, #tpu.memory_space<vmem>>, vector<1x32xf32>
    %add3A_59 = vector.broadcast %get3A_58 : vector<1x32xf32> to vector<1000x32xf32>
    %add3A_60 = arith.addf %dot_general3A_55, %add3A_59 : vector<1000x32xf32>
    %max3A_61 = arith.constant 0.000000e+00 : f32
    %max3A_62 = vector.broadcast %max3A_61 : f32 to vector<1000x32xf32>
    %max3A_63 = arith.maximumf %add3A_60, %max3A_62 : vector<1000x32xf32>
    %get3A_64 = arith.constant 0 : index
    %get3A_65 = arith.constant 0 : index
    %get3A_66 = vector.load %arg10[%get3A_64, %get3A_65] : memref<32x16xf32, #tpu.memory_space<vmem>>, vector<32x16xf32>
    %dot_general3A_67 = arith.constant dense<0.000000e+00> : vector<1000x16xf32>
    %dot_general3A_68 = tpu.matmul %max3A_63, %get3A_66, %dot_general3A_67 {dimension_numbers = #tpu.dot_dimension_numbers<[1], [0], [0], [1], [0, 0, 1, 1], [], []>, transpose_lhs_hint = false} : vector<1000x32xf32>, vector<32x16xf32>, vector<1000x16xf32> -> vector<1000x16xf32>
    %get3A_69 = arith.constant 0 : index
    %get3A_70 = arith.constant 0 : index
    %get3A_71 = vector.load %arg11[%get3A_69, %get3A_70] : memref<1x16xf32, #tpu.memory_space<vmem>>, vector<1x16xf32>
    %add3A_72 = vector.broadcast %get3A_71 : vector<1x16xf32> to vector<1000x16xf32>
    %add3A_73 = arith.addf %dot_general3A_68, %add3A_72 : vector<1000x16xf32>
    %swap3A = arith.constant 0 : index
    %swap3A_74 = arith.constant 0 : index
    %swap3A_75 = vector.load %arg12[%swap3A, %swap3A_74] : memref<1000x16xf32, #tpu.memory_space<vmem>>, vector<1000x16xf32>
    tpu.vector_store %arg12[%swap3A, %swap3A_74], %add3A_73 {strides = array<i32>} : memref<1000x16xf32, #tpu.memory_space<vmem>>, vector<1000x16xf32>,
    return
  }
  func.func @transform_0(%arg0: i32) -> (i32, i32, i32) {
    %c0_i32 = arith.constant 0 : i32
    %c0_i32_0 = arith.constant 0 : i32
    %c0_i32_1 = arith.constant 0 : i32
    return %c0_i32, %arg0, %c0_i32_0 : i32, i32, i32
  }
  func.func @transform_1(%arg0: i32) -> (i32, i32, i32) {
    %c0_i32 = arith.constant 0 : i32
    %c0_i32_0 = arith.constant 0 : i32
    %c0_i32_1 = arith.constant 0 : i32
    return %c0_i32, %arg0, %c0_i32_0 : i32, i32, i32
  }
  func.func @transform_2(%arg0: i32) -> (i32, i32) {
    %c0_i32 = arith.constant 0 : i32
    %c0_i32_0 = arith.constant 0 : i32
    return %arg0, %c0_i32 : i32, i32
  }
  func.func @transform_3(%arg0: i32) -> (i32, i32) {
    %c0_i32 = arith.constant 0 : i32
    %c0_i32_0 = arith.constant 0 : i32
    return %arg0, %c0_i32 : i32, i32
  }
  func.func @transform_4(%arg0: i32) -> (i32, i32) {
    %c0_i32 = arith.constant 0 : i32
    %c0_i32_0 = arith.constant 0 : i32
    %c0_i32_1 = arith.constant 0 : i32
    return %c0_i32, %c0_i32_0 : i32, i32
  }
  func.func @transform_5(%arg0: i32) -> (i32, i32) {
    %c0_i32 = arith.constant 0 : i32
    %c0_i32_0 = arith.constant 0 : i32
    %c0_i32_1 = arith.constant 0 : i32
    return %c0_i32, %c0_i32_0 : i32, i32
  }
  func.func @transform_6(%arg0: i32) -> (i32, i32) {
    %c0_i32 = arith.constant 0 : i32
    %c0_i32_0 = arith.constant 0 : i32
    %c0_i32_1 = arith.constant 0 : i32
    return %c0_i32, %c0_i32_0 : i32, i32
  }
  func.func @transform_7(%arg0: i32) -> (i32, i32) {
    %c0_i32 = arith.constant 0 : i32
    %c0_i32_0 = arith.constant 0 : i32
    %c0_i32_1 = arith.constant 0 : i32
    return %c0_i32, %c0_i32_0 : i32, i32
  }
  func.func @transform_8(%arg0: i32) -> (i32, i32) {
    %c0_i32 = arith.constant 0 : i32
    %c0_i32_0 = arith.constant 0 : i32
    %c0_i32_1 = arith.constant 0 : i32
    return %c0_i32, %c0_i32_0 : i32, i32
  }
  func.func @transform_9(%arg0: i32) -> (i32, i32) {
    %c0_i32 = arith.constant 0 : i32
    %c0_i32_0 = arith.constant 0 : i32
    %c0_i32_1 = arith.constant 0 : i32
    return %c0_i32, %c0_i32_0 : i32, i32
  }
  func.func @transform_10(%arg0: i32) -> (i32, i32) {
    %c0_i32 = arith.constant 0 : i32
    %c0_i32_0 = arith.constant 0 : i32
    %c0_i32_1 = arith.constant 0 : i32
    return %c0_i32, %c0_i32_0 : i32, i32
  }
  func.func @transform_11(%arg0: i32) -> (i32, i32) {
    %c0_i32 = arith.constant 0 : i32
    %c0_i32_0 = arith.constant 0 : i32
    return %arg0, %c0_i32 : i32, i32
  }
}

</mosaic_0001>

<sc_bundles>
// kernel: kernel.12.cloned.1.call-start
scs
__scs_entry_jumppad:
0x0: {  	(pc) =	sbr.rel $0x88, $3  }
0x1: {  	(tag) =	ssettag $0x0;
	lr =	simm.s32 $0x1  }
0x2: {  	[smem:$0x3F93] =	sst lr;
	_ =	strace $0xD0000000  }
0x3: {  	_ = 	snop  }
0x4: {  	_ = 	snop  }
0x5: {  	_ = 	snop  }
0x6: {  	_ = 	snop  }
0x7: {  	_ = 	snop  }
__scs_overlays_trampoline_lowered:
0x8: {  	[smem:$0x3FA2] =	sst s0  }
0x9: {  	[smem:$0x3FA3] =	sst s1  }
0xa: {  	[smem:$0x3FA4] =	sst s2  }
0xb: {  	[smem:$0x3FA5] =	sst s3  }
0xc: {  	[smem:$0x3FA6] =	sst s4  }
0xd: {  	[smem:$0x3FA7] =	sst s5  }
0xe: {  	[smem:$0x3FA8] =	sst s6  }
0xf: {  	[smem:$0x3FA9] =	sst s7  }
0x10: {  	[smem:$0x3FAA] =	sst s8  }
0x11: {  	[smem:$0x3FAB] =	sst s9;
	s0 =	simm.s32 @!p0 $0x0  }
0x12: {  	s1 =	sld [smem:$0x3F91];
	s0 =	simm.s32 @p0 $0x1  }
0x13: {  	[smem:$0x3FAC] =	sst s0;
	s0 =	simm.s32 @!p1 $0x0  }
0x14: {  	s2 =	sld [smem:$0x3F90];
	s0 =	simm.s32 @p1 $0x1  }
0x15: {  	[smem:$0x3FAD] =	sst s0;
	s0 =	simm.s32 @!p2 $0x0  }
0x16: {  	s3 =	sld [smem:$0x3FDB];
	s0 =	simm.s32 @p2 $0x1  }
0x17: {  	s4 =	simm.s32 $0x1BF5;
	[smem:$0x3FAF] =	sst s0  }
0x18: {  	s0 =	sld [smem:$0x3F92];
	_ =	swait.ge [sflag:s4], $0x0  }
0x19: {  	s7 =	sld [smem:$0x3F93]  }
0x1a: {  	s8 =	sadd.s32 $0xFFFFE003, lr  }
0x1b: {  	s9 =	sadd.s32 $0xFFFFFEF7, lr;
	s5 =	simm.s32 $0xFFFFFFFF;
	p2 =	slt.u32 s8, $0xFFFFF086  }
0x1c: {  	p1 =	slt.u32 s9, $0xF7A;
	s5 =	simm.s32 @!p2 $0x0  }
0x1d: {  	s5 =	simm.s32 @p1 $0x1;
	p0 =	seq.s32 s7, s2  }
0x1e: {  	s7 =	smul.u32 @!p0 $0xF7A, s2;
	p2 =	seq.s32 @!p0 s5, $0x0  }
0x1f: {  	s9 =	smul.u32 $0xF7A, s1;
	s8 =	simm.s32 @!p0 $0x1BF5;
	p2 =	por !p2, p0  }
0x20: {  	[sflag:s8] =	ssyncset.s32 @!p0 $0xFFFFF086;
	s6 =	sadd.s32 @!p0 s3, s7;
	s7 =	simm.s32 @!p0 $0x108  }
0x21: {  	s3 =	sadd.s32 s3, s9;
	s6 =	sadd.s32 @!p0 $0x88, s6;
	s7 =	simm.s32 @p2 $0x1082  }
0x22: {  	[simem:s7], [sflag:s8] =	dma.local @!p0 [hbm:s6], $0xF7A  }
0x23: {  	s9 =	sor.u32 $0xD0000000, s2;
	s6 =	simm.s32 $0x108;
	_ =	swait.ge @!p0 [sflag:s8], $0x0  }
0x24: {  	s3 =	sadd.s32 $0x88, s3;
	s6 =	simm.s32 @!p1 $0x1082;
	[sflag:s4] =	ssyncset.s32 $0xFFFFF086  }
0x25: {  	[simem:s6], [sflag:s4] =	dma.local [hbm:s3], $0xF7A  }
0x26: {  	[smem:$0x3F93] =	sst s1;
	(tag) =	ssettag s2;
	_ =	strace s9  }
0x27: {  	s1 =	sld [smem:$0x3FA3]  }
0x28: {  	s2 =	sld [smem:$0x3FA4]  }
0x29: {  	s4 =	sld [smem:$0x3FA6]  }
0x2a: {  	p0 =	seq.s32 s5, $0x0;
	s5 =	sld [smem:$0x3FA7]  }
0x2b: {  	s6 =	sld [smem:$0x3FA8]  }
0x2c: {  	s7 =	sld [smem:$0x3FA9]  }
0x2d: {  	s3 =	simm.s32 $0x108;
	s8 =	sld [smem:$0x3FAA]  }
0x2e: {  	s3 =	simm.s32 @!p0 $0x1082;
	s9 =	sld [smem:$0x3FAB]  }
0x2f: {  	lr =	sadd.s32 s0, s3;
	s0 =	sld [smem:$0x3FA2]  }
0x30: {  	s3 =	sld [smem:$0x3FA5]  }
0x31: {  	[smem:$0x3FAE] =	sst s10  }
0x32: {  	s10 =	sld [smem:$0x3FAC];
	_ =	sdelay $0x3  }
0x33: {  	p0 =	seq.s32 s10, $0x1;
	s10 =	sld [smem:$0x3FAE];
	_ =	sdelay $0x3  }
0x34: {  	[smem:$0x3FAE] =	sst s10  }
0x35: {  	s10 =	sld [smem:$0x3FAD];
	_ =	sdelay $0x3  }
0x36: {  	p1 =	seq.s32 s10, $0x1;
	s10 =	sld [smem:$0x3FAE];
	_ =	sdelay $0x3  }
0x37: {  	[smem:$0x3FAE] =	sst s10  }
0x38: {  	s10 =	sld [smem:$0x3FAF]  }
0x39: {  	_ = 	snop;
	(pc) =	sbr.ind lr, $3  }
0x3a: {  	_ = 	snop  }
0x3b: {  	_ = 	snop  }
0x3c: {  	p2 =	seq.s32 s10, $0x1;
	s10 =	sld [smem:$0x3FAE]  }
0x3d: {  	_ =	shalt  }
0x3e: {  	_ =	shalt  }
0x3f: {  	_ =	shalt  }
0x40: {  	_ =	shalt  }
0x41: {  	_ =	shalt  }
0x42: {  	_ =	shalt  }
0x43: {  	_ =	shalt  }
0x44: {  	_ =	shalt  }
0x45: {  	_ =	shalt  }
0x46: {  	_ =	shalt  }
0x47: {  	_ =	shalt  }
0x48: {  	_ =	shalt  }
0x49: {  	_ =	shalt  }
0x4a: {  	_ =	shalt  }
0x4b: {  	_ =	shalt  }
0x4c: {  	_ =	shalt  }
0x4d: {  	_ =	shalt  }
0x4e: {  	_ =	shalt  }
0x4f: {  	_ =	shalt  }
0x50: {  	_ =	shalt  }
0x51: {  	_ =	shalt  }
0x52: {  	_ =	shalt  }
0x53: {  	_ =	shalt  }
0x54: {  	_ =	shalt  }
0x55: {  	_ =	shalt  }
0x56: {  	_ =	shalt  }
0x57: {  	_ =	shalt  }
0x58: {  	_ =	shalt  }
0x59: {  	_ =	shalt  }
0x5a: {  	_ =	shalt  }
0x5b: {  	_ =	shalt  }
0x5c: {  	_ =	shalt  }
0x5d: {  	_ =	shalt  }
0x5e: {  	_ =	shalt  }
0x5f: {  	_ =	shalt  }
0x60: {  	_ =	shalt  }
0x61: {  	_ =	shalt  }
0x62: {  	_ =	shalt  }
0x63: {  	_ =	shalt  }
0x64: {  	_ =	shalt  }
0x65: {  	_ =	shalt  }
0x66: {  	_ =	shalt  }
0x67: {  	_ =	shalt  }
0x68: {  	_ =	shalt  }
0x69: {  	_ =	shalt  }
0x6a: {  	_ =	shalt  }
0x6b: {  	_ =	shalt  }
0x6c: {  	_ =	shalt  }
0x6d: {  	_ =	shalt  }
0x6e: {  	_ =	shalt  }
0x6f: {  	_ =	shalt  }
0x70: {  	_ =	shalt  }
0x71: {  	_ =	shalt  }
0x72: {  	_ =	shalt  }
0x73: {  	_ =	shalt  }
0x74: {  	_ =	shalt  }
0x75: {  	_ =	shalt  }
0x76: {  	_ =	shalt  }
0x77: {  	_ =	shalt  }
0x78: {  	_ =	shalt  }
0x79: {  	_ =	shalt  }
0x7a: {  	_ =	shalt  }
0x7b: {  	_ =	shalt  }
0x7c: {  	_ =	shalt  }
0x7d: {  	_ =	shalt  }
0x7e: {  	_ =	shalt  }
0x7f: {  	_ =	shalt  }
0x80: {  	_ =	shalt  }
0x81: {  	_ =	shalt  }
0x82: {  	_ =	shalt  }
0x83: {  	_ =	shalt  }
0x84: {  	_ =	shalt  }
0x85: {  	_ =	shalt  }
0x86: {  	_ =	shalt  }
0x87: {  	_ =	shalt  }
.Lfunc_end0:
.L_simem_size_0:
called_computation.1_lowered:
.L_overlay_start_0:
0x88: {  	s2 =	sld [smem:$0x3FD9]  }
0x89: {  	s3 =	sld [smem:$0x3FFE];
	_ =	sdelay $0x1  }
0x8a: {  	s1 =	srdreg.scid  }
0x8b: {  	s0 =	sand.u32 $0x1, s1  }
0x8c: {  	s17 =	sshll.u32 s0, $0xA;
	s2 =	sadd.s32 s3, s2  }
0x8d: {  	s2 =	sadd.s32 s2, s17  }
0x8e: {  	[smem:$0x3FBA] =	sst s2  }
0x8f: {  	_ = 	snop  }
0x90: {  	s2 =	sld [smem:$0x3FD0];
	(tm) =	ssettm $0x1  }
0x91: {  	s18 =	sld [smem:$0x3FFB];
	_ =	sdelay $0x3  }
0x92: {  	_ =	strace s18  }
0x93: {  	s3 =	sld [smem:$0x3FFC];
	_ =	sdelay $0x3  }
0x94: {  	_ =	strace s3  }
0x95: {  	s3 =	sld [smem:$0x3FFD];
	_ =	sdelay $0x3  }
0x96: {  	_ =	strace s3  }
0x97: {  	_ =	strace $0x8FFFFFFF  }
0x98: {  	s19 =	sld [smem:$0x3FDB];
	_ =	sdelay $0x1  }
0x99: {  	s4 =	simm.s32 $_scs_section_size  }
0x9a: {  	s5 =	simm.s32 $_size__tile_overlayer_lowered;
	s6 =	simm.s32 $_tile_overlayer_lowered  }
0x9b: {  	s22 =	simm.s32 $0x1BFF;
	s21 =	sshll.u32 s6, $0x1;
	s3 =	sadd.s32 s4, s19  }
0x9c: {  	s7 =	simm.s32 $0x0;
	s20 =	sshll.u32 s5, $0x1;
	s5 =	sadd.s32 s21, s3  }
0x9d: {  	[timem:s7], [sflag:s22] =	dma.local [hbm:s5], s20  }
0x9e: {  	_ =	swait.ge [sflag:s22], s20  }
0x9f: {  	s4 =	ssub.s32 $0x0, s20;
	[sflag:s22] =	ssyncset.done $0x0  }
0xa0: {  	[sflag:s22] =	ssyncadd.s32 s4;
	_ =	sdelay $0x1  }
0xa1: {  	s23 =	simm.s32 $0x1B8B  }
0xa2: {  	_ =	swait.ge [sflag:s23], $0x1  }
0xa3: {  	[sflag:s23] =	ssyncset.done $0x0  }
0xa4: {  	s25 =	simm.s32 $0x1B8E;
	s24 =	sld [smem:$0x3FFE];
	[sflag:s23] =	ssyncadd.s32 $0xFFFFFFFF  }
0xa5: {  	s26 =	simm.s32 $execute0_lowered;
	[smem:$0x3FD2] =	sst s25  }
0xa6: {  	s5 =	sshll.u32 s26, $0x1;
	_ =	strace $0x80000049;
	[dreg:$0x1] =	wrdreg $0xFFFFFFFF  }
0xa7: {  	s28 =	simm.s32 $_size_execute0_lowered;
	s3 =	sadd.s32 s3, s5;
	[dreg:$0x0] =	wrdreg $0x0  }
0xa8: {  	s5 =	sshll.u32 s28, $0x1;
	[dreg:$0x2] =	wrdreg s3  }
0xa9: {  	[dreg:$0x3] =	wrdreg s5  }
0xaa: {  	[dreg:$0x4] =	wrdreg $0xC0  }
0xab: {  	_ =	task [dreg:s7], $0x5FFFF  }
0xac: {  	[dreg:$0x1] =	wrdreg $0xFFFFFFFF  }
0xad: {  	[dreg:$0x0] =	wrdreg $0x60  }
0xae: {  	[dreg:$0x2] =	wrdreg s24  }
0xaf: {  	[dreg:$0x3] =	wrdreg s2  }
0xb0: {  	[dreg:$0x4] =	wrdreg $0xA5000  }
0xb1: {  	[dreg:$0x5] =	wrdreg $0x9  }
0xb2: {  	_ =	task.clear_ibuf [dreg:s7], $0x6FFFF;
	_ =	strace $0x90000049  }
0xb3: {  	s29 =	simm.s32 $0x9;
	_ =	strace $0x8000004B  }
0xb4: {  	_ =	swait.ge [sflag:s29], $0x1  }
0xb5: {  	[sflag:s29] =	ssyncadd.s32 $0xFFFFFFFF  }
0xb6: {  	_ =	strace $0x9000004B  }
0xb7: {  	_ =	sfence  }
0xb8: {  	s30 =	sld [smem:$0x0];
	_ =	sdelay $0x2  }
0xb9: {  	s31 =	sshll.u32 s1, $0xD;
	s1 =	sshrl.u32 s1, $0x2  }
0xba: {  	s3 =	sand.u32 $0x4000, s31;
	s1 =	sadd.s32 s1, s30  }
0xbb: {  	s0 =	sor.u32 s3, s0;
	s1 =	sshll.u32 s1, $0x11  }
0xbc: {  	s0 =	sor.u32 s1, s0  }
0xbd: {  	s0 =	sadd.s32 $0x8F2B, s0  }
0xbe: {  	[sflag:s0] =	ssyncadd.remote.s32 $0x1  }
0xbf: {  	_ =	sfence.sel $0xFFFF  }
0xc0: {  	[dreg:$0x0] =	wrdreg $0xFFFFFFFF;
	(pc) =	sbr.abs _section_cstart, $3  }
0xc1: {  	[dreg:$0x1] =	wrdreg $0xFFFFFFFF  }
0xc2: {  	_ =	task.clear_ibuf [dreg:s7], $0x2FFFF;
	_ =	strace $0x9FFFFFFF  }
0xc3: {  	(tm) =	ssettm $0x7FFFFFFF  }
tec
execute0_lowered:
.L_overlay_start_1:
0x0: {  	(tag) =	ssettag $0x1  }
0x1: {  	s0 =	rddreg [dreg:$0x0]  }
0x2: {  	s2 =	rddreg [dreg:$0x2]  }
0x3: {  	s3 =	simm.s32 $0x0;
	s1 =	srdreg.scid;
	s8 =	stileid.u32  }
0x4: {  	s28 =	simm.s32 $0x1;
	s29 =	simm.s32 $0x3;
	s30 =	simm.s32 $0x2  }
0x5: {  	s31 =	simm.s32 $0x4;
	[smem:$0x7FF] =	sst s3;
	s4 =	sadd.s32 $0x22600, s0  }
0x6: {  	s1 =	sand.u32 $0x1, s1;
	s11 =	sadd.s32 $0x18600, s0;
	s5 =	sadd.s32 $0xA1A00, s0  }
0x7: {  	s12 =	smul.u32 $0x13880, s8;
	s0 =	sadd.s32 $0xC8C00, s0;
	_ =	strace $0x8000004A  }
0x8: {  	s6 =	ssub.s32 $0x2, s1;
	s21 =	sshll.u32 s1, $0x4;
	s1 =	smul.u32 $0x138800, s1  }
0x9: {  	s7 =	sshrl.u32 s6, $0x1;
	s14 =	sadd.s32 $0x3E80, s12;
	s9 =	sor.u32 s8, s21  }
0xa: {  	s17 =	sadd.s32 $0x7D00, s12;
	s18 =	sadd.s32 $0xBB80, s12;
	s19 =	sadd.s32 $0xFA00, s12  }
0xb: {  	s21 =	simm.s32 $0x2800;
	s20 =	ssub.s32 s6, s7;
	s6 =	sadd.s32 s12, s2  }
0xc: {  	s7 =	sadd.s32 s14, s2;
	s13 =	smul.u32 $0x500, s9;
	s8 =	sadd.s32 s17, s2  }
0xd: {  	s15 =	smul.u32 $0x2800, s9;
	s9 =	sadd.s32 s18, s2;
	s10 =	sadd.s32 s19, s2  }
0xe: {  	s12 =	sadd.s32 s12, s1;
	s23 =	sadd.s32 s1, s14;
	s25 =	sadd.s32 s1, s17  }
0xf: {  	s26 =	sadd.s32 s1, s18;
	s1 =	sadd.s32 s1, s19;
	s22 =	sshrl.u32 s12, $0x3  }
0x10: {  	s24 =	sshrl.u32 s23, $0x3;
	s1 =	sshrl.u32 s1, $0x3;
	s20 =	smax.u32 s20, $0x1  }
0x11: {  	s23 =	simm.s32 $0x1400;
	s16 =	sadd.s32 s4, s13;
	s15 =	sshrl.u32 s15, $0x3  }
0x12: {  	s13 =	sadd.s32 s11, s13;
	s19 =	sadd.s32 s0, s1;
	[dreg:$0x4] =	wrdreg s16  }
0x13: {  	s1 =	simm.s32 $0x2780;
	[dreg:$0x5] =	wrdreg s13;
	s15 =	sadd.s32 $0x280, s15  }
0x14: {  	s16 =	sadd.s32 s0, s24;
	s24 =	simm.s32 $0x7D;
	s4 =	sadd.s32 s4, s15  }
0x15: {  	s14 =	sadd.s32 s11, s15;
	s15 =	sadd.s32 s0, s22;
	s11 =	sshrl.u32 s26, $0x3  }
0x16: {  	s22 =	simm.s32 $0x5;
	s26 =	simm.s32 $0x6680;
	[dreg:$0x6] =	wrdreg s4  }
0x17: {  	s4 =	sshrl.u32 s25, $0x3;
	s18 =	sadd.s32 s0, s11;
	s25 =	simm.s32 $0x80  }
0x18: {  	s17 =	sadd.s32 s0, s4;
	s0 =	simm.s32 $0x2700;
	s4 =	simm.s32 $0x0  }
.LBB2_1:
0x19: {  	s11 =	rddreg [dreg:$0x1]  }
0x1a: {  	[tilespmem:s21], [sflag:$0x5] =	stream.linear.gather [hbm4b:s11+s3], $0x3E80, $0x38;
	[tilespmem:$0x1DD80] =	vst v63  }
0x1b: {  	_ =	swait.ge [sflag:s22], $0x3E80  }
0x1c: {  	[sflag:s22] =	ssyncset.done $0x0  }
0x1d: {  	[sflag:s22] =	ssyncadd.s32 $0xFFFFC180  }
0x1e: {  	[spmem:s6] =	stream.linear.scatter [tilespmem:s21], [sflag:$0x5], $0x3E80, $0x38;
	[tilespmem:$0x1DD80] =	vst v63  }
0x1f: {  	_ =	swait.ge [sflag:s22], $0x3E80  }
0x20: {  	[sflag:s22] =	ssyncset.done $0x0  }
0x21: {  	[sflag:s22] =	ssyncadd.s32 $0xFFFFC180  }
0x22: {  	[spmem:s7] =	stream.linear.scatter [tilespmem:s21], [sflag:$0x5], $0x3E80, $0x38;
	[tilespmem:$0x1DD80] =	vst v63  }
0x23: {  	_ =	swait.ge [sflag:s22], $0x3E80  }
0x24: {  	[sflag:s22] =	ssyncset.done $0x0  }
0x25: {  	[sflag:s22] =	ssyncadd.s32 $0xFFFFC180  }
0x26: {  	[spmem:s8] =	stream.linear.scatter [tilespmem:s21], [sflag:$0x5], $0x3E80, $0x38;
	[tilespmem:$0x1DD80] =	vst v63  }
0x27: {  	_ =	swait.ge [sflag:s22], $0x3E80  }
0x28: {  	[sflag:s22] =	ssyncset.done $0x0  }
0x29: {  	[sflag:s22] =	ssyncadd.s32 $0xFFFFC180  }
0x2a: {  	[spmem:s9] =	stream.linear.scatter [tilespmem:s21], [sflag:$0x5], $0x3E80, $0x38;
	[tilespmem:$0x1DD80] =	vst v63  }
0x2b: {  	_ =	swait.ge [sflag:s22], $0x3E80  }
0x2c: {  	[sflag:s22] =	ssyncset.done $0x0  }
0x2d: {  	[sflag:s22] =	ssyncadd.s32 $0xFFFFC180  }
0x2e: {  	[spmem:s10] =	stream.linear.scatter [tilespmem:s21], [sflag:$0x5], $0x3E80, $0x38;
	[tilespmem:$0x1DD80] =	vst v63  }
0x2f: {  	_ =	swait.ge [sflag:s22], $0x3E80  }
0x30: {  	[sflag:s22] =	ssyncset.done $0x0  }
0x31: {  	s13 =	rddreg [dreg:$0x4];
	[sflag:s22] =	ssyncadd.s32 $0xFFFFC180  }
0x32: {  	[tilespmem:s3], [sflag:$0x5] =	stream.linear.gather [hbm4b:s13+s3], $0x1400, $0x38;
	[tilespmem:$0x1DD80] =	vst v63  }
0x33: {  	_ =	swait.ge [sflag:s22], $0x1400  }
0x34: {  	[sflag:s22] =	ssyncset.done $0x0  }
0x35: {  	s12 =	rddreg [dreg:$0x5];
	[sflag:s22] =	ssyncadd.s32 $0xFFFFEC00  }
0x36: {  	[tilespmem:s23], [sflag:$0x5] =	stream.linear.gather [hbm4b:s12+s3], $0x1400, $0x38;
	[tilespmem:$0x1DD80] =	vst v63  }
0x37: {  	_ =	swait.ge [sflag:s22], $0x1400  }
0x38: {  	[sflag:s22] =	ssyncset.done $0x0  }
0x39: {  	[sflag:s22] =	ssyncadd.s32 $0xFFFFEC00  }
0x3a: {  	[bflag:$0x0] =	sbarrier.arrive $0xFFFF  }
0x3b: {  	[tilespmem:s21], [sflag:$0x1] =	stream.indirect.gather [hbm4b:s5+s24], $0x80, s3, s24, $0xb8;
	[tilespmem:$0x1DD80] =	vst v63  }
0x3c: {  	_ = 	snop  }
0x3d: {  	[tilespmem:s26], [sflag:$0x2] =	stream.indirect.gather [hbm4b:s5+s24], $0x80, s25, s24, $0xb8;
	[tilespmem:$0x1DD80] =	vst v63  }
0x3e: {  	_ =	swait.ge [sflag:s28], $0x3E80  }
0x3f: {  	[sflag:s28] =	ssyncset.done $0x0  }
0x40: {  	s13 =	simm.s32 $0x1400;
	[sflag:s28] =	ssyncadd.s32 $0xFFFFC180  }
0x41: {  	[spmem:s2] =	stream.indirect.scatter.add.f32 [tilespmem:s21], [sflag:$0x3], $0x80, s13, s24, $0xb8;
	[tilespmem:$0x1DD80] =	vst v63  }
0x42: {  	_ =	swait.ge [sflag:s29], $0x3E80  }
0x43: {  	[sflag:s29] =	ssyncset.done $0x0  }
0x44: {  	s12 =	simm.s32 $0x100;
	[sflag:s29] =	ssyncadd.s32 $0xFFFFC180  }
0x45: {  	[tilespmem:s21], [sflag:$0x1] =	stream.indirect.gather [hbm4b:s5+s24], $0x80, s12, s24, $0xb8;
	[tilespmem:$0x1DD80] =	vst v63  }
0x46: {  	_ =	swait.ge [sflag:s30], $0x3E80  }
0x47: {  	[sflag:s30] =	ssyncset.done $0x0  }
0x48: {  	s13 =	simm.s32 $0x1480;
	[sflag:s30] =	ssyncadd.s32 $0xFFFFC180  }
0x49: {  	[spmem:s2] =	stream.indirect.scatter.add.f32 [tilespmem:s26], [sflag:$0x4], $0x80, s13, s24, $0xb8;
	[tilespmem:$0x1DD80] =	vst v63  }
0x4a: {  	_ =	swait.ge [sflag:s31], $0x3E80  }
0x4b: {  	[sflag:s31] =	ssyncset.done $0x0  }
0x4c: {  	s11 =	simm.s32 $0x400;
	s12 =	simm.s32 $0x180;
	[sflag:s31] =	ssyncadd.s32 $0xFFFFC180  }
.LBB2_2:
0x4d: {  	[tilespmem:s26], [sflag:$0x2] =	stream.indirect.gather [hbm4b:s5+s24], $0x80, s12, s24, $0xb8;
	[tilespmem:$0x1DD80] =	vst v63  }
0x4e: {  	s12 =	smov.u32 s11  }
0x4f: {  	p0 =	sne.s32 s11, $0x4800;
	s11 =	sadd.s32 $0x400, s11;
	_ =	swait.ge [sflag:s28], $0x3E80  }
0x50: {  	s12 =	sshra.s32 s12, $0x2;
	[sflag:s28] =	ssyncset.done $0x0  }
0x51: {  	s13 =	sadd.s32 $0x1400, s12;
	[sflag:s28] =	ssyncadd.s32 $0xFFFFC180  }
0x52: {  	[spmem:s2] =	stream.indirect.scatter.add.f32 [tilespmem:s21], [sflag:$0x3], $0x80, s13, s24, $0xb8;
	[tilespmem:$0x1DD80] =	vst v63  }
0x53: {  	_ =	swait.ge [sflag:s29], $0x3E80  }
0x54: {  	[sflag:s29] =	ssyncset.done $0x0  }
0x55: {  	s13 =	sadd.s32 $0x100, s12;
	[sflag:s29] =	ssyncadd.s32 $0xFFFFC180  }
0x56: {  	[tilespmem:s21], [sflag:$0x1] =	stream.indirect.gather [hbm4b:s5+s24], $0x80, s13, s24, $0xb8;
	[tilespmem:$0x1DD80] =	vst v63  }
0x57: {  	_ =	swait.ge [sflag:s30], $0x3E80  }
0x58: {  	[sflag:s30] =	ssyncset.done $0x0  }
.Ltmp0:
0x59: {  	s13 =	sadd.s32 $0x1480, s12;
	[sflag:s30] =	ssyncadd.s32 $0xFFFFC180;
	(pc) =	sbr.rel @p0 .LBB2_2-.Ltmp0, $4  }
0x5a: {  	[spmem:s2] =	stream.indirect.scatter.add.f32 [tilespmem:s26], [sflag:$0x4], $0x80, s13, s24, $0xb8;
	[tilespmem:$0x1DD80] =	vst v63  }
0x5b: {  	_ =	swait.ge [sflag:s31], $0x3E80  }
0x5c: {  	[sflag:s31] =	ssyncset.done $0x0  }
0x5d: {  	s12 =	sadd.s32 $0x180, s12;
	[sflag:s31] =	ssyncadd.s32 $0xFFFFC180  }
0x5e: {  	[tilespmem:s26], [sflag:$0x2] =	stream.indirect.gather [hbm4b:s5+s24], $0x80, s12, s24, $0xb8;
	[tilespmem:$0x1DD80] =	vst v63  }
0x5f: {  	_ =	swait.ge [sflag:s28], $0x3E80  }
0x60: {  	[sflag:s28] =	ssyncset.done $0x0  }
0x61: {  	[sflag:s28] =	ssyncadd.s32 $0xFFFFC180  }
0x62: {  	[spmem:s2] =	stream.indirect.scatter.add.f32 [tilespmem:s21], [sflag:$0x3], $0x80, s0, s24, $0xb8;
	[tilespmem:$0x1DD80] =	vst v63  }
0x63: {  	_ =	swait.ge [sflag:s29], $0x3E80  }
0x64: {  	[sflag:s29] =	ssyncset.done $0x0  }
0x65: {  	[sflag:s29] =	ssyncadd.s32 $0xFFFFC180  }
0x66: {  	_ =	swait.ge [sflag:s30], $0x3E80  }
0x67: {  	[sflag:s30] =	ssyncset.done $0x0  }
0x68: {  	[sflag:s30] =	ssyncadd.s32 $0xFFFFC180  }
0x69: {  	[spmem:s2] =	stream.indirect.scatter.add.f32 [tilespmem:s26], [sflag:$0x4], $0x80, s1, s24, $0xb8;
	[tilespmem:$0x1DD80] =	vst v63  }
0x6a: {  	_ =	swait.ge [sflag:s31], $0x3E80  }
0x6b: {  	[sflag:s31] =	ssyncset.done $0x0  }
0x6c: {  	s11 =	simm.s32 $0x0;
	s13 =	rddreg [dreg:$0x6];
	[sflag:s31] =	ssyncadd.s32 $0xFFFFC180  }
0x6d: {  	[tilespmem:s11], [sflag:$0x5] =	stream.linear.gather [hbm4b:s13+s11], $0x1400, $0x38;
	[tilespmem:$0x1DD80] =	vst v63  }
0x6e: {  	_ =	swait.ge [sflag:s22], $0x1400  }
0x6f: {  	[sflag:s22] =	ssyncset.done $0x0  }
0x70: {  	[sflag:s22] =	ssyncadd.s32 $0xFFFFEC00  }
0x71: {  	[tilespmem:s23], [sflag:$0x5] =	stream.linear.gather [hbm4b:s14+s11], $0x1400, $0x38;
	[tilespmem:$0x1DD80] =	vst v63  }
0x72: {  	_ =	swait.ge [sflag:s22], $0x1400  }
0x73: {  	[sflag:s22] =	ssyncset.done $0x0  }
0x74: {  	[sflag:s22] =	ssyncadd.s32 $0xFFFFEC00  }
0x75: {  	[tilespmem:s21], [sflag:$0x1] =	stream.indirect.gather [hbm4b:s5+s24], $0x80, s11, s24, $0xb8;
	[tilespmem:$0x1DD80] =	vst v63  }
0x76: {  	_ = 	snop  }
0x77: {  	[tilespmem:s26], [sflag:$0x2] =	stream.indirect.gather [hbm4b:s5+s24], $0x80, s25, s24, $0xb8;
	[tilespmem:$0x1DD80] =	vst v63  }
0x78: {  	_ =	swait.ge [sflag:s28], $0x3E80  }
0x79: {  	[sflag:s28] =	ssyncset.done $0x0  }
0x7a: {  	s13 =	simm.s32 $0x1400;
	[sflag:s28] =	ssyncadd.s32 $0xFFFFC180  }
0x7b: {  	[spmem:s2] =	stream.indirect.scatter.add.f32 [tilespmem:s21], [sflag:$0x3], $0x80, s13, s24, $0xb8;
	[tilespmem:$0x1DD80] =	vst v63  }
0x7c: {  	_ =	swait.ge [sflag:s29], $0x3E80  }
0x7d: {  	[sflag:s29] =	ssyncset.done $0x0  }
0x7e: {  	s12 =	simm.s32 $0x100;
	[sflag:s29] =	ssyncadd.s32 $0xFFFFC180  }
0x7f: {  	[tilespmem:s21], [sflag:$0x1] =	stream.indirect.gather [hbm4b:s5+s24], $0x80, s12, s24, $0xb8;
	[tilespmem:$0x1DD80] =	vst v63  }
0x80: {  	_ =	swait.ge [sflag:s30], $0x3E80  }
0x81: {  	[sflag:s30] =	ssyncset.done $0x0  }
0x82: {  	s13 =	simm.s32 $0x1480;
	[sflag:s30] =	ssyncadd.s32 $0xFFFFC180  }
0x83: {  	[spmem:s2] =	stream.indirect.scatter.add.f32 [tilespmem:s26], [sflag:$0x4], $0x80, s13, s24, $0xb8;
	[tilespmem:$0x1DD80] =	vst v63  }
0x84: {  	_ =	swait.ge [sflag:s31], $0x3E80  }
0x85: {  	[sflag:s31] =	ssyncset.done $0x0  }
0x86: {  	s11 =	simm.s32 $0x400;
	s12 =	simm.s32 $0x180;
	[sflag:s31] =	ssyncadd.s32 $0xFFFFC180  }
.LBB2_4:
0x87: {  	[tilespmem:s26], [sflag:$0x2] =	stream.indirect.gather [hbm4b:s5+s24], $0x80, s12, s24, $0xb8;
	[tilespmem:$0x1DD80] =	vst v63  }
0x88: {  	s12 =	smov.u32 s11  }
0x89: {  	p0 =	sne.s32 s11, $0x4800;
	s11 =	sadd.s32 $0x400, s11;
	_ =	swait.ge [sflag:s28], $0x3E80  }
0x8a: {  	s12 =	sshra.s32 s12, $0x2;
	[sflag:s28] =	ssyncset.done $0x0  }
0x8b: {  	s13 =	sadd.s32 $0x1400, s12;
	[sflag:s28] =	ssyncadd.s32 $0xFFFFC180  }
0x8c: {  	[spmem:s2] =	stream.indirect.scatter.add.f32 [tilespmem:s21], [sflag:$0x3], $0x80, s13, s24, $0xb8;
	[tilespmem:$0x1DD80] =	vst v63  }
0x8d: {  	_ =	swait.ge [sflag:s29], $0x3E80  }
0x8e: {  	[sflag:s29] =	ssyncset.done $0x0  }
0x8f: {  	s13 =	sadd.s32 $0x100, s12;
	[sflag:s29] =	ssyncadd.s32 $0xFFFFC180  }
0x90: {  	[tilespmem:s21], [sflag:$0x1] =	stream.indirect.gather [hbm4b:s5+s24], $0x80, s13, s24, $0xb8;
	[tilespmem:$0x1DD80] =	vst v63  }
0x91: {  	_ =	swait.ge [sflag:s30], $0x3E80  }
0x92: {  	[sflag:s30] =	ssyncset.done $0x0  }
.Ltmp1:
0x93: {  	s13 =	sadd.s32 $0x1480, s12;
	[sflag:s30] =	ssyncadd.s32 $0xFFFFC180;
	(pc) =	sbr.rel @p0 .LBB2_4-.Ltmp1, $4  }
0x94: {  	[spmem:s2] =	stream.indirect.scatter.add.f32 [tilespmem:s26], [sflag:$0x4], $0x80, s13, s24, $0xb8;
	[tilespmem:$0x1DD80] =	vst v63  }
0x95: {  	_ =	swait.ge [sflag:s31], $0x3E80  }
0x96: {  	[sflag:s31] =	ssyncset.done $0x0  }
0x97: {  	s12 =	sadd.s32 $0x180, s12;
	[sflag:s31] =	ssyncadd.s32 $0xFFFFC180  }
0x98: {  	[tilespmem:s26], [sflag:$0x2] =	stream.indirect.gather [hbm4b:s5+s24], $0x80, s12, s24, $0xb8;
	[tilespmem:$0x1DD80] =	vst v63  }
0x99: {  	_ =	swait.ge [sflag:s28], $0x3E80  }
0x9a: {  	[sflag:s28] =	ssyncset.done $0x0  }
0x9b: {  	[sflag:s28] =	ssyncadd.s32 $0xFFFFC180  }
0x9c: {  	[spmem:s2] =	stream.indirect.scatter.add.f32 [tilespmem:s21], [sflag:$0x3], $0x80, s0, s24, $0xb8;
	[tilespmem:$0x1DD80] =	vst v63  }
0x9d: {  	_ =	swait.ge [sflag:s29], $0x3E80  }
0x9e: {  	[sflag:s29] =	ssyncset.done $0x0  }
0x9f: {  	[sflag:s29] =	ssyncadd.s32 $0xFFFFC180  }
0xa0: {  	_ =	swait.ge [sflag:s30], $0x3E80  }
0xa1: {  	[sflag:s30] =	ssyncset.done $0x0  }
0xa2: {  	[sflag:s30] =	ssyncadd.s32 $0xFFFFC180  }
0xa3: {  	[spmem:s2] =	stream.indirect.scatter.add.f32 [tilespmem:s26], [sflag:$0x4], $0x80, s1, s24, $0xb8;
	[tilespmem:$0x1DD80] =	vst v63  }
0xa4: {  	_ =	swait.ge [sflag:s31], $0x3E80  }
0xa5: {  	s11 =	stileid.u32;
	[sflag:s31] =	ssyncset.done $0x0  }
0xa6: {  	s11 =	sshll.u32 s11, $0x6;
	[sflag:s31] =	ssyncadd.s32 $0xFFFFC180  }
0xa7: {  	s13 =	sshrl.u32 s6, $0x3;
	s11 =	sor.u32 $0x1C05, s11;
	[bflag:$0x0] =	sbarrier.arrive $0xFFFF  }
0xa8: {  	[hbm:s15], [sflag:s11] =	dma.local [spmem:s13], $0x7D0  }
0xa9: {  	_ =	swait.ge [sflag:s22], $0x7D0  }
0xaa: {  	[sflag:s22] =	ssyncset.done $0x0  }
0xab: {  	s13 =	sshrl.u32 s7, $0x3;
	[sflag:s22] =	ssyncadd.s32 $0xFFFFF830  }
0xac: {  	[hbm:s16], [sflag:s11] =	dma.local [spmem:s13], $0x7D0  }
0xad: {  	_ =	swait.ge [sflag:s22], $0x7D0  }
0xae: {  	[sflag:s22] =	ssyncset.done $0x0  }
0xaf: {  	s13 =	sshrl.u32 s8, $0x3;
	[sflag:s22] =	ssyncadd.s32 $0xFFFFF830  }
0xb0: {  	[hbm:s17], [sflag:s11] =	dma.local [spmem:s13], $0x7D0  }
0xb1: {  	_ =	swait.ge [sflag:s22], $0x7D0  }
0xb2: {  	[sflag:s22] =	ssyncset.done $0x0  }
0xb3: {  	s13 =	sshrl.u32 s9, $0x3;
	[sflag:s22] =	ssyncadd.s32 $0xFFFFF830  }
0xb4: {  	[hbm:s18], [sflag:s11] =	dma.local [spmem:s13], $0x7D0  }
0xb5: {  	s4 =	sadd.s32 $0x1, s4;
	_ =	swait.ge [sflag:s22], $0x7D0  }
0xb6: {  	p0 =	sne.s32 s4, s20;
	[sflag:s22] =	ssyncset.done $0x0  }
.Ltmp2:
0xb7: {  	s13 =	sshrl.u32 s10, $0x3;
	[sflag:s22] =	ssyncadd.s32 $0xFFFFF830;
	(pc) =	sbr.rel @p0 .LBB2_1-.Ltmp2, $4  }
0xb8: {  	[hbm:s19], [sflag:s11] =	dma.local [spmem:s13], $0x7D0  }
0xb9: {  	_ =	swait.ge [sflag:s22], $0x7D0  }
0xba: {  	[sflag:s22] =	ssyncset.done $0x0  }
0xbb: {  	[sflag:s22] =	ssyncadd.s32 $0xFFFFF830  }
0xbc: {  	_ =	sfence.sel $0x180000  }
0xbd: {  	[bflag:$0x0] =	sbarrier.arrive $0xFFFF  }
0xbe: {  	_ =	strace $0x9000004A  }
0xbf: {  	s0 =	stileid.u32;
	[bflag:$0x2] =	sbarrier.arrive $0xFFFF  }
0xc0: {  	p0 =	sne.s32 s0, $0x0;
	s0 =	rddreg [dreg:$0x3]  }
0xc1: {  	s0 =	sadd.s32 @!p0 $0x100000, s0  }
0xc2: {  	[sflag:s0] =	ssyncadd.tile.s32 @!p0 $0x1;
	_ =	shalt  }
.Lfunc_end2:
_tile_overlayer_lowered:
.L_overlay_start_2:
0xc3: {  	(tag) =	ssettag $0x2  }
0xc4: {  	s0 =	rddreg [dreg:$0x0];
	s2 =	stileid.u32  }
0xc5: {  	s1 =	rddreg [dreg:$0x1];
	p0 =	sne.s32 s2, $0x0  }
0xc6: {  	s3 =	rddreg [dreg:$0x2];
	[bflag:$0x3] =	sbarrier.arrive $0xFFFF;
	s2 =	simm.s32 @!p0 $0x1C05  }
0xc7: {  	[timem:s3], [sflag:s2] =	dma.local @!p0 [hbm:s0], s1  }
0xc8: {  	s0 =	simm.s32 @!p0 $0x5  }
0xc9: {  	_ =	swait.ge @!p0 [sflag:s0], s1  }
0xca: {  	s1 =	ssub.s32 @!p0 $0x0, s1;
	[sflag:s0] =	ssyncset.done @!p0 $0x0  }
0xcb: {  	[sflag:s0] =	ssyncadd.s32 @!p0 s1  }
0xcc: {  	[bflag:$0x3] =	sbarrier.arrive $0xFFFF  }
0xcd: {  	_ =	shalt  }

// kernel: kernel.15.cloned.1.call-start
scs
__scs_entry_jumppad:
0x0: {  	(pc) =	sbr.rel $0x88, $3  }
0x1: {  	(tag) =	ssettag $0x0;
	lr =	simm.s32 $0x1  }
0x2: {  	[smem:$0x3F93] =	sst lr;
	_ =	strace $0xD0000000  }
0x3: {  	_ = 	snop  }
0x4: {  	_ = 	snop  }
0x5: {  	_ = 	snop  }
0x6: {  	_ = 	snop  }
0x7: {  	_ = 	snop  }
__scs_overlays_trampoline_lowered:
0x8: {  	[smem:$0x3FA2] =	sst s0  }
0x9: {  	[smem:$0x3FA3] =	sst s1  }
0xa: {  	[smem:$0x3FA4] =	sst s2  }
0xb: {  	[smem:$0x3FA5] =	sst s3  }
0xc: {  	[smem:$0x3FA6] =	sst s4  }
0xd: {  	[smem:$0x3FA7] =	sst s5  }
0xe: {  	[smem:$0x3FA8] =	sst s6  }
0xf: {  	[smem:$0x3FA9] =	sst s7  }
0x10: {  	[smem:$0x3FAA] =	sst s8  }
0x11: {  	[smem:$0x3FAB] =	sst s9;
	s0 =	simm.s32 @!p0 $0x0  }
0x12: {  	s1 =	sld [smem:$0x3F91];
	s0 =	simm.s32 @p0 $0x1  }
0x13: {  	[smem:$0x3FAC] =	sst s0;
	s0 =	simm.s32 @!p1 $0x0  }
0x14: {  	s2 =	sld [smem:$0x3F90];
	s0 =	simm.s32 @p1 $0x1  }
0x15: {  	[smem:$0x3FAD] =	sst s0;
	s0 =	simm.s32 @!p2 $0x0  }
0x16: {  	s3 =	sld [smem:$0x3FDB];
	s0 =	simm.s32 @p2 $0x1  }
0x17: {  	s4 =	simm.s32 $0x1BF5;
	[smem:$0x3FAF] =	sst s0  }
0x18: {  	s0 =	sld [smem:$0x3F92];
	_ =	swait.ge [sflag:s4], $0x0  }
0x19: {  	s7 =	sld [smem:$0x3F93]  }
0x1a: {  	s8 =	sadd.s32 $0xFFFFE003, lr  }
0x1b: {  	s9 =	sadd.s32 $0xFFFFFEF7, lr;
	s5 =	simm.s32 $0xFFFFFFFF;
	p2 =	slt.u32 s8, $0xFFFFF086  }
0x1c: {  	p1 =	slt.u32 s9, $0xF7A;
	s5 =	simm.s32 @!p2 $0x0  }
0x1d: {  	s5 =	simm.s32 @p1 $0x1;
	p0 =	seq.s32 s7, s2  }
0x1e: {  	s7 =	smul.u32 @!p0 $0xF7A, s2;
	p2 =	seq.s32 @!p0 s5, $0x0  }
0x1f: {  	s9 =	smul.u32 $0xF7A, s1;
	s8 =	simm.s32 @!p0 $0x1BF5;
	p2 =	por !p2, p0  }
0x20: {  	[sflag:s8] =	ssyncset.s32 @!p0 $0xFFFFF086;
	s6 =	sadd.s32 @!p0 s3, s7;
	s7 =	simm.s32 @!p0 $0x108  }
0x21: {  	s3 =	sadd.s32 s3, s9;
	s6 =	sadd.s32 @!p0 $0x88, s6;
	s7 =	simm.s32 @p2 $0x1082  }
0x22: {  	[simem:s7], [sflag:s8] =	dma.local @!p0 [hbm:s6], $0xF7A  }
0x23: {  	s9 =	sor.u32 $0xD0000000, s2;
	s6 =	simm.s32 $0x108;
	_ =	swait.ge @!p0 [sflag:s8], $0x0  }
0x24: {  	s3 =	sadd.s32 $0x88, s3;
	s6 =	simm.s32 @!p1 $0x1082;
	[sflag:s4] =	ssyncset.s32 $0xFFFFF086  }
0x25: {  	[simem:s6], [sflag:s4] =	dma.local [hbm:s3], $0xF7A  }
0x26: {  	[smem:$0x3F93] =	sst s1;
	(tag) =	ssettag s2;
	_ =	strace s9  }
0x27: {  	s1 =	sld [smem:$0x3FA3]  }
0x28: {  	s2 =	sld [smem:$0x3FA4]  }
0x29: {  	s4 =	sld [smem:$0x3FA6]  }
0x2a: {  	p0 =	seq.s32 s5, $0x0;
	s5 =	sld [smem:$0x3FA7]  }
0x2b: {  	s6 =	sld [smem:$0x3FA8]  }
0x2c: {  	s7 =	sld [smem:$0x3FA9]  }
0x2d: {  	s3 =	simm.s32 $0x108;
	s8 =	sld [smem:$0x3FAA]  }
0x2e: {  	s3 =	simm.s32 @!p0 $0x1082;
	s9 =	sld [smem:$0x3FAB]  }
0x2f: {  	lr =	sadd.s32 s0, s3;
	s0 =	sld [smem:$0x3FA2]  }
0x30: {  	s3 =	sld [smem:$0x3FA5]  }
0x31: {  	[smem:$0x3FAE] =	sst s10  }
0x32: {  	s10 =	sld [smem:$0x3FAC];
	_ =	sdelay $0x3  }
0x33: {  	p0 =	seq.s32 s10, $0x1;
	s10 =	sld [smem:$0x3FAE];
	_ =	sdelay $0x3  }
0x34: {  	[smem:$0x3FAE] =	sst s10  }
0x35: {  	s10 =	sld [smem:$0x3FAD];
	_ =	sdelay $0x3  }
0x36: {  	p1 =	seq.s32 s10, $0x1;
	s10 =	sld [smem:$0x3FAE];
	_ =	sdelay $0x3  }
0x37: {  	[smem:$0x3FAE] =	sst s10  }
0x38: {  	s10 =	sld [smem:$0x3FAF]  }
0x39: {  	_ = 	snop;
	(pc) =	sbr.ind lr, $3  }
0x3a: {  	_ = 	snop  }
0x3b: {  	_ = 	snop  }
0x3c: {  	p2 =	seq.s32 s10, $0x1;
	s10 =	sld [smem:$0x3FAE]  }
0x3d: {  	_ =	shalt  }
0x3e: {  	_ =	shalt  }
0x3f: {  	_ =	shalt  }
0x40: {  	_ =	shalt  }
0x41: {  	_ =	shalt  }
0x42: {  	_ =	shalt  }
0x43: {  	_ =	shalt  }
0x44: {  	_ =	shalt  }
0x45: {  	_ =	shalt  }
0x46: {  	_ =	shalt  }
0x47: {  	_ =	shalt  }
0x48: {  	_ =	shalt  }
0x49: {  	_ =	shalt  }
0x4a: {  	_ =	shalt  }
0x4b: {  	_ =	shalt  }
0x4c: {  	_ =	shalt  }
0x4d: {  	_ =	shalt  }
0x4e: {  	_ =	shalt  }
0x4f: {  	_ =	shalt  }
0x50: {  	_ =	shalt  }
0x51: {  	_ =	shalt  }
0x52: {  	_ =	shalt  }
0x53: {  	_ =	shalt  }
0x54: {  	_ =	shalt  }
0x55: {  	_ =	shalt  }
0x56: {  	_ =	shalt  }
0x57: {  	_ =	shalt  }
0x58: {  	_ =	shalt  }
0x59: {  	_ =	shalt  }
0x5a: {  	_ =	shalt  }
0x5b: {  	_ =	shalt  }
0x5c: {  	_ =	shalt  }
0x5d: {  	_ =	shalt  }
0x5e: {  	_ =	shalt  }
0x5f: {  	_ =	shalt  }
0x60: {  	_ =	shalt  }
0x61: {  	_ =	shalt  }
0x62: {  	_ =	shalt  }
0x63: {  	_ =	shalt  }
0x64: {  	_ =	shalt  }
0x65: {  	_ =	shalt  }
0x66: {  	_ =	shalt  }
0x67: {  	_ =	shalt  }
0x68: {  	_ =	shalt  }
0x69: {  	_ =	shalt  }
0x6a: {  	_ =	shalt  }
0x6b: {  	_ =	shalt  }
0x6c: {  	_ =	shalt  }
0x6d: {  	_ =	shalt  }
0x6e: {  	_ =	shalt  }
0x6f: {  	_ =	shalt  }
0x70: {  	_ =	shalt  }
0x71: {  	_ =	shalt  }
0x72: {  	_ =	shalt  }
0x73: {  	_ =	shalt  }
0x74: {  	_ =	shalt  }
0x75: {  	_ =	shalt  }
0x76: {  	_ =	shalt  }
0x77: {  	_ =	shalt  }
0x78: {  	_ =	shalt  }
0x79: {  	_ =	shalt  }
0x7a: {  	_ =	shalt  }
0x7b: {  	_ =	shalt  }
0x7c: {  	_ =	shalt  }
0x7d: {  	_ =	shalt  }
0x7e: {  	_ =	shalt  }
0x7f: {  	_ =	shalt  }
0x80: {  	_ =	shalt  }
0x81: {  	_ =	shalt  }
0x82: {  	_ =	shalt  }
0x83: {  	_ =	shalt  }
0x84: {  	_ =	shalt  }
0x85: {  	_ =	shalt  }
0x86: {  	_ =	shalt  }
0x87: {  	_ =	shalt  }
.Lfunc_end0:
.L_simem_size_0:
called_computation.2_lowered:
.L_overlay_start_0:
0x88: {  	s2 =	sld [smem:$0x3FD9]  }
0x89: {  	s3 =	sld [smem:$0x3FFE];
	_ =	sdelay $0x1  }
0x8a: {  	s1 =	srdreg.scid  }
0x8b: {  	s0 =	sand.u32 $0x1, s1  }
0x8c: {  	s17 =	sshll.u32 s0, $0xA;
	s2 =	sadd.s32 s3, s2  }
0x8d: {  	s2 =	sadd.s32 s2, s17  }
0x8e: {  	[smem:$0x3FBA] =	sst s2  }
0x8f: {  	_ = 	snop  }
0x90: {  	s2 =	sld [smem:$0x3FD0];
	(tm) =	ssettm $0x1  }
0x91: {  	s18 =	sld [smem:$0x3FFB];
	_ =	sdelay $0x3  }
0x92: {  	_ =	strace s18  }
0x93: {  	s3 =	sld [smem:$0x3FFC];
	_ =	sdelay $0x3  }
0x94: {  	_ =	strace s3  }
0x95: {  	s3 =	sld [smem:$0x3FFD];
	_ =	sdelay $0x3  }
0x96: {  	_ =	strace s3  }
0x97: {  	_ =	strace $0x8FFFFFFF  }
0x98: {  	s19 =	sld [smem:$0x3FDB];
	_ =	sdelay $0x1  }
0x99: {  	s4 =	simm.s32 $_scs_section_size  }
0x9a: {  	s5 =	simm.s32 $_size__tile_overlayer_lowered;
	s6 =	simm.s32 $_tile_overlayer_lowered  }
0x9b: {  	s22 =	simm.s32 $0x1BFF;
	s21 =	sshll.u32 s6, $0x1;
	s3 =	sadd.s32 s4, s19  }
0x9c: {  	s7 =	simm.s32 $0x0;
	s20 =	sshll.u32 s5, $0x1;
	s5 =	sadd.s32 s21, s3  }
0x9d: {  	[timem:s7], [sflag:s22] =	dma.local [hbm:s5], s20  }
0x9e: {  	_ =	swait.ge [sflag:s22], s20  }
0x9f: {  	s4 =	ssub.s32 $0x0, s20;
	[sflag:s22] =	ssyncset.done $0x0  }
0xa0: {  	[sflag:s22] =	ssyncadd.s32 s4;
	_ =	sdelay $0x1  }
0xa1: {  	s23 =	simm.s32 $0x1B8B  }
0xa2: {  	_ =	swait.ge [sflag:s23], $0x1  }
0xa3: {  	[sflag:s23] =	ssyncset.done $0x0  }
0xa4: {  	s25 =	simm.s32 $0x1B8E;
	s24 =	sld [smem:$0x3FFE];
	[sflag:s23] =	ssyncadd.s32 $0xFFFFFFFF  }
0xa5: {  	s26 =	simm.s32 $execute0_lowered;
	[smem:$0x3FD2] =	sst s25  }
0xa6: {  	s5 =	sshll.u32 s26, $0x1;
	_ =	strace $0x8000004C;
	[dreg:$0x1] =	wrdreg $0xFFFFFFFF  }
0xa7: {  	s28 =	simm.s32 $_size_execute0_lowered;
	s3 =	sadd.s32 s3, s5;
	[dreg:$0x0] =	wrdreg $0x0  }
0xa8: {  	s5 =	sshll.u32 s28, $0x1;
	[dreg:$0x2] =	wrdreg s3  }
0xa9: {  	[dreg:$0x3] =	wrdreg s5  }
0xaa: {  	[dreg:$0x4] =	wrdreg $0xC0  }
0xab: {  	_ =	task [dreg:s7], $0x5FFFF  }
0xac: {  	[dreg:$0x1] =	wrdreg $0xFFFFFFFF  }
0xad: {  	[dreg:$0x0] =	wrdreg $0x60  }
0xae: {  	[dreg:$0x2] =	wrdreg s24  }
0xaf: {  	[dreg:$0x3] =	wrdreg s2  }
0xb0: {  	[dreg:$0x4] =	wrdreg $0xA5000  }
0xb1: {  	[dreg:$0x5] =	wrdreg $0x9  }
0xb2: {  	_ =	task.clear_ibuf [dreg:s7], $0x6FFFF;
	_ =	strace $0x9000004C  }
0xb3: {  	s29 =	simm.s32 $0x9;
	_ =	strace $0x8000004E  }
0xb4: {  	_ =	swait.ge [sflag:s29], $0x1  }
0xb5: {  	[sflag:s29] =	ssyncadd.s32 $0xFFFFFFFF  }
0xb6: {  	_ =	strace $0x9000004E  }
0xb7: {  	_ =	sfence  }
0xb8: {  	s30 =	sld [smem:$0x0];
	_ =	sdelay $0x2  }
0xb9: {  	s31 =	sshll.u32 s1, $0xD;
	s1 =	sshrl.u32 s1, $0x2  }
0xba: {  	s3 =	sand.u32 $0x4000, s31;
	s1 =	sadd.s32 s1, s30  }
0xbb: {  	s0 =	sor.u32 s3, s0;
	s1 =	sshll.u32 s1, $0x11  }
0xbc: {  	s0 =	sor.u32 s1, s0  }
0xbd: {  	s0 =	sadd.s32 $0x8F2B, s0  }
0xbe: {  	[sflag:s0] =	ssyncadd.remote.s32 $0x1  }
0xbf: {  	_ =	sfence.sel $0xFFFF  }
0xc0: {  	[dreg:$0x0] =	wrdreg $0xFFFFFFFF;
	(pc) =	sbr.abs _section_cstart, $3  }
0xc1: {  	[dreg:$0x1] =	wrdreg $0xFFFFFFFF  }
0xc2: {  	_ =	task.clear_ibuf [dreg:s7], $0x2FFFF;
	_ =	strace $0x9FFFFFFF  }
0xc3: {  	(tm) =	ssettm $0x7FFFFFFF  }
tec
execute0_lowered:
.L_overlay_start_1:
0x0: {  	(tag) =	ssettag $0x1  }
0x1: {  	s0 =	rddreg [dreg:$0x0]  }
0x2: {  	s2 =	rddreg [dreg:$0x2]  }
0x3: {  	s3 =	simm.s32 $0x0;
	s1 =	srdreg.scid;
	s8 =	stileid.u32  }
0x4: {  	s28 =	simm.s32 $0x1;
	s29 =	simm.s32 $0x3;
	s30 =	simm.s32 $0x2  }
0x5: {  	s31 =	simm.s32 $0x4;
	[smem:$0x7FF] =	sst s3;
	s4 =	sadd.s32 $0x22600, s0  }
0x6: {  	s1 =	sand.u32 $0x1, s1;
	s11 =	sadd.s32 $0x18600, s0;
	s5 =	sadd.s32 $0x2C600, s0  }
0x7: {  	s12 =	smul.u32 $0x13880, s8;
	s0 =	sadd.s32 $0xA1A00, s0;
	_ =	strace $0x8000004D  }
0x8: {  	s6 =	ssub.s32 $0x2, s1;
	s21 =	sshll.u32 s1, $0x4;
	s1 =	smul.u32 $0x138800, s1  }
0x9: {  	s7 =	sshrl.u32 s6, $0x1;
	s14 =	sadd.s32 $0x3E80, s12;
	s9 =	sor.u32 s8, s21  }
0xa: {  	s17 =	sadd.s32 $0x7D00, s12;
	s18 =	sadd.s32 $0xBB80, s12;
	s19 =	sadd.s32 $0xFA00, s12  }
0xb: {  	s21 =	simm.s32 $0x2800;
	s20 =	ssub.s32 s6, s7;
	s6 =	sadd.s32 s12, s2  }
0xc: {  	s7 =	sadd.s32 s14, s2;
	s13 =	smul.u32 $0x500, s9;
	s8 =	sadd.s32 s17, s2  }
0xd: {  	s15 =	smul.u32 $0x2800, s9;
	s9 =	sadd.s32 s18, s2;
	s10 =	sadd.s32 s19, s2  }
0xe: {  	s12 =	sadd.s32 s12, s1;
	s23 =	sadd.s32 s1, s14;
	s25 =	sadd.s32 s1, s17  }
0xf: {  	s26 =	sadd.s32 s1, s18;
	s1 =	sadd.s32 s1, s19;
	s22 =	sshrl.u32 s12, $0x3  }
0x10: {  	s24 =	sshrl.u32 s23, $0x3;
	s1 =	sshrl.u32 s1, $0x3;
	s20 =	smax.u32 s20, $0x1  }
0x11: {  	s23 =	simm.s32 $0x1400;
	s16 =	sadd.s32 s4, s13;
	s15 =	sshrl.u32 s15, $0x3  }
0x12: {  	s13 =	sadd.s32 s11, s13;
	s19 =	sadd.s32 s0, s1;
	[dreg:$0x4] =	wrdreg s16  }
0x13: {  	s1 =	simm.s32 $0x2780;
	[dreg:$0x5] =	wrdreg s13;
	s15 =	sadd.s32 $0x280, s15  }
0x14: {  	s16 =	sadd.s32 s0, s24;
	s24 =	simm.s32 $0x7D;
	s4 =	sadd.s32 s4, s15  }
0x15: {  	s14 =	sadd.s32 s11, s15;
	s15 =	sadd.s32 s0, s22;
	s11 =	sshrl.u32 s26, $0x3  }
0x16: {  	s22 =	simm.s32 $0x5;
	s26 =	simm.s32 $0x6680;
	[dreg:$0x6] =	wrdreg s4  }
0x17: {  	s4 =	sshrl.u32 s25, $0x3;
	s18 =	sadd.s32 s0, s11;
	s25 =	simm.s32 $0x80  }
0x18: {  	s17 =	sadd.s32 s0, s4;
	s0 =	simm.s32 $0x2700;
	s4 =	simm.s32 $0x0  }
.LBB2_1:
0x19: {  	s11 =	rddreg [dreg:$0x1]  }
0x1a: {  	[tilespmem:s21], [sflag:$0x5] =	stream.linear.gather [hbm4b:s11+s3], $0x3E80, $0x38;
	[tilespmem:$0x1DD80] =	vst v63  }
0x1b: {  	_ =	swait.ge [sflag:s22], $0x3E80  }
0x1c: {  	[sflag:s22] =	ssyncset.done $0x0  }
0x1d: {  	[sflag:s22] =	ssyncadd.s32 $0xFFFFC180  }
0x1e: {  	[spmem:s6] =	stream.linear.scatter [tilespmem:s21], [sflag:$0x5], $0x3E80, $0x38;
	[tilespmem:$0x1DD80] =	vst v63  }
0x1f: {  	_ =	swait.ge [sflag:s22], $0x3E80  }
0x20: {  	[sflag:s22] =	ssyncset.done $0x0  }
0x21: {  	[sflag:s22] =	ssyncadd.s32 $0xFFFFC180  }
0x22: {  	[spmem:s7] =	stream.linear.scatter [tilespmem:s21], [sflag:$0x5], $0x3E80, $0x38;
	[tilespmem:$0x1DD80] =	vst v63  }
0x23: {  	_ =	swait.ge [sflag:s22], $0x3E80  }
0x24: {  	[sflag:s22] =	ssyncset.done $0x0  }
0x25: {  	[sflag:s22] =	ssyncadd.s32 $0xFFFFC180  }
0x26: {  	[spmem:s8] =	stream.linear.scatter [tilespmem:s21], [sflag:$0x5], $0x3E80, $0x38;
	[tilespmem:$0x1DD80] =	vst v63  }
0x27: {  	_ =	swait.ge [sflag:s22], $0x3E80  }
0x28: {  	[sflag:s22] =	ssyncset.done $0x0  }
0x29: {  	[sflag:s22] =	ssyncadd.s32 $0xFFFFC180  }
0x2a: {  	[spmem:s9] =	stream.linear.scatter [tilespmem:s21], [sflag:$0x5], $0x3E80, $0x38;
	[tilespmem:$0x1DD80] =	vst v63  }
0x2b: {  	_ =	swait.ge [sflag:s22], $0x3E80  }
0x2c: {  	[sflag:s22] =	ssyncset.done $0x0  }
0x2d: {  	[sflag:s22] =	ssyncadd.s32 $0xFFFFC180  }
0x2e: {  	[spmem:s10] =	stream.linear.scatter [tilespmem:s21], [sflag:$0x5], $0x3E80, $0x38;
	[tilespmem:$0x1DD80] =	vst v63  }
0x2f: {  	_ =	swait.ge [sflag:s22], $0x3E80  }
0x30: {  	[sflag:s22] =	ssyncset.done $0x0  }
0x31: {  	s13 =	rddreg [dreg:$0x4];
	[sflag:s22] =	ssyncadd.s32 $0xFFFFC180  }
0x32: {  	[tilespmem:s3], [sflag:$0x5] =	stream.linear.gather [hbm4b:s13+s3], $0x1400, $0x38;
	[tilespmem:$0x1DD80] =	vst v63  }
0x33: {  	_ =	swait.ge [sflag:s22], $0x1400  }
0x34: {  	[sflag:s22] =	ssyncset.done $0x0  }
0x35: {  	s12 =	rddreg [dreg:$0x5];
	[sflag:s22] =	ssyncadd.s32 $0xFFFFEC00  }
0x36: {  	[tilespmem:s23], [sflag:$0x5] =	stream.linear.gather [hbm4b:s12+s3], $0x1400, $0x38;
	[tilespmem:$0x1DD80] =	vst v63  }
0x37: {  	_ =	swait.ge [sflag:s22], $0x1400  }
0x38: {  	[sflag:s22] =	ssyncset.done $0x0  }
0x39: {  	[sflag:s22] =	ssyncadd.s32 $0xFFFFEC00  }
0x3a: {  	[bflag:$0x0] =	sbarrier.arrive $0xFFFF  }
0x3b: {  	[tilespmem:s21], [sflag:$0x1] =	stream.indirect.gather [hbm4b:s5+s24], $0x80, s3, s24, $0xb8;
	[tilespmem:$0x1DD80] =	vst v63  }
0x3c: {  	_ = 	snop  }
0x3d: {  	[tilespmem:s26], [sflag:$0x2] =	stream.indirect.gather [hbm4b:s5+s24], $0x80, s25, s24, $0xb8;
	[tilespmem:$0x1DD80] =	vst v63  }
0x3e: {  	_ =	swait.ge [sflag:s28], $0x3E80  }
0x3f: {  	[sflag:s28] =	ssyncset.done $0x0  }
0x40: {  	s13 =	simm.s32 $0x1400;
	[sflag:s28] =	ssyncadd.s32 $0xFFFFC180  }
0x41: {  	[spmem:s2] =	stream.indirect.scatter.add.f32 [tilespmem:s21], [sflag:$0x3], $0x80, s13, s24, $0xb8;
	[tilespmem:$0x1DD80] =	vst v63  }
0x42: {  	_ =	swait.ge [sflag:s29], $0x3E80  }
0x43: {  	[sflag:s29] =	ssyncset.done $0x0  }
0x44: {  	s12 =	simm.s32 $0x100;
	[sflag:s29] =	ssyncadd.s32 $0xFFFFC180  }
0x45: {  	[tilespmem:s21], [sflag:$0x1] =	stream.indirect.gather [hbm4b:s5+s24], $0x80, s12, s24, $0xb8;
	[tilespmem:$0x1DD80] =	vst v63  }
0x46: {  	_ =	swait.ge [sflag:s30], $0x3E80  }
0x47: {  	[sflag:s30] =	ssyncset.done $0x0  }
0x48: {  	s13 =	simm.s32 $0x1480;
	[sflag:s30] =	ssyncadd.s32 $0xFFFFC180  }
0x49: {  	[spmem:s2] =	stream.indirect.scatter.add.f32 [tilespmem:s26], [sflag:$0x4], $0x80, s13, s24, $0xb8;
	[tilespmem:$0x1DD80] =	vst v63  }
0x4a: {  	_ =	swait.ge [sflag:s31], $0x3E80  }
0x4b: {  	[sflag:s31] =	ssyncset.done $0x0  }
0x4c: {  	s11 =	simm.s32 $0x400;
	s12 =	simm.s32 $0x180;
	[sflag:s31] =	ssyncadd.s32 $0xFFFFC180  }
.LBB2_2:
0x4d: {  	[tilespmem:s26], [sflag:$0x2] =	stream.indirect.gather [hbm4b:s5+s24], $0x80, s12, s24, $0xb8;
	[tilespmem:$0x1DD80] =	vst v63  }
0x4e: {  	s12 =	smov.u32 s11  }
0x4f: {  	p0 =	sne.s32 s11, $0x4800;
	s11 =	sadd.s32 $0x400, s11;
	_ =	swait.ge [sflag:s28], $0x3E80  }
0x50: {  	s12 =	sshra.s32 s12, $0x2;
	[sflag:s28] =	ssyncset.done $0x0  }
0x51: {  	s13 =	sadd.s32 $0x1400, s12;
	[sflag:s28] =	ssyncadd.s32 $0xFFFFC180  }
0x52: {  	[spmem:s2] =	stream.indirect.scatter.add.f32 [tilespmem:s21], [sflag:$0x3], $0x80, s13, s24, $0xb8;
	[tilespmem:$0x1DD80] =	vst v63  }
0x53: {  	_ =	swait.ge [sflag:s29], $0x3E80  }
0x54: {  	[sflag:s29] =	ssyncset.done $0x0  }
0x55: {  	s13 =	sadd.s32 $0x100, s12;
	[sflag:s29] =	ssyncadd.s32 $0xFFFFC180  }
0x56: {  	[tilespmem:s21], [sflag:$0x1] =	stream.indirect.gather [hbm4b:s5+s24], $0x80, s13, s24, $0xb8;
	[tilespmem:$0x1DD80] =	vst v63  }
0x57: {  	_ =	swait.ge [sflag:s30], $0x3E80  }
0x58: {  	[sflag:s30] =	ssyncset.done $0x0  }
.Ltmp0:
0x59: {  	s13 =	sadd.s32 $0x1480, s12;
	[sflag:s30] =	ssyncadd.s32 $0xFFFFC180;
	(pc) =	sbr.rel @p0 .LBB2_2-.Ltmp0, $4  }
0x5a: {  	[spmem:s2] =	stream.indirect.scatter.add.f32 [tilespmem:s26], [sflag:$0x4], $0x80, s13, s24, $0xb8;
	[tilespmem:$0x1DD80] =	vst v63  }
0x5b: {  	_ =	swait.ge [sflag:s31], $0x3E80  }
0x5c: {  	[sflag:s31] =	ssyncset.done $0x0  }
0x5d: {  	s12 =	sadd.s32 $0x180, s12;
	[sflag:s31] =	ssyncadd.s32 $0xFFFFC180  }
0x5e: {  	[tilespmem:s26], [sflag:$0x2] =	stream.indirect.gather [hbm4b:s5+s24], $0x80, s12, s24, $0xb8;
	[tilespmem:$0x1DD80] =	vst v63  }
0x5f: {  	_ =	swait.ge [sflag:s28], $0x3E80  }
0x60: {  	[sflag:s28] =	ssyncset.done $0x0  }
0x61: {  	[sflag:s28] =	ssyncadd.s32 $0xFFFFC180  }
0x62: {  	[spmem:s2] =	stream.indirect.scatter.add.f32 [tilespmem:s21], [sflag:$0x3], $0x80, s0, s24, $0xb8;
	[tilespmem:$0x1DD80] =	vst v63  }
0x63: {  	_ =	swait.ge [sflag:s29], $0x3E80  }
0x64: {  	[sflag:s29] =	ssyncset.done $0x0  }
0x65: {  	[sflag:s29] =	ssyncadd.s32 $0xFFFFC180  }
0x66: {  	_ =	swait.ge [sflag:s30], $0x3E80  }
0x67: {  	[sflag:s30] =	ssyncset.done $0x0  }
0x68: {  	[sflag:s30] =	ssyncadd.s32 $0xFFFFC180  }
0x69: {  	[spmem:s2] =	stream.indirect.scatter.add.f32 [tilespmem:s26], [sflag:$0x4], $0x80, s1, s24, $0xb8;
	[tilespmem:$0x1DD80] =	vst v63  }
0x6a: {  	_ =	swait.ge [sflag:s31], $0x3E80  }
0x6b: {  	[sflag:s31] =	ssyncset.done $0x0  }
0x6c: {  	s11 =	simm.s32 $0x0;
	s13 =	rddreg [dreg:$0x6];
	[sflag:s31] =	ssyncadd.s32 $0xFFFFC180  }
0x6d: {  	[tilespmem:s11], [sflag:$0x5] =	stream.linear.gather [hbm4b:s13+s11], $0x1400, $0x38;
	[tilespmem:$0x1DD80] =	vst v63  }
0x6e: {  	_ =	swait.ge [sflag:s22], $0x1400  }
0x6f: {  	[sflag:s22] =	ssyncset.done $0x0  }
0x70: {  	[sflag:s22] =	ssyncadd.s32 $0xFFFFEC00  }
0x71: {  	[tilespmem:s23], [sflag:$0x5] =	stream.linear.gather [hbm4b:s14+s11], $0x1400, $0x38;
	[tilespmem:$0x1DD80] =	vst v63  }
0x72: {  	_ =	swait.ge [sflag:s22], $0x1400  }
0x73: {  	[sflag:s22] =	ssyncset.done $0x0  }
0x74: {  	[sflag:s22] =	ssyncadd.s32 $0xFFFFEC00  }
0x75: {  	[tilespmem:s21], [sflag:$0x1] =	stream.indirect.gather [hbm4b:s5+s24], $0x80, s11, s24, $0xb8;
	[tilespmem:$0x1DD80] =	vst v63  }
0x76: {  	_ = 	snop  }
0x77: {  	[tilespmem:s26], [sflag:$0x2] =	stream.indirect.gather [hbm4b:s5+s24], $0x80, s25, s24, $0xb8;
	[tilespmem:$0x1DD80] =	vst v63  }
0x78: {  	_ =	swait.ge [sflag:s28], $0x3E80  }
0x79: {  	[sflag:s28] =	ssyncset.done $0x0  }
0x7a: {  	s13 =	simm.s32 $0x1400;
	[sflag:s28] =	ssyncadd.s32 $0xFFFFC180  }
0x7b: {  	[spmem:s2] =	stream.indirect.scatter.add.f32 [tilespmem:s21], [sflag:$0x3], $0x80, s13, s24, $0xb8;
	[tilespmem:$0x1DD80] =	vst v63  }
0x7c: {  	_ =	swait.ge [sflag:s29], $0x3E80  }
0x7d: {  	[sflag:s29] =	ssyncset.done $0x0  }
0x7e: {  	s12 =	simm.s32 $0x100;
	[sflag:s29] =	ssyncadd.s32 $0xFFFFC180  }
0x7f: {  	[tilespmem:s21], [sflag:$0x1] =	stream.indirect.gather [hbm4b:s5+s24], $0x80, s12, s24, $0xb8;
	[tilespmem:$0x1DD80] =	vst v63  }
0x80: {  	_ =	swait.ge [sflag:s30], $0x3E80  }
0x81: {  	[sflag:s30] =	ssyncset.done $0x0  }
0x82: {  	s13 =	simm.s32 $0x1480;
	[sflag:s30] =	ssyncadd.s32 $0xFFFFC180  }
0x83: {  	[spmem:s2] =	stream.indirect.scatter.add.f32 [tilespmem:s26], [sflag:$0x4], $0x80, s13, s24, $0xb8;
	[tilespmem:$0x1DD80] =	vst v63  }
0x84: {  	_ =	swait.ge [sflag:s31], $0x3E80  }
0x85: {  	[sflag:s31] =	ssyncset.done $0x0  }
0x86: {  	s11 =	simm.s32 $0x400;
	s12 =	simm.s32 $0x180;
	[sflag:s31] =	ssyncadd.s32 $0xFFFFC180  }
.LBB2_4:
0x87: {  	[tilespmem:s26], [sflag:$0x2] =	stream.indirect.gather [hbm4b:s5+s24], $0x80, s12, s24, $0xb8;
	[tilespmem:$0x1DD80] =	vst v63  }
0x88: {  	s12 =	smov.u32 s11  }
0x89: {  	p0 =	sne.s32 s11, $0x4800;
	s11 =	sadd.s32 $0x400, s11;
	_ =	swait.ge [sflag:s28], $0x3E80  }
0x8a: {  	s12 =	sshra.s32 s12, $0x2;
	[sflag:s28] =	ssyncset.done $0x0  }
0x8b: {  	s13 =	sadd.s32 $0x1400, s12;
	[sflag:s28] =	ssyncadd.s32 $0xFFFFC180  }
0x8c: {  	[spmem:s2] =	stream.indirect.scatter.add.f32 [tilespmem:s21], [sflag:$0x3], $0x80, s13, s24, $0xb8;
	[tilespmem:$0x1DD80] =	vst v63  }
0x8d: {  	_ =	swait.ge [sflag:s29], $0x3E80  }
0x8e: {  	[sflag:s29] =	ssyncset.done $0x0  }
0x8f: {  	s13 =	sadd.s32 $0x100, s12;
	[sflag:s29] =	ssyncadd.s32 $0xFFFFC180  }
0x90: {  	[tilespmem:s21], [sflag:$0x1] =	stream.indirect.gather [hbm4b:s5+s24], $0x80, s13, s24, $0xb8;
	[tilespmem:$0x1DD80] =	vst v63  }
0x91: {  	_ =	swait.ge [sflag:s30], $0x3E80  }
0x92: {  	[sflag:s30] =	ssyncset.done $0x0  }
.Ltmp1:
0x93: {  	s13 =	sadd.s32 $0x1480, s12;
	[sflag:s30] =	ssyncadd.s32 $0xFFFFC180;
	(pc) =	sbr.rel @p0 .LBB2_4-.Ltmp1, $4  }
0x94: {  	[spmem:s2] =	stream.indirect.scatter.add.f32 [tilespmem:s26], [sflag:$0x4], $0x80, s13, s24, $0xb8;
	[tilespmem:$0x1DD80] =	vst v63  }
0x95: {  	_ =	swait.ge [sflag:s31], $0x3E80  }
0x96: {  	[sflag:s31] =	ssyncset.done $0x0  }
0x97: {  	s12 =	sadd.s32 $0x180, s12;
	[sflag:s31] =	ssyncadd.s32 $0xFFFFC180  }
0x98: {  	[tilespmem:s26], [sflag:$0x2] =	stream.indirect.gather [hbm4b:s5+s24], $0x80, s12, s24, $0xb8;
	[tilespmem:$0x1DD80] =	vst v63  }
0x99: {  	_ =	swait.ge [sflag:s28], $0x3E80  }
0x9a: {  	[sflag:s28] =	ssyncset.done $0x0  }
0x9b: {  	[sflag:s28] =	ssyncadd.s32 $0xFFFFC180  }
0x9c: {  	[spmem:s2] =	stream.indirect.scatter.add.f32 [tilespmem:s21], [sflag:$0x3], $0x80, s0, s24, $0xb8;
	[tilespmem:$0x1DD80] =	vst v63  }
0x9d: {  	_ =	swait.ge [sflag:s29], $0x3E80  }
0x9e: {  	[sflag:s29] =	ssyncset.done $0x0  }
0x9f: {  	[sflag:s29] =	ssyncadd.s32 $0xFFFFC180  }
0xa0: {  	_ =	swait.ge [sflag:s30], $0x3E80  }
0xa1: {  	[sflag:s30] =	ssyncset.done $0x0  }
0xa2: {  	[sflag:s30] =	ssyncadd.s32 $0xFFFFC180  }
0xa3: {  	[spmem:s2] =	stream.indirect.scatter.add.f32 [tilespmem:s26], [sflag:$0x4], $0x80, s1, s24, $0xb8;
	[tilespmem:$0x1DD80] =	vst v63  }
0xa4: {  	_ =	swait.ge [sflag:s31], $0x3E80  }
0xa5: {  	s11 =	stileid.u32;
	[sflag:s31] =	ssyncset.done $0x0  }
0xa6: {  	s11 =	sshll.u32 s11, $0x6;
	[sflag:s31] =	ssyncadd.s32 $0xFFFFC180  }
0xa7: {  	s13 =	sshrl.u32 s6, $0x3;
	s11 =	sor.u32 $0x1C05, s11;
	[bflag:$0x0] =	sbarrier.arrive $0xFFFF  }
0xa8: {  	[hbm:s15], [sflag:s11] =	dma.local [spmem:s13], $0x7D0  }
0xa9: {  	_ =	swait.ge [sflag:s22], $0x7D0  }
0xaa: {  	[sflag:s22] =	ssyncset.done $0x0  }
0xab: {  	s13 =	sshrl.u32 s7, $0x3;
	[sflag:s22] =	ssyncadd.s32 $0xFFFFF830  }
0xac: {  	[hbm:s16], [sflag:s11] =	dma.local [spmem:s13], $0x7D0  }
0xad: {  	_ =	swait.ge [sflag:s22], $0x7D0  }
0xae: {  	[sflag:s22] =	ssyncset.done $0x0  }
0xaf: {  	s13 =	sshrl.u32 s8, $0x3;
	[sflag:s22] =	ssyncadd.s32 $0xFFFFF830  }
0xb0: {  	[hbm:s17], [sflag:s11] =	dma.local [spmem:s13], $0x7D0  }
0xb1: {  	_ =	swait.ge [sflag:s22], $0x7D0  }
0xb2: {  	[sflag:s22] =	ssyncset.done $0x0  }
0xb3: {  	s13 =	sshrl.u32 s9, $0x3;
	[sflag:s22] =	ssyncadd.s32 $0xFFFFF830  }
0xb4: {  	[hbm:s18], [sflag:s11] =	dma.local [spmem:s13], $0x7D0  }
0xb5: {  	s4 =	sadd.s32 $0x1, s4;
	_ =	swait.ge [sflag:s22], $0x7D0  }
0xb6: {  	p0 =	sne.s32 s4, s20;
	[sflag:s22] =	ssyncset.done $0x0  }
.Ltmp2:
0xb7: {  	s13 =	sshrl.u32 s10, $0x3;
	[sflag:s22] =	ssyncadd.s32 $0xFFFFF830;
	(pc) =	sbr.rel @p0 .LBB2_1-.Ltmp2, $4  }
0xb8: {  	[hbm:s19], [sflag:s11] =	dma.local [spmem:s13], $0x7D0  }
0xb9: {  	_ =	swait.ge [sflag:s22], $0x7D0  }
0xba: {  	[sflag:s22] =	ssyncset.done $0x0  }
0xbb: {  	[sflag:s22] =	ssyncadd.s32 $0xFFFFF830  }
0xbc: {  	_ =	sfence.sel $0x180000  }
0xbd: {  	[bflag:$0x0] =	sbarrier.arrive $0xFFFF  }
0xbe: {  	_ =	strace $0x9000004D  }
0xbf: {  	s0 =	stileid.u32;
	[bflag:$0x2] =	sbarrier.arrive $0xFFFF  }
0xc0: {  	p0 =	sne.s32 s0, $0x0;
	s0 =	rddreg [dreg:$0x3]  }
0xc1: {  	s0 =	sadd.s32 @!p0 $0x100000, s0  }
0xc2: {  	[sflag:s0] =	ssyncadd.tile.s32 @!p0 $0x1;
	_ =	shalt  }
.Lfunc_end2:
_tile_overlayer_lowered:
.L_overlay_start_2:
0xc3: {  	(tag) =	ssettag $0x2  }
0xc4: {  	s0 =	rddreg [dreg:$0x0];
	s2 =	stileid.u32  }
0xc5: {  	s1 =	rddreg [dreg:$0x1];
	p0 =	sne.s32 s2, $0x0  }
0xc6: {  	s3 =	rddreg [dreg:$0x2];
	[bflag:$0x3] =	sbarrier.arrive $0xFFFF;
	s2 =	simm.s32 @!p0 $0x1C05  }
0xc7: {  	[timem:s3], [sflag:s2] =	dma.local @!p0 [hbm:s0], s1  }
0xc8: {  	s0 =	simm.s32 @!p0 $0x5  }
0xc9: {  	_ =	swait.ge @!p0 [sflag:s0], s1  }
0xca: {  	s1 =	ssub.s32 @!p0 $0x0, s1;
	[sflag:s0] =	ssyncset.done @!p0 $0x0  }
0xcb: {  	[sflag:s0] =	ssyncadd.s32 @!p0 s1  }
0xcc: {  	[bflag:$0x3] =	sbarrier.arrive $0xFFFF  }
0xcd: {  	_ =	shalt  }

// kernel: kernel.9.cloned.1.call-start
scs
__scs_entry_jumppad:
0x0: {  	(pc) =	sbr.rel $0x88, $3  }
0x1: {  	(tag) =	ssettag $0x0;
	lr =	simm.s32 $0x1  }
0x2: {  	[smem:$0x3F93] =	sst lr;
	_ =	strace $0xD0000000  }
0x3: {  	_ = 	snop  }
0x4: {  	_ = 	snop  }
0x5: {  	_ = 	snop  }
0x6: {  	_ = 	snop  }
0x7: {  	_ = 	snop  }
__scs_overlays_trampoline_lowered:
0x8: {  	[smem:$0x3FA2] =	sst s0  }
0x9: {  	[smem:$0x3FA3] =	sst s1  }
0xa: {  	[smem:$0x3FA4] =	sst s2  }
0xb: {  	[smem:$0x3FA5] =	sst s3  }
0xc: {  	[smem:$0x3FA6] =	sst s4  }
0xd: {  	[smem:$0x3FA7] =	sst s5  }
0xe: {  	[smem:$0x3FA8] =	sst s6  }
0xf: {  	[smem:$0x3FA9] =	sst s7  }
0x10: {  	[smem:$0x3FAA] =	sst s8  }
0x11: {  	[smem:$0x3FAB] =	sst s9;
	s0 =	simm.s32 @!p0 $0x0  }
0x12: {  	s1 =	sld [smem:$0x3F91];
	s0 =	simm.s32 @p0 $0x1  }
0x13: {  	[smem:$0x3FAC] =	sst s0;
	s0 =	simm.s32 @!p1 $0x0  }
0x14: {  	s2 =	sld [smem:$0x3F90];
	s0 =	simm.s32 @p1 $0x1  }
0x15: {  	[smem:$0x3FAD] =	sst s0;
	s0 =	simm.s32 @!p2 $0x0  }
0x16: {  	s3 =	sld [smem:$0x3FDB];
	s0 =	simm.s32 @p2 $0x1  }
0x17: {  	s4 =	simm.s32 $0x1BF5;
	[smem:$0x3FAF] =	sst s0  }
0x18: {  	s0 =	sld [smem:$0x3F92];
	_ =	swait.ge [sflag:s4], $0x0  }
0x19: {  	s7 =	sld [smem:$0x3F93]  }
0x1a: {  	s8 =	sadd.s32 $0xFFFFE003, lr  }
0x1b: {  	s9 =	sadd.s32 $0xFFFFFEF7, lr;
	s5 =	simm.s32 $0xFFFFFFFF;
	p2 =	slt.u32 s8, $0xFFFFF086  }
0x1c: {  	p1 =	slt.u32 s9, $0xF7A;
	s5 =	simm.s32 @!p2 $0x0  }
0x1d: {  	s5 =	simm.s32 @p1 $0x1;
	p0 =	seq.s32 s7, s2  }
0x1e: {  	s7 =	smul.u32 @!p0 $0xF7A, s2;
	p2 =	seq.s32 @!p0 s5, $0x0  }
0x1f: {  	s9 =	smul.u32 $0xF7A, s1;
	s8 =	simm.s32 @!p0 $0x1BF5;
	p2 =	por !p2, p0  }
0x20: {  	[sflag:s8] =	ssyncset.s32 @!p0 $0xFFFFF086;
	s6 =	sadd.s32 @!p0 s3, s7;
	s7 =	simm.s32 @!p0 $0x108  }
0x21: {  	s3 =	sadd.s32 s3, s9;
	s6 =	sadd.s32 @!p0 $0x88, s6;
	s7 =	simm.s32 @p2 $0x1082  }
0x22: {  	[simem:s7], [sflag:s8] =	dma.local @!p0 [hbm:s6], $0xF7A  }
0x23: {  	s9 =	sor.u32 $0xD0000000, s2;
	s6 =	simm.s32 $0x108;
	_ =	swait.ge @!p0 [sflag:s8], $0x0  }
0x24: {  	s3 =	sadd.s32 $0x88, s3;
	s6 =	simm.s32 @!p1 $0x1082;
	[sflag:s4] =	ssyncset.s32 $0xFFFFF086  }
0x25: {  	[simem:s6], [sflag:s4] =	dma.local [hbm:s3], $0xF7A  }
0x26: {  	[smem:$0x3F93] =	sst s1;
	(tag) =	ssettag s2;
	_ =	strace s9  }
0x27: {  	s1 =	sld [smem:$0x3FA3]  }
0x28: {  	s2 =	sld [smem:$0x3FA4]  }
0x29: {  	s4 =	sld [smem:$0x3FA6]  }
0x2a: {  	p0 =	seq.s32 s5, $0x0;
	s5 =	sld [smem:$0x3FA7]  }
0x2b: {  	s6 =	sld [smem:$0x3FA8]  }
0x2c: {  	s7 =	sld [smem:$0x3FA9]  }
0x2d: {  	s3 =	simm.s32 $0x108;
	s8 =	sld [smem:$0x3FAA]  }
0x2e: {  	s3 =	simm.s32 @!p0 $0x1082;
	s9 =	sld [smem:$0x3FAB]  }
0x2f: {  	lr =	sadd.s32 s0, s3;
	s0 =	sld [smem:$0x3FA2]  }
0x30: {  	s3 =	sld [smem:$0x3FA5]  }
0x31: {  	[smem:$0x3FAE] =	sst s10  }
0x32: {  	s10 =	sld [smem:$0x3FAC];
	_ =	sdelay $0x3  }
0x33: {  	p0 =	seq.s32 s10, $0x1;
	s10 =	sld [smem:$0x3FAE];
	_ =	sdelay $0x3  }
0x34: {  	[smem:$0x3FAE] =	sst s10  }
0x35: {  	s10 =	sld [smem:$0x3FAD];
	_ =	sdelay $0x3  }
0x36: {  	p1 =	seq.s32 s10, $0x1;
	s10 =	sld [smem:$0x3FAE];
	_ =	sdelay $0x3  }
0x37: {  	[smem:$0x3FAE] =	sst s10  }
0x38: {  	s10 =	sld [smem:$0x3FAF]  }
0x39: {  	_ = 	snop;
	(pc) =	sbr.ind lr, $3  }
0x3a: {  	_ = 	snop  }
0x3b: {  	_ = 	snop  }
0x3c: {  	p2 =	seq.s32 s10, $0x1;
	s10 =	sld [smem:$0x3FAE]  }
0x3d: {  	_ =	shalt  }
0x3e: {  	_ =	shalt  }
0x3f: {  	_ =	shalt  }
0x40: {  	_ =	shalt  }
0x41: {  	_ =	shalt  }
0x42: {  	_ =	shalt  }
0x43: {  	_ =	shalt  }
0x44: {  	_ =	shalt  }
0x45: {  	_ =	shalt  }
0x46: {  	_ =	shalt  }
0x47: {  	_ =	shalt  }
0x48: {  	_ =	shalt  }
0x49: {  	_ =	shalt  }
0x4a: {  	_ =	shalt  }
0x4b: {  	_ =	shalt  }
0x4c: {  	_ =	shalt  }
0x4d: {  	_ =	shalt  }
0x4e: {  	_ =	shalt  }
0x4f: {  	_ =	shalt  }
0x50: {  	_ =	shalt  }
0x51: {  	_ =	shalt  }
0x52: {  	_ =	shalt  }
0x53: {  	_ =	shalt  }
0x54: {  	_ =	shalt  }
0x55: {  	_ =	shalt  }
0x56: {  	_ =	shalt  }
0x57: {  	_ =	shalt  }
0x58: {  	_ =	shalt  }
0x59: {  	_ =	shalt  }
0x5a: {  	_ =	shalt  }
0x5b: {  	_ =	shalt  }
0x5c: {  	_ =	shalt  }
0x5d: {  	_ =	shalt  }
0x5e: {  	_ =	shalt  }
0x5f: {  	_ =	shalt  }
0x60: {  	_ =	shalt  }
0x61: {  	_ =	shalt  }
0x62: {  	_ =	shalt  }
0x63: {  	_ =	shalt  }
0x64: {  	_ =	shalt  }
0x65: {  	_ =	shalt  }
0x66: {  	_ =	shalt  }
0x67: {  	_ =	shalt  }
0x68: {  	_ =	shalt  }
0x69: {  	_ =	shalt  }
0x6a: {  	_ =	shalt  }
0x6b: {  	_ =	shalt  }
0x6c: {  	_ =	shalt  }
0x6d: {  	_ =	shalt  }
0x6e: {  	_ =	shalt  }
0x6f: {  	_ =	shalt  }
0x70: {  	_ =	shalt  }
0x71: {  	_ =	shalt  }
0x72: {  	_ =	shalt  }
0x73: {  	_ =	shalt  }
0x74: {  	_ =	shalt  }
0x75: {  	_ =	shalt  }
0x76: {  	_ =	shalt  }
0x77: {  	_ =	shalt  }
0x78: {  	_ =	shalt  }
0x79: {  	_ =	shalt  }
0x7a: {  	_ =	shalt  }
0x7b: {  	_ =	shalt  }
0x7c: {  	_ =	shalt  }
0x7d: {  	_ =	shalt  }
0x7e: {  	_ =	shalt  }
0x7f: {  	_ =	shalt  }
0x80: {  	_ =	shalt  }
0x81: {  	_ =	shalt  }
0x82: {  	_ =	shalt  }
0x83: {  	_ =	shalt  }
0x84: {  	_ =	shalt  }
0x85: {  	_ =	shalt  }
0x86: {  	_ =	shalt  }
0x87: {  	_ =	shalt  }
.Lfunc_end0:
.L_simem_size_0:
called_computation_lowered:
.L_overlay_start_0:
0x88: {  	s2 =	sld [smem:$0x3FD9]  }
0x89: {  	s3 =	sld [smem:$0x3FFE];
	_ =	sdelay $0x1  }
0x8a: {  	s1 =	srdreg.scid  }
0x8b: {  	s0 =	sand.u32 $0x1, s1  }
0x8c: {  	s17 =	sshll.u32 s0, $0xA;
	s2 =	sadd.s32 s3, s2  }
0x8d: {  	s2 =	sadd.s32 s2, s17  }
0x8e: {  	[smem:$0x3FBA] =	sst s2  }
0x8f: {  	_ = 	snop  }
0x90: {  	s2 =	sld [smem:$0x3FD0];
	(tm) =	ssettm $0x1  }
0x91: {  	s18 =	sld [smem:$0x3FFB];
	_ =	sdelay $0x3  }
0x92: {  	_ =	strace s18  }
0x93: {  	s3 =	sld [smem:$0x3FFC];
	_ =	sdelay $0x3  }
0x94: {  	_ =	strace s3  }
0x95: {  	s3 =	sld [smem:$0x3FFD];
	_ =	sdelay $0x3  }
0x96: {  	_ =	strace s3  }
0x97: {  	_ =	strace $0x8FFFFFFF  }
0x98: {  	s19 =	sld [smem:$0x3FDB];
	_ =	sdelay $0x1  }
0x99: {  	s4 =	simm.s32 $_scs_section_size  }
0x9a: {  	s5 =	simm.s32 $_size__tile_overlayer_lowered;
	s6 =	simm.s32 $_tile_overlayer_lowered  }
0x9b: {  	s22 =	simm.s32 $0x1BFF;
	s21 =	sshll.u32 s6, $0x1;
	s3 =	sadd.s32 s4, s19  }
0x9c: {  	s7 =	simm.s32 $0x0;
	s20 =	sshll.u32 s5, $0x1;
	s5 =	sadd.s32 s21, s3  }
0x9d: {  	[timem:s7], [sflag:s22] =	dma.local [hbm:s5], s20  }
0x9e: {  	_ =	swait.ge [sflag:s22], s20  }
0x9f: {  	s4 =	ssub.s32 $0x0, s20;
	[sflag:s22] =	ssyncset.done $0x0  }
0xa0: {  	[sflag:s22] =	ssyncadd.s32 s4;
	_ =	sdelay $0x1  }
0xa1: {  	s23 =	simm.s32 $0x1B8B  }
0xa2: {  	_ =	swait.ge [sflag:s23], $0x1  }
0xa3: {  	[sflag:s23] =	ssyncset.done $0x0  }
0xa4: {  	s25 =	simm.s32 $0x1B8E;
	s24 =	sld [smem:$0x3FFE];
	[sflag:s23] =	ssyncadd.s32 $0xFFFFFFFF  }
0xa5: {  	s26 =	simm.s32 $execute0_lowered;
	[smem:$0x3FD2] =	sst s25  }
0xa6: {  	s5 =	sshll.u32 s26, $0x1;
	_ =	strace $0x80000046;
	[dreg:$0x1] =	wrdreg $0xFFFFFFFF  }
0xa7: {  	s28 =	simm.s32 $_size_execute0_lowered;
	s3 =	sadd.s32 s3, s5;
	[dreg:$0x0] =	wrdreg $0x0  }
0xa8: {  	s5 =	sshll.u32 s28, $0x1;
	[dreg:$0x2] =	wrdreg s3  }
0xa9: {  	[dreg:$0x3] =	wrdreg s5  }
0xaa: {  	[dreg:$0x4] =	wrdreg $0xC0  }
0xab: {  	_ =	task [dreg:s7], $0x5FFFF  }
0xac: {  	[dreg:$0x1] =	wrdreg $0xFFFFFFFF  }
0xad: {  	[dreg:$0x0] =	wrdreg $0x60  }
0xae: {  	[dreg:$0x2] =	wrdreg s24  }
0xaf: {  	[dreg:$0x3] =	wrdreg s2  }
0xb0: {  	[dreg:$0x4] =	wrdreg $0x53200  }
0xb1: {  	[dreg:$0x5] =	wrdreg $0x9  }
0xb2: {  	_ =	task.clear_ibuf [dreg:s7], $0x6FFFF;
	_ =	strace $0x90000046  }
0xb3: {  	s29 =	simm.s32 $0x9;
	_ =	strace $0x80000048  }
0xb4: {  	_ =	swait.ge [sflag:s29], $0x1  }
0xb5: {  	[sflag:s29] =	ssyncadd.s32 $0xFFFFFFFF  }
0xb6: {  	_ =	strace $0x90000048  }
0xb7: {  	_ =	sfence  }
0xb8: {  	s30 =	sld [smem:$0x0];
	_ =	sdelay $0x2  }
0xb9: {  	s31 =	sshll.u32 s1, $0xD;
	s1 =	sshrl.u32 s1, $0x2  }
0xba: {  	s3 =	sand.u32 $0x4000, s31;
	s1 =	sadd.s32 s1, s30  }
0xbb: {  	s0 =	sor.u32 s3, s0;
	s1 =	sshll.u32 s1, $0x11  }
0xbc: {  	s0 =	sor.u32 s1, s0  }
0xbd: {  	s0 =	sadd.s32 $0x8F2B, s0  }
0xbe: {  	[sflag:s0] =	ssyncadd.remote.s32 $0x1  }
0xbf: {  	_ =	sfence.sel $0xFFFF  }
0xc0: {  	[dreg:$0x0] =	wrdreg $0xFFFFFFFF;
	(pc) =	sbr.abs _section_cstart, $3  }
0xc1: {  	[dreg:$0x1] =	wrdreg $0xFFFFFFFF  }
0xc2: {  	_ =	task.clear_ibuf [dreg:s7], $0x2FFFF;
	_ =	strace $0x9FFFFFFF  }
0xc3: {  	(tm) =	ssettm $0x7FFFFFFF  }
tec
execute0_lowered:
.L_overlay_start_1:
0x0: {  	(tag) =	ssettag $0x1  }
0x1: {  	s3 =	rddreg [dreg:$0x0]  }
0x2: {  	s0 =	rddreg [dreg:$0x1]  }
0x3: {  	s1 =	srdreg.scid;
	s2 =	rddreg [dreg:$0x2]  }
0x4: {  	s10 =	simm.s32 $0x0;
	s21 =	simm.s32 $0x1F8;
	[dreg:$0x4] =	wrdreg s0  }
0x5: {  	s4 =	sand.u32 $0x1, s1;
	s1 =	stileid.u32;
	s0 =	rddreg [dreg:$0x3]  }
0x6: {  	s22 =	simm.s32 $0x3F0;
	[smem:$0x7FF] =	sst s10;
	s6 =	smul.u32 $0x3200, s1  }
0x7: {  	s5 =	sshll.u32 s4, $0x4;
	s9 =	ssub.s32 $0x2, s4;
	s4 =	smul.u32 $0x27100, s4  }
0x8: {  	s7 =	sadd.s32 $0xE600, s3;
	s8 =	sor.u32 $0x10, s1;
	s29 =	smul.u32 $0xC80, s1  }
0x9: {  	_ =	strace $0x80000047;
	s11 =	sor.u32 $0x20, s1;
	s23 =	smul.u32 $0x3200, s8  }
0xa: {  	[dreg:$0x5] =	wrdreg s7;
	s13 =	sor.u32 $0x30, s1;
	s12 =	smul.u32 $0x3200, s11  }
0xb: {  	p1 =	por $0x0, $0x0;
	[dreg:$0xf] =	wrdreg s21;
	s25 =	smul.u32 $0x3200, s13  }
0xc: {  	p0 =	sgt.u32 s1, $0x1;
	[dreg:$0x10] =	wrdreg s22;
	s8 =	smul.u32 $0xC80, s8  }
0xd: {  	s22 =	simm.s32 $0xFC0;
	s21 =	simm.s32 $0x11B8;
	s15 =	smul.u32 $0xC80, s11  }
0xe: {  	s5 =	sor.u32 s1, s5;
	s14 =	sshrl.u32 s9, $0x1;
	s17 =	smul.u32 $0xC80, s13  }
0xf: {  	s31 =	rddreg [dreg:$0x4];
	s5 =	smul.u32 $0x4EC, s5;
	s6 =	sshrl.u32 s6, $0x2  }
0x10: {  	s9 =	ssub.s32 s9, s14;
	s6 =	sadd.s32 s6, s2;
	s7 =	sshrl.u32 s23, $0x2  }
0x11: {  	s26 =	sshrl.u32 s12, $0x2;
	s12 =	sadd.s32 s29, s4;
	s16 =	sadd.s32 s4, s8  }
0x12: {  	s19 =	sadd.s32 s4, s15;
	s4 =	sadd.s32 s4, s17;
	s13 =	sadd.s32 s15, s2  }
0x13: {  	s23 =	simm.s32 $0x5E8;
	s15 =	simm.s32 $0x1D88;
	s5 =	sadd.s32 s5, s3  }
0x14: {  	[dreg:$0x6] =	wrdreg s6;
	s24 =	sadd.s32 s7, s2;
	s6 =	sadd.s32 s26, s2  }
0x15: {  	s7 =	sshrl.u32 s25, $0x2;
	s3 =	sadd.s32 $0xE800, s3;
	s14 =	sshrl.u32 s12, $0x3  }
0x16: {  	s18 =	sshrl.u32 s16, $0x3;
	s11 =	sshrl.u32 s19, $0x3;
	s4 =	sshrl.u32 s4, $0x3  }
0x17: {  	s26 =	sadd.s32 s17, s2;
	[dreg:$0x11] =	wrdreg s23;
	s25 =	simm.s32 $0x46A0  }
0x18: {  	s23 =	simm.s32 $0xDC8;
	s19 =	simm.s32 $0x15A8;
	s17 =	simm.s32 $0x1998  }
0x19: {  	s16 =	simm.s32 $0x1B90;
	s12 =	simm.s32 $0x2178;
	[dreg:$0x7] =	wrdreg s24  }
0x1a: {  	[dreg:$0x8] =	wrdreg s6;
	s28 =	sadd.s32 s7, s2;
	s5 =	sadd.s32 $0x4800, s5  }
0x1b: {  	s20 =	sadd.s32 s3, s11;
	s7 =	sadd.s32 s29, s2;
	[dreg:$0x9] =	wrdreg s28  }
0x1c: {  	s24 =	simm.s32 $0x7E0;
	s29 =	simm.s32 $0x9D8;
	[dreg:$0xa] =	wrdreg s5  }
0x1d: {  	s6 =	simm.s32 $0x1F4;
	s11 =	simm.s32 $0x2370;
	[dreg:$0xd] =	wrdreg s20  }
0x1e: {  	s5 =	sadd.s32 s3, s14;
	s28 =	smax.u32 s9, $0x1;
	[dreg:$0x12] =	wrdreg s24  }
0x1f: {  	[dreg:$0x13] =	wrdreg s29;
	s24 =	simm.s32 $0xBD0;
	s30 =	sadd.s32 $0xFFFFFFFF, s28  }
0x20: {  	s20 =	simm.s32 $0x13B0;
	s14 =	simm.s32 $0x1F80;
	p2 =	sne.s32 s30, $0x0  }
.Ltmp0:
0x21: {  	s9 =	sshrl.u32 s7, $0x3;
	s7 =	sshrl.u32 s13, $0x3;
	(pc) =	sbr.rel @!p2 .LBB2_1-.Ltmp0, $4  }
0x22: {  	s13 =	simm.s32 $0x2568;
	[dreg:$0xb] =	wrdreg s5;
	s5 =	sadd.s32 s3, s18  }
0x23: {  	s3 =	sadd.s32 s3, s4;
	s4 =	simm.s32 $0x2760;
	[dreg:$0xc] =	wrdreg s5  }
0x24: {  	s18 =	simm.s32 $0x17A0;
	s5 =	sadd.s32 s8, s2;
	[dreg:$0xe] =	wrdreg s3  }
0x25: {  	s3 =	simm.s32 $0x1;
	s8 =	sshrl.u32 s5, $0x3;
	s5 =	sshrl.u32 @!p0 s26, $0x3  }
0x26: {  	[tilespmem:s4], [sflag:$0x1] =	stream.linear.gather [hbm4b:s31+s10], $0x1F40, $0x38;
	[tilespmem:$0x7A30] =	vst v63  }
0x27: {  	_ =	swait.ge [sflag:s3], $0x1F40  }
0x28: {  	[sflag:s3] =	ssyncset.done $0x0  }
0x29: {  	s26 =	rddreg [dreg:$0x5];
	[sflag:s3] =	ssyncadd.s32 $0xFFFFE0C0  }
0x2a: {  	[tilespmem:s25], [sflag:$0x1] =	stream.linear.gather [hbm4b:s26+s10], $0xC80, $0x38;
	[tilespmem:$0x7A30] =	vst v63  }
0x2b: {  	_ =	swait.ge [sflag:s3], $0xC80  }
0x2c: {  	[sflag:s3] =	ssyncset.done $0x0  }
0x2d: {  	s26 =	rddreg [dreg:$0x6];
	[sflag:s3] =	ssyncadd.s32 $0xFFFFF380  }
0x2e: {  	[spmem:s26] =	stream.linear.scatter [tilespmem:s25], [sflag:$0x1], $0xC80, $0x38;
	[tilespmem:$0x7A30] =	vst v63  }
0x2f: {  	_ =	swait.ge [sflag:s3], $0xC80  }
0x30: {  	[sflag:s3] =	ssyncset.done $0x0  }
0x31: {  	s26 =	rddreg [dreg:$0x7];
	[sflag:s3] =	ssyncadd.s32 $0xFFFFF380  }
0x32: {  	[spmem:s26] =	stream.linear.scatter [tilespmem:s25], [sflag:$0x1], $0xC80, $0x38;
	[tilespmem:$0x7A30] =	vst v63  }
0x33: {  	_ =	swait.ge [sflag:s3], $0xC80  }
0x34: {  	[sflag:s3] =	ssyncset.done $0x0  }
0x35: {  	s26 =	rddreg [dreg:$0x8];
	[sflag:s3] =	ssyncadd.s32 $0xFFFFF380  }
0x36: {  	[spmem:s26] =	stream.linear.scatter [tilespmem:s25], [sflag:$0x1], $0xC80, $0x38;
	[tilespmem:$0x7A30] =	vst v63  }
0x37: {  	_ =	swait.ge [sflag:s3], $0xC80  }
0x38: {  	s28 =	simm.s32 @!p0 $0x46A0;
	[sflag:s3] =	ssyncset.done $0x0  }
0x39: {  	s26 =	simm.s32 @!p0 $0x1;
	s29 =	rddreg [dreg:$0x9];
	[sflag:s3] =	ssyncadd.s32 $0xFFFFF380  }
0x3a: {  	[spmem:s29] =	stream.linear.scatter @!p0 [tilespmem:s28], [sflag:$0x1], $0xC80, $0x38;
	[tilespmem:$0x7A30] =	vst v63  }
0x3b: {  	_ =	swait.ge @!p0 [sflag:s26], $0xC80  }
0x3c: {  	[sflag:s26] =	ssyncset.done @!p0 $0x0  }
0x3d: {  	s29 =	rddreg [dreg:$0xa];
	[sflag:s26] =	ssyncadd.s32 @!p0 $0xFFFFF380  }
0x3e: {  	[tilespmem:s10], [sflag:$0x1] =	stream.linear.gather [hbm4b:s29+s10], $0x2760, $0x38;
	[tilespmem:$0x7A30] =	vst v63  }
0x3f: {  	_ =	swait.ge [sflag:s3], $0x2760  }
0x40: {  	[sflag:s3] =	ssyncset.done $0x0  }
0x41: {  	[sflag:s3] =	ssyncadd.s32 $0xFFFFD8A0  }
0x42: {  	[bflag:$0x0] =	sbarrier.arrive $0xFFFF  }
0x43: {  	[spmem:s2] =	stream.indirect.scatter.add.f32 [tilespmem:s4], [sflag:$0x1], $0x10, s10, s6, $0xb8;
	[tilespmem:$0x7A30] =	vst v63  }
0x44: {  	_ =	swait.ge [sflag:s3], $0x1F40  }
0x45: {  	[sflag:s3] =	ssyncset.done $0x0  }
0x46: {  	s29 =	rddreg [dreg:$0xf];
	[sflag:s3] =	ssyncadd.s32 $0xFFFFE0C0  }
0x47: {  	[spmem:s2] =	stream.indirect.scatter.add.f32 [tilespmem:s4], [sflag:$0x1], $0x10, s29, s6, $0xb8;
	[tilespmem:$0x7A30] =	vst v63  }
0x48: {  	_ =	swait.ge [sflag:s3], $0x1F40  }
0x49: {  	[sflag:s3] =	ssyncset.done $0x0  }
0x4a: {  	s29 =	rddreg [dreg:$0x10];
	[sflag:s3] =	ssyncadd.s32 $0xFFFFE0C0  }
0x4b: {  	[spmem:s2] =	stream.indirect.scatter.add.f32 [tilespmem:s4], [sflag:$0x1], $0x10, s29, s6, $0xb8;
	[tilespmem:$0x7A30] =	vst v63  }
0x4c: {  	_ =	swait.ge [sflag:s3], $0x1F40  }
0x4d: {  	[sflag:s3] =	ssyncset.done $0x0  }
0x4e: {  	s29 =	rddreg [dreg:$0x11];
	[sflag:s3] =	ssyncadd.s32 $0xFFFFE0C0  }
0x4f: {  	[spmem:s2] =	stream.indirect.scatter.add.f32 [tilespmem:s4], [sflag:$0x1], $0x10, s29, s6, $0xb8;
	[tilespmem:$0x7A30] =	vst v63  }
0x50: {  	_ =	swait.ge [sflag:s3], $0x1F40  }
0x51: {  	[sflag:s3] =	ssyncset.done $0x0  }
0x52: {  	s29 =	rddreg [dreg:$0x12];
	[sflag:s3] =	ssyncadd.s32 $0xFFFFE0C0  }
0x53: {  	[spmem:s2] =	stream.indirect.scatter.add.f32 [tilespmem:s4], [sflag:$0x1], $0x10, s29, s6, $0xb8;
	[tilespmem:$0x7A30] =	vst v63  }
0x54: {  	_ =	swait.ge [sflag:s3], $0x1F40  }
0x55: {  	[sflag:s3] =	ssyncset.done $0x0  }
0x56: {  	s29 =	rddreg [dreg:$0x13];
	[sflag:s3] =	ssyncadd.s32 $0xFFFFE0C0  }
0x57: {  	[spmem:s2] =	stream.indirect.scatter.add.f32 [tilespmem:s4], [sflag:$0x1], $0x10, s29, s6, $0xb8;
	[tilespmem:$0x7A30] =	vst v63  }
0x58: {  	_ =	swait.ge [sflag:s3], $0x1F40  }
0x59: {  	[sflag:s3] =	ssyncset.done $0x0  }
0x5a: {  	[sflag:s3] =	ssyncadd.s32 $0xFFFFE0C0  }
0x5b: {  	[spmem:s2] =	stream.indirect.scatter.add.f32 [tilespmem:s4], [sflag:$0x1], $0x10, s24, s6, $0xb8;
	[tilespmem:$0x7A30] =	vst v63  }
0x5c: {  	_ =	swait.ge [sflag:s3], $0x1F40  }
0x5d: {  	[sflag:s3] =	ssyncset.done $0x0  }
0x5e: {  	[sflag:s3] =	ssyncadd.s32 $0xFFFFE0C0  }
0x5f: {  	[spmem:s2] =	stream.indirect.scatter.add.f32 [tilespmem:s4], [sflag:$0x1], $0x10, s23, s6, $0xb8;
	[tilespmem:$0x7A30] =	vst v63  }
0x60: {  	_ =	swait.ge [sflag:s3], $0x1F40  }
0x61: {  	[sflag:s3] =	ssyncset.done $0x0  }
0x62: {  	[sflag:s3] =	ssyncadd.s32 $0xFFFFE0C0  }
0x63: {  	[spmem:s2] =	stream.indirect.scatter.add.f32 [tilespmem:s4], [sflag:$0x1], $0x10, s22, s6, $0xb8;
	[tilespmem:$0x7A30] =	vst v63  }
0x64: {  	_ =	swait.ge [sflag:s3], $0x1F40  }
0x65: {  	[sflag:s3] =	ssyncset.done $0x0  }
0x66: {  	[sflag:s3] =	ssyncadd.s32 $0xFFFFE0C0  }
0x67: {  	[spmem:s2] =	stream.indirect.scatter.add.f32 [tilespmem:s4], [sflag:$0x1], $0x10, s21, s6, $0xb8;
	[tilespmem:$0x7A30] =	vst v63  }
0x68: {  	_ =	swait.ge [sflag:s3], $0x1F40  }
0x69: {  	[sflag:s3] =	ssyncset.done $0x0  }
0x6a: {  	[sflag:s3] =	ssyncadd.s32 $0xFFFFE0C0  }
0x6b: {  	[spmem:s2] =	stream.indirect.scatter.add.f32 [tilespmem:s4], [sflag:$0x1], $0x10, s20, s6, $0xb8;
	[tilespmem:$0x7A30] =	vst v63  }
0x6c: {  	_ =	swait.ge [sflag:s3], $0x1F40  }
0x6d: {  	[sflag:s3] =	ssyncset.done $0x0  }
0x6e: {  	[sflag:s3] =	ssyncadd.s32 $0xFFFFE0C0  }
0x6f: {  	[spmem:s2] =	stream.indirect.scatter.add.f32 [tilespmem:s4], [sflag:$0x1], $0x10, s19, s6, $0xb8;
	[tilespmem:$0x7A30] =	vst v63  }
0x70: {  	_ =	swait.ge [sflag:s3], $0x1F40  }
0x71: {  	[sflag:s3] =	ssyncset.done $0x0  }
0x72: {  	[sflag:s3] =	ssyncadd.s32 $0xFFFFE0C0  }
0x73: {  	[spmem:s2] =	stream.indirect.scatter.add.f32 [tilespmem:s4], [sflag:$0x1], $0x10, s18, s6, $0xb8;
	[tilespmem:$0x7A30] =	vst v63  }
0x74: {  	_ =	swait.ge [sflag:s3], $0x1F40  }
0x75: {  	[sflag:s3] =	ssyncset.done $0x0  }
0x76: {  	[sflag:s3] =	ssyncadd.s32 $0xFFFFE0C0  }
0x77: {  	[spmem:s2] =	stream.indirect.scatter.add.f32 [tilespmem:s4], [sflag:$0x1], $0x10, s17, s6, $0xb8;
	[tilespmem:$0x7A30] =	vst v63  }
0x78: {  	_ =	swait.ge [sflag:s3], $0x1F40  }
0x79: {  	[sflag:s3] =	ssyncset.done $0x0  }
0x7a: {  	[sflag:s3] =	ssyncadd.s32 $0xFFFFE0C0  }
0x7b: {  	[spmem:s2] =	stream.indirect.scatter.add.f32 [tilespmem:s4], [sflag:$0x1], $0x10, s16, s6, $0xb8;
	[tilespmem:$0x7A30] =	vst v63  }
0x7c: {  	_ =	swait.ge [sflag:s3], $0x1F40  }
0x7d: {  	[sflag:s3] =	ssyncset.done $0x0  }
0x7e: {  	[sflag:s3] =	ssyncadd.s32 $0xFFFFE0C0  }
0x7f: {  	[spmem:s2] =	stream.indirect.scatter.add.f32 [tilespmem:s4], [sflag:$0x1], $0x10, s15, s6, $0xb8;
	[tilespmem:$0x7A30] =	vst v63  }
0x80: {  	_ =	swait.ge [sflag:s3], $0x1F40  }
0x81: {  	[sflag:s3] =	ssyncset.done $0x0  }
0x82: {  	[sflag:s3] =	ssyncadd.s32 $0xFFFFE0C0  }
0x83: {  	[spmem:s2] =	stream.indirect.scatter.add.f32 [tilespmem:s4], [sflag:$0x1], $0x10, s14, s6, $0xb8;
	[tilespmem:$0x7A30] =	vst v63  }
0x84: {  	_ =	swait.ge [sflag:s3], $0x1F40  }
0x85: {  	[sflag:s3] =	ssyncset.done $0x0  }
0x86: {  	[sflag:s3] =	ssyncadd.s32 $0xFFFFE0C0  }
0x87: {  	[spmem:s2] =	stream.indirect.scatter.add.f32 [tilespmem:s4], [sflag:$0x1], $0x10, s12, s6, $0xb8;
	[tilespmem:$0x7A30] =	vst v63  }
0x88: {  	_ =	swait.ge [sflag:s3], $0x1F40  }
0x89: {  	[sflag:s3] =	ssyncset.done $0x0  }
0x8a: {  	[sflag:s3] =	ssyncadd.s32 $0xFFFFE0C0  }
0x8b: {  	[spmem:s2] =	stream.indirect.scatter.add.f32 [tilespmem:s4], [sflag:$0x1], $0x10, s11, s6, $0xb8;
	[tilespmem:$0x7A30] =	vst v63  }
0x8c: {  	_ =	swait.ge [sflag:s3], $0x1F40  }
0x8d: {  	[sflag:s3] =	ssyncset.done $0x0  }
0x8e: {  	[sflag:s3] =	ssyncadd.s32 $0xFFFFE0C0  }
0x8f: {  	[spmem:s2] =	stream.indirect.scatter.add.f32 [tilespmem:s4], [sflag:$0x1], $0x10, s13, s6, $0xb8;
	[tilespmem:$0x7A30] =	vst v63  }
0x90: {  	_ =	swait.ge [sflag:s3], $0x1F40  }
0x91: {  	[sflag:s3] =	ssyncset.done $0x0  }
0x92: {  	[sflag:s3] =	ssyncadd.s32 $0xFFFFE0C0  }
0x93: {  	s29 =	sshll.u32 s1, $0x6;
	[bflag:$0x0] =	sbarrier.arrive $0xFFFF  }
0x94: {  	s29 =	sor.u32 $0x1C01, s29;
	s31 =	rddreg [dreg:$0xb]  }
0x95: {  	[hbm:s31], [sflag:s29] =	dma.local [spmem:s9], $0x190  }
0x96: {  	_ =	swait.ge [sflag:s3], $0x190  }
0x97: {  	[sflag:s3] =	ssyncset.done $0x0  }
0x98: {  	s31 =	rddreg [dreg:$0xc];
	[sflag:s3] =	ssyncadd.s32 $0xFFFFFE70  }
0x99: {  	[hbm:s31], [sflag:s29] =	dma.local [spmem:s8], $0x190  }
0x9a: {  	_ =	swait.ge [sflag:s3], $0x190  }
0x9b: {  	[sflag:s3] =	ssyncset.done $0x0  }
0x9c: {  	s30 =	sadd.s32 $0xFFFFFFFF, s30;
	s31 =	rddreg [dreg:$0xd];
	[sflag:s3] =	ssyncadd.s32 $0xFFFFFE70  }
0x9d: {  	[hbm:s31], [sflag:s29] =	dma.local [spmem:s7], $0x190  }
0x9e: {  	p2 =	sne.s32 s30, $0x0;
	_ =	swait.ge [sflag:s3], $0x190  }
.Ltmp1:
0x9f: {  	[sflag:s3] =	ssyncset.done $0x0;
	(pc) =	sbr.rel @!p2 .LBB2_4-.Ltmp1, $4  }
0xa0: {  	s31 =	rddreg [dreg:$0xe];
	[sflag:s3] =	ssyncadd.s32 $0xFFFFFE70  }
0xa1: {  	[hbm:s31], [sflag:s29] =	dma.local @!p0 [spmem:s5], $0x190  }
0xa2: {  	_ =	swait.ge @!p0 [sflag:s26], $0x190  }
0xa3: {  	p1 =	por $0x1, $0x1;
	s31 =	rddreg [dreg:$0x4];
	[sflag:s26] =	ssyncset.done @!p0 $0x0  }
.LBB2_3:
0xa4: {  	[sflag:s26] =	ssyncadd.s32 @!p0 $0xFFFFFE70  }
0xa5: {  	[tilespmem:s4], [sflag:$0x1] =	stream.linear.gather [hbm4b:s31+s10], $0x1F40, $0x38;
	[tilespmem:$0x7A30] =	vst v63  }
0xa6: {  	_ =	swait.ge [sflag:s3], $0x1F40  }
0xa7: {  	[sflag:s3] =	ssyncset.done $0x0  }
0xa8: {  	s31 =	rddreg [dreg:$0x5];
	[sflag:s3] =	ssyncadd.s32 $0xFFFFE0C0  }
0xa9: {  	[tilespmem:s25], [sflag:$0x1] =	stream.linear.gather [hbm4b:s31+s10], $0xC80, $0x38;
	[tilespmem:$0x7A30] =	vst v63  }
0xaa: {  	_ =	swait.ge [sflag:s3], $0xC80  }
0xab: {  	[sflag:s3] =	ssyncset.done $0x0  }
0xac: {  	s31 =	rddreg [dreg:$0x6];
	[sflag:s3] =	ssyncadd.s32 $0xFFFFF380  }
0xad: {  	[spmem:s31] =	stream.linear.scatter [tilespmem:s25], [sflag:$0x1], $0xC80, $0x38;
	[tilespmem:$0x7A30] =	vst v63  }
0xae: {  	_ =	swait.ge [sflag:s3], $0xC80  }
0xaf: {  	[sflag:s3] =	ssyncset.done $0x0  }
0xb0: {  	s31 =	rddreg [dreg:$0x7];
	[sflag:s3] =	ssyncadd.s32 $0xFFFFF380  }
0xb1: {  	[spmem:s31] =	stream.linear.scatter [tilespmem:s25], [sflag:$0x1], $0xC80, $0x38;
	[tilespmem:$0x7A30] =	vst v63  }
0xb2: {  	_ =	swait.ge [sflag:s3], $0xC80  }
0xb3: {  	[sflag:s3] =	ssyncset.done $0x0  }
0xb4: {  	s31 =	rddreg [dreg:$0x8];
	[sflag:s3] =	ssyncadd.s32 $0xFFFFF380  }
0xb5: {  	[spmem:s31] =	stream.linear.scatter [tilespmem:s25], [sflag:$0x1], $0xC80, $0x38;
	[tilespmem:$0x7A30] =	vst v63  }
0xb6: {  	_ =	swait.ge [sflag:s3], $0xC80  }
0xb7: {  	[sflag:s3] =	ssyncset.done $0x0  }
0xb8: {  	s31 =	rddreg [dreg:$0x9];
	[sflag:s3] =	ssyncadd.s32 $0xFFFFF380  }
0xb9: {  	[spmem:s31] =	stream.linear.scatter @!p0 [tilespmem:s28], [sflag:$0x1], $0xC80, $0x38;
	[tilespmem:$0x7A30] =	vst v63  }
0xba: {  	_ =	swait.ge @!p0 [sflag:s26], $0xC80  }
0xbb: {  	[sflag:s26] =	ssyncset.done @!p0 $0x0  }
0xbc: {  	s31 =	rddreg [dreg:$0xa];
	[sflag:s26] =	ssyncadd.s32 @!p0 $0xFFFFF380  }
0xbd: {  	[tilespmem:s10], [sflag:$0x1] =	stream.linear.gather [hbm4b:s31+s10], $0x2760, $0x38;
	[tilespmem:$0x7A30] =	vst v63  }
0xbe: {  	_ =	swait.ge [sflag:s3], $0x2760  }
0xbf: {  	[sflag:s3] =	ssyncset.done $0x0  }
0xc0: {  	[sflag:s3] =	ssyncadd.s32 $0xFFFFD8A0  }
0xc1: {  	[bflag:$0x0] =	sbarrier.arrive $0xFFFF  }
0xc2: {  	[spmem:s2] =	stream.indirect.scatter.add.f32 [tilespmem:s4], [sflag:$0x1], $0x10, s10, s6, $0xb8;
	[tilespmem:$0x7A30] =	vst v63  }
0xc3: {  	_ =	swait.ge [sflag:s3], $0x1F40  }
0xc4: {  	[sflag:s3] =	ssyncset.done $0x0  }
0xc5: {  	s31 =	rddreg [dreg:$0xf];
	[sflag:s3] =	ssyncadd.s32 $0xFFFFE0C0  }
0xc6: {  	[spmem:s2] =	stream.indirect.scatter.add.f32 [tilespmem:s4], [sflag:$0x1], $0x10, s31, s6, $0xb8;
	[tilespmem:$0x7A30] =	vst v63  }
0xc7: {  	_ =	swait.ge [sflag:s3], $0x1F40  }
0xc8: {  	[sflag:s3] =	ssyncset.done $0x0  }
0xc9: {  	s31 =	rddreg [dreg:$0x10];
	[sflag:s3] =	ssyncadd.s32 $0xFFFFE0C0  }
0xca: {  	[spmem:s2] =	stream.indirect.scatter.add.f32 [tilespmem:s4], [sflag:$0x1], $0x10, s31, s6, $0xb8;
	[tilespmem:$0x7A30] =	vst v63  }
0xcb: {  	_ =	swait.ge [sflag:s3], $0x1F40  }
0xcc: {  	[sflag:s3] =	ssyncset.done $0x0  }
0xcd: {  	s31 =	rddreg [dreg:$0x11];
	[sflag:s3] =	ssyncadd.s32 $0xFFFFE0C0  }
0xce: {  	[spmem:s2] =	stream.indirect.scatter.add.f32 [tilespmem:s4], [sflag:$0x1], $0x10, s31, s6, $0xb8;
	[tilespmem:$0x7A30] =	vst v63  }
0xcf: {  	_ =	swait.ge [sflag:s3], $0x1F40  }
0xd0: {  	[sflag:s3] =	ssyncset.done $0x0  }
0xd1: {  	s31 =	rddreg [dreg:$0x12];
	[sflag:s3] =	ssyncadd.s32 $0xFFFFE0C0  }
0xd2: {  	[spmem:s2] =	stream.indirect.scatter.add.f32 [tilespmem:s4], [sflag:$0x1], $0x10, s31, s6, $0xb8;
	[tilespmem:$0x7A30] =	vst v63  }
0xd3: {  	_ =	swait.ge [sflag:s3], $0x1F40  }
0xd4: {  	[sflag:s3] =	ssyncset.done $0x0  }
0xd5: {  	s31 =	rddreg [dreg:$0x13];
	[sflag:s3] =	ssyncadd.s32 $0xFFFFE0C0  }
0xd6: {  	[spmem:s2] =	stream.indirect.scatter.add.f32 [tilespmem:s4], [sflag:$0x1], $0x10, s31, s6, $0xb8;
	[tilespmem:$0x7A30] =	vst v63  }
0xd7: {  	_ =	swait.ge [sflag:s3], $0x1F40  }
0xd8: {  	[sflag:s3] =	ssyncset.done $0x0  }
0xd9: {  	[sflag:s3] =	ssyncadd.s32 $0xFFFFE0C0  }
0xda: {  	[spmem:s2] =	stream.indirect.scatter.add.f32 [tilespmem:s4], [sflag:$0x1], $0x10, s24, s6, $0xb8;
	[tilespmem:$0x7A30] =	vst v63  }
0xdb: {  	_ =	swait.ge [sflag:s3], $0x1F40  }
0xdc: {  	[sflag:s3] =	ssyncset.done $0x0  }
0xdd: {  	[sflag:s3] =	ssyncadd.s32 $0xFFFFE0C0  }
0xde: {  	[spmem:s2] =	stream.indirect.scatter.add.f32 [tilespmem:s4], [sflag:$0x1], $0x10, s23, s6, $0xb8;
	[tilespmem:$0x7A30] =	vst v63  }
0xdf: {  	_ =	swait.ge [sflag:s3], $0x1F40  }
0xe0: {  	[sflag:s3] =	ssyncset.done $0x0  }
0xe1: {  	[sflag:s3] =	ssyncadd.s32 $0xFFFFE0C0  }
0xe2: {  	[spmem:s2] =	stream.indirect.scatter.add.f32 [tilespmem:s4], [sflag:$0x1], $0x10, s22, s6, $0xb8;
	[tilespmem:$0x7A30] =	vst v63  }
0xe3: {  	_ =	swait.ge [sflag:s3], $0x1F40  }
0xe4: {  	[sflag:s3] =	ssyncset.done $0x0  }
0xe5: {  	[sflag:s3] =	ssyncadd.s32 $0xFFFFE0C0  }
0xe6: {  	[spmem:s2] =	stream.indirect.scatter.add.f32 [tilespmem:s4], [sflag:$0x1], $0x10, s21, s6, $0xb8;
	[tilespmem:$0x7A30] =	vst v63  }
0xe7: {  	_ =	swait.ge [sflag:s3], $0x1F40  }
0xe8: {  	[sflag:s3] =	ssyncset.done $0x0  }
0xe9: {  	[sflag:s3] =	ssyncadd.s32 $0xFFFFE0C0  }
0xea: {  	[spmem:s2] =	stream.indirect.scatter.add.f32 [tilespmem:s4], [sflag:$0x1], $0x10, s20, s6, $0xb8;
	[tilespmem:$0x7A30] =	vst v63  }
0xeb: {  	_ =	swait.ge [sflag:s3], $0x1F40  }
0xec: {  	[sflag:s3] =	ssyncset.done $0x0  }
0xed: {  	[sflag:s3] =	ssyncadd.s32 $0xFFFFE0C0  }
0xee: {  	[spmem:s2] =	stream.indirect.scatter.add.f32 [tilespmem:s4], [sflag:$0x1], $0x10, s19, s6, $0xb8;
	[tilespmem:$0x7A30] =	vst v63  }
0xef: {  	_ =	swait.ge [sflag:s3], $0x1F40  }
0xf0: {  	[sflag:s3] =	ssyncset.done $0x0  }
0xf1: {  	[sflag:s3] =	ssyncadd.s32 $0xFFFFE0C0  }
0xf2: {  	[spmem:s2] =	stream.indirect.scatter.add.f32 [tilespmem:s4], [sflag:$0x1], $0x10, s18, s6, $0xb8;
	[tilespmem:$0x7A30] =	vst v63  }
0xf3: {  	_ =	swait.ge [sflag:s3], $0x1F40  }
0xf4: {  	[sflag:s3] =	ssyncset.done $0x0  }
0xf5: {  	[sflag:s3] =	ssyncadd.s32 $0xFFFFE0C0  }
0xf6: {  	[spmem:s2] =	stream.indirect.scatter.add.f32 [tilespmem:s4], [sflag:$0x1], $0x10, s17, s6, $0xb8;
	[tilespmem:$0x7A30] =	vst v63  }
0xf7: {  	_ =	swait.ge [sflag:s3], $0x1F40  }
0xf8: {  	[sflag:s3] =	ssyncset.done $0x0  }
0xf9: {  	[sflag:s3] =	ssyncadd.s32 $0xFFFFE0C0  }
0xfa: {  	[spmem:s2] =	stream.indirect.scatter.add.f32 [tilespmem:s4], [sflag:$0x1], $0x10, s16, s6, $0xb8;
	[tilespmem:$0x7A30] =	vst v63  }
0xfb: {  	_ =	swait.ge [sflag:s3], $0x1F40  }
0xfc: {  	[sflag:s3] =	ssyncset.done $0x0  }
0xfd: {  	[sflag:s3] =	ssyncadd.s32 $0xFFFFE0C0  }
0xfe: {  	[spmem:s2] =	stream.indirect.scatter.add.f32 [tilespmem:s4], [sflag:$0x1], $0x10, s15, s6, $0xb8;
	[tilespmem:$0x7A30] =	vst v63  }
0xff: {  	_ =	swait.ge [sflag:s3], $0x1F40  }
0x100: {  	[sflag:s3] =	ssyncset.done $0x0  }
0x101: {  	[sflag:s3] =	ssyncadd.s32 $0xFFFFE0C0  }
0x102: {  	[spmem:s2] =	stream.indirect.scatter.add.f32 [tilespmem:s4], [sflag:$0x1], $0x10, s14, s6, $0xb8;
	[tilespmem:$0x7A30] =	vst v63  }
0x103: {  	_ =	swait.ge [sflag:s3], $0x1F40  }
0x104: {  	[sflag:s3] =	ssyncset.done $0x0  }
0x105: {  	[sflag:s3] =	ssyncadd.s32 $0xFFFFE0C0  }
0x106: {  	[spmem:s2] =	stream.indirect.scatter.add.f32 [tilespmem:s4], [sflag:$0x1], $0x10, s12, s6, $0xb8;
	[tilespmem:$0x7A30] =	vst v63  }
0x107: {  	_ =	swait.ge [sflag:s3], $0x1F40  }
0x108: {  	[sflag:s3] =	ssyncset.done $0x0  }
0x109: {  	[sflag:s3] =	ssyncadd.s32 $0xFFFFE0C0  }
0x10a: {  	[spmem:s2] =	stream.indirect.scatter.add.f32 [tilespmem:s4], [sflag:$0x1], $0x10, s11, s6, $0xb8;
	[tilespmem:$0x7A30] =	vst v63  }
0x10b: {  	_ =	swait.ge [sflag:s3], $0x1F40  }
0x10c: {  	[sflag:s3] =	ssyncset.done $0x0  }
0x10d: {  	[sflag:s3] =	ssyncadd.s32 $0xFFFFE0C0  }
0x10e: {  	[spmem:s2] =	stream.indirect.scatter.add.f32 [tilespmem:s4], [sflag:$0x1], $0x10, s13, s6, $0xb8;
	[tilespmem:$0x7A30] =	vst v63  }
0x10f: {  	_ =	swait.ge [sflag:s3], $0x1F40  }
0x110: {  	[sflag:s3] =	ssyncset.done $0x0  }
0x111: {  	[sflag:s3] =	ssyncadd.s32 $0xFFFFE0C0  }
0x112: {  	[bflag:$0x0] =	sbarrier.arrive $0xFFFF  }
0x113: {  	s31 =	rddreg [dreg:$0xb]  }
0x114: {  	[hbm:s31], [sflag:s29] =	dma.local [spmem:s9], $0x190  }
0x115: {  	_ =	swait.ge [sflag:s3], $0x190  }
0x116: {  	[sflag:s3] =	ssyncset.done $0x0  }
0x117: {  	s31 =	rddreg [dreg:$0xc];
	[sflag:s3] =	ssyncadd.s32 $0xFFFFFE70  }
0x118: {  	[hbm:s31], [sflag:s29] =	dma.local [spmem:s8], $0x190  }
0x119: {  	_ =	swait.ge [sflag:s3], $0x190  }
0x11a: {  	[sflag:s3] =	ssyncset.done $0x0  }
0x11b: {  	s30 =	sadd.s32 $0xFFFFFFFF, s30;
	s31 =	rddreg [dreg:$0xd];
	[sflag:s3] =	ssyncadd.s32 $0xFFFFFE70  }
0x11c: {  	[hbm:s31], [sflag:s29] =	dma.local [spmem:s7], $0x190  }
0x11d: {  	p2 =	sne.s32 s30, $0x0;
	_ =	swait.ge [sflag:s3], $0x190  }
.Ltmp2:
0x11e: {  	[sflag:s3] =	ssyncset.done $0x0;
	(pc) =	sbr.rel @p2 .LBB2_3-.Ltmp2, $4  }
0x11f: {  	s31 =	rddreg [dreg:$0xe];
	[sflag:s3] =	ssyncadd.s32 $0xFFFFFE70  }
0x120: {  	[hbm:s31], [sflag:s29] =	dma.local @!p0 [spmem:s5], $0x190  }
0x121: {  	_ =	swait.ge @!p0 [sflag:s26], $0x190  }
0x122: {  	s31 =	rddreg [dreg:$0x4];
	[sflag:s26] =	ssyncset.done @!p0 $0x0  }
.LBB2_4:
0x123: {  	p1 =	por p0, !p1  }
0x124: {  	[sflag:s26] =	ssyncadd.s32 @!p1 $0xFFFFFE70  }
0x125: {  	[tilespmem:s4], [sflag:$0x1] =	stream.linear.gather [hbm4b:s31+s10], $0x1F40, $0x38;
	[tilespmem:$0x7A30] =	vst v63  }
0x126: {  	_ =	swait.ge [sflag:s3], $0x1F40  }
0x127: {  	[sflag:s3] =	ssyncset.done $0x0  }
0x128: {  	s31 =	rddreg [dreg:$0x5];
	[sflag:s3] =	ssyncadd.s32 $0xFFFFE0C0  }
0x129: {  	[tilespmem:s25], [sflag:$0x1] =	stream.linear.gather [hbm4b:s31+s10], $0xC80, $0x38;
	[tilespmem:$0x7A30] =	vst v63  }
0x12a: {  	_ =	swait.ge [sflag:s3], $0xC80  }
0x12b: {  	[sflag:s3] =	ssyncset.done $0x0  }
0x12c: {  	s28 =	rddreg [dreg:$0x6];
	[sflag:s3] =	ssyncadd.s32 $0xFFFFF380  }
0x12d: {  	[spmem:s28] =	stream.linear.scatter [tilespmem:s25], [sflag:$0x1], $0xC80, $0x38;
	[tilespmem:$0x7A30] =	vst v63  }
0x12e: {  	_ =	swait.ge [sflag:s3], $0xC80  }
0x12f: {  	[sflag:s3] =	ssyncset.done $0x0  }
0x130: {  	s29 =	rddreg [dreg:$0x7];
	[sflag:s3] =	ssyncadd.s32 $0xFFFFF380  }
0x131: {  	[spmem:s29] =	stream.linear.scatter [tilespmem:s25], [sflag:$0x1], $0xC80, $0x38;
	[tilespmem:$0x7A30] =	vst v63  }
0x132: {  	_ =	swait.ge [sflag:s3], $0xC80  }
0x133: {  	[sflag:s3] =	ssyncset.done $0x0  }
0x134: {  	s30 =	rddreg [dreg:$0x8];
	[sflag:s3] =	ssyncadd.s32 $0xFFFFF380  }
0x135: {  	[spmem:s30] =	stream.linear.scatter [tilespmem:s25], [sflag:$0x1], $0xC80, $0x38;
	[tilespmem:$0x7A30] =	vst v63  }
0x136: {  	_ =	swait.ge [sflag:s3], $0xC80  }
0x137: {  	[sflag:s3] =	ssyncset.done $0x0  }
0x138: {  	s26 =	simm.s32 @!p0 $0x46A0;
	s25 =	rddreg [dreg:$0x9];
	[sflag:s3] =	ssyncadd.s32 $0xFFFFF380  }
0x139: {  	[spmem:s25] =	stream.linear.scatter @!p0 [tilespmem:s26], [sflag:$0x1], $0xC80, $0x38;
	[tilespmem:$0x7A30] =	vst v63  }
0x13a: {  	s25 =	simm.s32 @!p0 $0x1  }
0x13b: {  	_ =	swait.ge @!p0 [sflag:s25], $0xC80  }
0x13c: {  	[sflag:s25] =	ssyncset.done @!p0 $0x0  }
0x13d: {  	s31 =	rddreg [dreg:$0xa];
	[sflag:s25] =	ssyncadd.s32 @!p0 $0xFFFFF380  }
0x13e: {  	[tilespmem:s10], [sflag:$0x1] =	stream.linear.gather [hbm4b:s31+s10], $0x2760, $0x38;
	[tilespmem:$0x7A30] =	vst v63  }
0x13f: {  	_ =	swait.ge [sflag:s3], $0x2760  }
0x140: {  	[sflag:s3] =	ssyncset.done $0x0  }
0x141: {  	[sflag:s3] =	ssyncadd.s32 $0xFFFFD8A0  }
0x142: {  	[bflag:$0x0] =	sbarrier.arrive $0xFFFF  }
0x143: {  	[spmem:s2] =	stream.indirect.scatter.add.f32 [tilespmem:s4], [sflag:$0x1], $0x10, s10, s6, $0xb8;
	[tilespmem:$0x7A30] =	vst v63  }
0x144: {  	_ =	swait.ge [sflag:s3], $0x1F40  }
0x145: {  	[sflag:s3] =	ssyncset.done $0x0  }
0x146: {  	s28 =	rddreg [dreg:$0xf];
	[sflag:s3] =	ssyncadd.s32 $0xFFFFE0C0  }
0x147: {  	[spmem:s2] =	stream.indirect.scatter.add.f32 [tilespmem:s4], [sflag:$0x1], $0x10, s28, s6, $0xb8;
	[tilespmem:$0x7A30] =	vst v63  }
0x148: {  	_ =	swait.ge [sflag:s3], $0x1F40  }
0x149: {  	[sflag:s3] =	ssyncset.done $0x0  }
0x14a: {  	s29 =	rddreg [dreg:$0x10];
	[sflag:s3] =	ssyncadd.s32 $0xFFFFE0C0  }
0x14b: {  	[spmem:s2] =	stream.indirect.scatter.add.f32 [tilespmem:s4], [sflag:$0x1], $0x10, s29, s6, $0xb8;
	[tilespmem:$0x7A30] =	vst v63  }
0x14c: {  	_ =	swait.ge [sflag:s3], $0x1F40  }
0x14d: {  	[sflag:s3] =	ssyncset.done $0x0  }
0x14e: {  	s30 =	rddreg [dreg:$0x11];
	[sflag:s3] =	ssyncadd.s32 $0xFFFFE0C0  }
0x14f: {  	[spmem:s2] =	stream.indirect.scatter.add.f32 [tilespmem:s4], [sflag:$0x1], $0x10, s30, s6, $0xb8;
	[tilespmem:$0x7A30] =	vst v63  }
0x150: {  	_ =	swait.ge [sflag:s3], $0x1F40  }
0x151: {  	[sflag:s3] =	ssyncset.done $0x0  }
0x152: {  	s31 =	rddreg [dreg:$0x12];
	[sflag:s3] =	ssyncadd.s32 $0xFFFFE0C0  }
0x153: {  	[spmem:s2] =	stream.indirect.scatter.add.f32 [tilespmem:s4], [sflag:$0x1], $0x10, s31, s6, $0xb8;
	[tilespmem:$0x7A30] =	vst v63  }
0x154: {  	_ =	swait.ge [sflag:s3], $0x1F40  }
0x155: {  	[sflag:s3] =	ssyncset.done $0x0  }
0x156: {  	s26 =	rddreg [dreg:$0x13];
	[sflag:s3] =	ssyncadd.s32 $0xFFFFE0C0  }
0x157: {  	[spmem:s2] =	stream.indirect.scatter.add.f32 [tilespmem:s4], [sflag:$0x1], $0x10, s26, s6, $0xb8;
	[tilespmem:$0x7A30] =	vst v63  }
0x158: {  	_ =	swait.ge [sflag:s3], $0x1F40  }
0x159: {  	[sflag:s3] =	ssyncset.done $0x0  }
0x15a: {  	[sflag:s3] =	ssyncadd.s32 $0xFFFFE0C0  }
0x15b: {  	[spmem:s2] =	stream.indirect.scatter.add.f32 [tilespmem:s4], [sflag:$0x1], $0x10, s24, s6, $0xb8;
	[tilespmem:$0x7A30] =	vst v63  }
0x15c: {  	_ =	swait.ge [sflag:s3], $0x1F40  }
0x15d: {  	[sflag:s3] =	ssyncset.done $0x0  }
0x15e: {  	[sflag:s3] =	ssyncadd.s32 $0xFFFFE0C0  }
0x15f: {  	[spmem:s2] =	stream.indirect.scatter.add.f32 [tilespmem:s4], [sflag:$0x1], $0x10, s23, s6, $0xb8;
	[tilespmem:$0x7A30] =	vst v63  }
0x160: {  	_ =	swait.ge [sflag:s3], $0x1F40  }
0x161: {  	[sflag:s3] =	ssyncset.done $0x0  }
0x162: {  	[sflag:s3] =	ssyncadd.s32 $0xFFFFE0C0  }
0x163: {  	[spmem:s2] =	stream.indirect.scatter.add.f32 [tilespmem:s4], [sflag:$0x1], $0x10, s22, s6, $0xb8;
	[tilespmem:$0x7A30] =	vst v63  }
0x164: {  	_ =	swait.ge [sflag:s3], $0x1F40  }
0x165: {  	[sflag:s3] =	ssyncset.done $0x0  }
0x166: {  	[sflag:s3] =	ssyncadd.s32 $0xFFFFE0C0  }
0x167: {  	[spmem:s2] =	stream.indirect.scatter.add.f32 [tilespmem:s4], [sflag:$0x1], $0x10, s21, s6, $0xb8;
	[tilespmem:$0x7A30] =	vst v63  }
0x168: {  	_ =	swait.ge [sflag:s3], $0x1F40  }
0x169: {  	[sflag:s3] =	ssyncset.done $0x0  }
0x16a: {  	[sflag:s3] =	ssyncadd.s32 $0xFFFFE0C0  }
0x16b: {  	[spmem:s2] =	stream.indirect.scatter.add.f32 [tilespmem:s4], [sflag:$0x1], $0x10, s20, s6, $0xb8;
	[tilespmem:$0x7A30] =	vst v63  }
0x16c: {  	_ =	swait.ge [sflag:s3], $0x1F40  }
0x16d: {  	[sflag:s3] =	ssyncset.done $0x0  }
0x16e: {  	[sflag:s3] =	ssyncadd.s32 $0xFFFFE0C0  }
0x16f: {  	[spmem:s2] =	stream.indirect.scatter.add.f32 [tilespmem:s4], [sflag:$0x1], $0x10, s19, s6, $0xb8;
	[tilespmem:$0x7A30] =	vst v63  }
0x170: {  	_ =	swait.ge [sflag:s3], $0x1F40  }
0x171: {  	[sflag:s3] =	ssyncset.done $0x0  }
0x172: {  	[sflag:s3] =	ssyncadd.s32 $0xFFFFE0C0  }
0x173: {  	[spmem:s2] =	stream.indirect.scatter.add.f32 [tilespmem:s4], [sflag:$0x1], $0x10, s18, s6, $0xb8;
	[tilespmem:$0x7A30] =	vst v63  }
0x174: {  	_ =	swait.ge [sflag:s3], $0x1F40  }
0x175: {  	[sflag:s3] =	ssyncset.done $0x0  }
0x176: {  	[sflag:s3] =	ssyncadd.s32 $0xFFFFE0C0  }
0x177: {  	[spmem:s2] =	stream.indirect.scatter.add.f32 [tilespmem:s4], [sflag:$0x1], $0x10, s17, s6, $0xb8;
	[tilespmem:$0x7A30] =	vst v63  }
0x178: {  	_ =	swait.ge [sflag:s3], $0x1F40  }
0x179: {  	[sflag:s3] =	ssyncset.done $0x0  }
0x17a: {  	[sflag:s3] =	ssyncadd.s32 $0xFFFFE0C0  }
0x17b: {  	[spmem:s2] =	stream.indirect.scatter.add.f32 [tilespmem:s4], [sflag:$0x1], $0x10, s16, s6, $0xb8;
	[tilespmem:$0x7A30] =	vst v63  }
0x17c: {  	_ =	swait.ge [sflag:s3], $0x1F40  }
0x17d: {  	[sflag:s3] =	ssyncset.done $0x0  }
0x17e: {  	[sflag:s3] =	ssyncadd.s32 $0xFFFFE0C0  }
0x17f: {  	[spmem:s2] =	stream.indirect.scatter.add.f32 [tilespmem:s4], [sflag:$0x1], $0x10, s15, s6, $0xb8;
	[tilespmem:$0x7A30] =	vst v63  }
0x180: {  	_ =	swait.ge [sflag:s3], $0x1F40  }
0x181: {  	[sflag:s3] =	ssyncset.done $0x0  }
0x182: {  	[sflag:s3] =	ssyncadd.s32 $0xFFFFE0C0  }
0x183: {  	[spmem:s2] =	stream.indirect.scatter.add.f32 [tilespmem:s4], [sflag:$0x1], $0x10, s14, s6, $0xb8;
	[tilespmem:$0x7A30] =	vst v63  }
0x184: {  	_ =	swait.ge [sflag:s3], $0x1F40  }
0x185: {  	[sflag:s3] =	ssyncset.done $0x0  }
0x186: {  	[sflag:s3] =	ssyncadd.s32 $0xFFFFE0C0  }
0x187: {  	[spmem:s2] =	stream.indirect.scatter.add.f32 [tilespmem:s4], [sflag:$0x1], $0x10, s12, s6, $0xb8;
	[tilespmem:$0x7A30] =	vst v63  }
0x188: {  	_ =	swait.ge [sflag:s3], $0x1F40  }
0x189: {  	[sflag:s3] =	ssyncset.done $0x0  }
0x18a: {  	[sflag:s3] =	ssyncadd.s32 $0xFFFFE0C0  }
0x18b: {  	[spmem:s2] =	stream.indirect.scatter.add.f32 [tilespmem:s4], [sflag:$0x1], $0x10, s11, s6, $0xb8;
	[tilespmem:$0x7A30] =	vst v63  }
0x18c: {  	_ =	swait.ge [sflag:s3], $0x1F40  }
0x18d: {  	[sflag:s3] =	ssyncset.done $0x0  }
0x18e: {  	[sflag:s3] =	ssyncadd.s32 $0xFFFFE0C0  }
0x18f: {  	[spmem:s2] =	stream.indirect.scatter.add.f32 [tilespmem:s4], [sflag:$0x1], $0x10, s13, s6, $0xb8;
	[tilespmem:$0x7A30] =	vst v63  }
0x190: {  	_ =	swait.ge [sflag:s3], $0x1F40  }
0x191: {  	[sflag:s3] =	ssyncset.done $0x0  }
0x192: {  	[sflag:s3] =	ssyncadd.s32 $0xFFFFE0C0  }
0x193: {  	s29 =	sshll.u32 s1, $0x6;
	[bflag:$0x0] =	sbarrier.arrive $0xFFFF  }
0x194: {  	s4 =	sor.u32 $0x1C01, s29;
	s28 =	rddreg [dreg:$0xb]  }
0x195: {  	[hbm:s28], [sflag:s4] =	dma.local [spmem:s9], $0x190  }
0x196: {  	_ =	swait.ge [sflag:s3], $0x190  }
0x197: {  	[sflag:s3] =	ssyncset.done $0x0  }
0x198: {  	s30 =	rddreg [dreg:$0xc];
	[sflag:s3] =	ssyncadd.s32 $0xFFFFFE70  }
0x199: {  	[hbm:s30], [sflag:s4] =	dma.local [spmem:s8], $0x190  }
0x19a: {  	_ =	swait.ge [sflag:s3], $0x190  }
0x19b: {  	[sflag:s3] =	ssyncset.done $0x0  }
0x19c: {  	s31 =	rddreg [dreg:$0xd];
	[sflag:s3] =	ssyncadd.s32 $0xFFFFFE70  }
0x19d: {  	[hbm:s31], [sflag:s4] =	dma.local [spmem:s7], $0x190  }
0x19e: {  	_ =	swait.ge [sflag:s3], $0x190  }
0x19f: {  	[sflag:s3] =	ssyncset.done $0x0  }
0x1a0: {  	s2 =	rddreg [dreg:$0xe];
	[sflag:s3] =	ssyncadd.s32 $0xFFFFFE70  }
0x1a1: {  	[hbm:s2], [sflag:s4] =	dma.local @!p0 [spmem:s5], $0x190  }
0x1a2: {  	_ =	swait.ge @!p0 [sflag:s25], $0x190  }
0x1a3: {  	[sflag:s25] =	ssyncset.done @!p0 $0x0  }
0x1a4: {  	[sflag:s25] =	ssyncadd.s32 @!p0 $0xFFFFFE70  }
0x1a5: {  	_ =	sfence.sel $0x180000  }
0x1a6: {  	[bflag:$0x0] =	sbarrier.arrive $0xFFFF  }
0x1a7: {  	p0 =	sne.s32 s1, $0x0;
	_ =	strace $0x90000047  }
0x1a8: {  	s0 =	sadd.s32 @!p0 $0x100000, s0;
	[bflag:$0x2] =	sbarrier.arrive $0xFFFF  }
0x1a9: {  	[sflag:s0] =	ssyncadd.tile.s32 @!p0 $0x1;
	_ =	shalt  }
.LBB2_1:
.Ltmp3:
0x1aa: {  	(pc) =	sbr.rel .LBB2_4-.Ltmp3, $2  }
0x1ab: {  	_ =	sdelay $0x2  }
0x1ac: {  	_ = 	snop  }
.Lfunc_end2:
_tile_overlayer_lowered:
.L_overlay_start_2:
0x1ad: {  	(tag) =	ssettag $0x2  }
0x1ae: {  	s0 =	rddreg [dreg:$0x0];
	s2 =	stileid.u32  }
0x1af: {  	s1 =	rddreg [dreg:$0x1];
	p0 =	sne.s32 s2, $0x0  }
0x1b0: {  	s3 =	rddreg [dreg:$0x2];
	[bflag:$0x3] =	sbarrier.arrive $0xFFFF;
	s2 =	simm.s32 @!p0 $0x1C01  }
0x1b1: {  	[timem:s3], [sflag:s2] =	dma.local @!p0 [hbm:s0], s1  }
0x1b2: {  	s0 =	simm.s32 @!p0 $0x1  }
0x1b3: {  	_ =	swait.ge @!p0 [sflag:s0], s1  }
0x1b4: {  	s1 =	ssub.s32 @!p0 $0x0, s1;
	[sflag:s0] =	ssyncset.done @!p0 $0x0  }
0x1b5: {  	[sflag:s0] =	ssyncadd.s32 @!p0 s1  }
0x1b6: {  	[bflag:$0x3] =	sbarrier.arrive $0xFFFF  }
0x1b7: {  	_ =	shalt  }

</sc_bundles>
